<compile_context>
chip_gen: v7x
topology: tpu7x:2x2x1
jax: 0.10.2.dev20260603
libtpu: 0.0.44.dev20260713+nightly
codegen_flags: <defaults>
</compile_context>

<pallas_src>
import functools

import jax
import jax.numpy as jnp
from jax import lax
from jax.experimental import pallas as pl
from jax.experimental.pallas import tpu as pltpu
from jax.experimental.pallas import tpu_sc as plsc

N = 10000
E = 320000
DF = 128
DH = 16
NCLS = 7

NPADROWS = 7680
NY = N + NPADROWS

NWORK = 32
GROUP = 128
GPT = 80
NBUF = 8
EPT = GPT * GROUP
EPAD = NWORK * EPT
NPAD_E = EPAD - E

DEGPAD = 10240
NACC = 10240
RPT = NACC // 16


def _mesh():
    return plsc.VectorSubcoreMesh(core_axis_name="c", subcore_axis_name="s")


def _sc_degree(dst3, zeros1):

    @functools.partial(
        pl.kernel,
        mesh=_mesh(),
        compiler_params=pltpu.CompilerParams(use_tc_tiling_on_sc=False),
        out_type=jax.ShapeDtypeStruct((2 * DEGPAD,), jnp.float32),
        scratch_types=[
            pltpu.VMEM((GPT, GROUP), jnp.int32),
            pltpu.VMEM((GROUP,), jnp.float32),
            pltpu.VMEM_SHARED((DEGPAD,), jnp.float32),
        ],
    )
    def k(dst_hbm, zeros_hbm, out_hbm, dst_v, ones_v, deg_sh):
        c = lax.axis_index("c")
        s = lax.axis_index("s")
        w = c * 16 + s
        for j in range(GROUP // 16):
            ones_v[pl.ds(j * 16, 16)] = jnp.ones((16,), jnp.float32)
        pltpu.sync_copy(zeros_hbm.at[pl.ds(s * 640, 640)],
                        deg_sh.at[pl.ds(s * 640, 640)])
        pltpu.sync_copy(dst_hbm.at[w], dst_v)
        plsc.subcore_barrier()

        def body(g, carry):
            pltpu.sync_copy(ones_v, deg_sh.at[dst_v.at[g]], add=True)
            return carry

        lax.fori_loop(0, GPT, body, 0)
        plsc.subcore_barrier()
        pltpu.sync_copy(deg_sh.at[pl.ds(s * 640, 640)],
                        out_hbm.at[pl.ds(c * DEGPAD + s * 640, 640)])

    return k(dst3, zeros1)


def _sc_aggregate(y, src3, dst3, zeros2):

    @functools.partial(
        pl.kernel,
        mesh=_mesh(),
        compiler_params=pltpu.CompilerParams(use_tc_tiling_on_sc=False),
        out_type=jax.ShapeDtypeStruct((2 * NACC, DH), jnp.float32),
        scratch_types=[
            pltpu.VMEM((GPT, GROUP), jnp.int32),
            pltpu.VMEM((GPT, GROUP), jnp.int32),
            pltpu.VMEM((NBUF, GROUP, DH), jnp.float32),
            pltpu.VMEM_SHARED((NACC, DH), jnp.float32),
            pltpu.SemaphoreType.DMA((NBUF,)),
            pltpu.SemaphoreType.DMA((NBUF,)),
        ],
    )
    def k(y_hbm, src_hbm, dst_hbm, zeros_hbm, out_hbm,
          src_v, dst_v, rows_v, acc_sh, gsem, ssem):
        c = lax.axis_index("c")
        s = lax.axis_index("s")
        w = c * 16 + s
        pltpu.sync_copy(zeros_hbm.at[pl.ds(s * RPT, RPT)],
                        acc_sh.at[pl.ds(s * RPT, RPT)])
        pltpu.sync_copy(src_hbm.at[w], src_v)
        pltpu.sync_copy(dst_hbm.at[w], dst_v)
        plsc.subcore_barrier()

        nsup = GPT // NBUF
        for b in range(NBUF):
            pltpu.async_copy(y_hbm.at[src_v.at[b]], rows_v.at[b], gsem.at[b])

        def body(step, carry):
            g0 = step * NBUF
            for b in range(NBUF):
                pltpu.make_async_copy(y_hbm.at[src_v.at[g0 + b]],
                                      rows_v.at[b], gsem.at[b]).wait()
                pltpu.async_copy(rows_v.at[b], acc_sh.at[dst_v.at[g0 + b]],
                                 ssem.at[b], add=True)
            for b in range(NBUF):
                pltpu.make_async_copy(rows_v.at[b],
                                      acc_sh.at[dst_v.at[g0 + b]],
                                      ssem.at[b]).wait()

                @pl.when(step < nsup - 1)
                def _():
                    pltpu.async_copy(y_hbm.at[src_v.at[g0 + NBUF + b]],
                                     rows_v.at[b], gsem.at[b])
            return carry

        lax.fori_loop(0, GPT // NBUF, body, 0)
        plsc.subcore_barrier()
        pltpu.sync_copy(acc_sh.at[pl.ds(s * RPT, RPT)],
                        out_hbm.at[pl.ds(c * NACC + s * RPT, RPT)])

    return k(y, src3, dst3, zeros2)


def _dinv(cnt_ref):
    deg = jnp.sum(cnt_ref[...], axis=1, keepdims=True) + 1.0
    row = lax.broadcasted_iota(jnp.int32, (N, 1), 0)
    deg = deg - jnp.where(row < NPAD_E, 1.0, 0.0)
    return lax.rsqrt(deg)


def _tc_pre(x, W1, cnt2):
    def body(x_ref, w_ref, cnt_ref, y_ref):
        dinv = _dinv(cnt_ref)
        xw = jnp.dot(x_ref[...], w_ref[...], preferred_element_type=jnp.float32)
        y_ref[pl.ds(0, N), :] = xw * dinv
        y_ref[pl.ds(N, NPADROWS), :] = jnp.zeros((NPADROWS, DH), jnp.float32)

    return pl.pallas_call(
        body, out_shape=jax.ShapeDtypeStruct((NY, DH), jnp.float32)
    )(x, W1, cnt2)


def _tc_mid(cnt2, y1, a0, a1, b1, W2p):
    def body(cnt_ref, y1_ref, a0_ref, a1_ref, b1_ref, w2_ref, y2_ref):
        dinv = _dinv(cnt_ref)
        out1 = (a0_ref[...] + a1_ref[...] + y1_ref[pl.ds(0, N), :]) * dinv
        h = jnp.maximum(out1 + b1_ref[...], 0.0)
        z = jnp.dot(h, w2_ref[...], preferred_element_type=jnp.float32)
        y2_ref[pl.ds(0, N), :] = z * dinv
        y2_ref[pl.ds(N, NPADROWS), :] = jnp.zeros((NPADROWS, DH), jnp.float32)

    return pl.pallas_call(
        body, out_shape=jax.ShapeDtypeStruct((NY, DH), jnp.float32)
    )(cnt2, y1, a0, a1, b1, W2p)


def _tc_post(cnt2, y2, a0, a1, b2p):
    def body(cnt_ref, y2_ref, a0_ref, a1_ref, b2_ref, o_ref):
        dinv = _dinv(cnt_ref)
        out2 = (a0_ref[...] + a1_ref[...] + y2_ref[pl.ds(0, N), :]) * dinv
        out2 = out2 + b2_ref[...]
        col = lax.broadcasted_iota(jnp.int32, (N, DH), 1)
        vals = jnp.where(col < NCLS, out2, -1e30)
        mx = jnp.max(vals, axis=1, keepdims=True)
        ex = jnp.exp(vals - mx)
        lse = mx + jnp.log(jnp.sum(ex, axis=1, keepdims=True))
        o_ref[...] = (out2 - lse)[:, 0:NCLS]

    return pl.pallas_call(
        body, out_shape=jax.ShapeDtypeStruct((N, NCLS), jnp.float32)
    )(cnt2, y2, a0, a1, b2p)


def kernel(x, edge_index, W1, b1, W2, b2):
    ei = edge_index.astype(jnp.int32)
    pad_src = jnp.arange(NPAD_E, dtype=jnp.int32) + N
    pad_dst = jnp.arange(NPAD_E, dtype=jnp.int32) % N
    src3 = jnp.concatenate([ei[0], pad_src]).reshape(NWORK, GPT, GROUP)
    dst3 = jnp.concatenate([ei[1], pad_dst]).reshape(NWORK, GPT, GROUP)
    zeros1 = jnp.zeros((DEGPAD,), jnp.float32)
    zeros2 = jnp.zeros((NACC, DH), jnp.float32)
    W2p = jnp.zeros((DH, DH), jnp.float32).at[:, :NCLS].set(W2)
    b2p = jnp.zeros((DH,), jnp.float32).at[:NCLS].set(b2)

    cnt = _sc_degree(dst3, zeros1)
    cnt2 = cnt.reshape(2, DEGPAD)[:, :N].T

    y1 = _tc_pre(x, W1, cnt2)
    agg1 = _sc_aggregate(y1, src3, dst3, zeros2)
    y2 = _tc_mid(cnt2, y1, agg1[:N], agg1[NACC:NACC + N], b1, W2p)
    agg2 = _sc_aggregate(y2, src3, dst3, zeros2)
    return _tc_post(cnt2, y2, agg2[:N], agg2[NACC:NACC + N], b2p)

# --- scband reference (transcript-rebuilt; emitter-appended) ---
"""Pipeline reference for scband-net-22582938042866 (READ-ONLY COPY).

The authoritative reference and input builder live on the scoring server;
editing this copy changes nothing except your own understanding.
"""

import jax, jax.numpy as jnp
import numpy as np

N_NODES = 10000
N_EDGES = 320000
D_FEAT = 128
D_HID = 16
N_CLS = 7

def setup_inputs(seed: int = 0) -> dict:
    key = jax.random.key(seed)
    k1, k2, k3, k4, k5, k6 = jax.random.split(key, 6)
    x = jax.random.normal(k1, (N_NODES, D_FEAT), dtype=jnp.float32)
    edge_index = jax.random.randint(k2, (2, N_EDGES), 0, N_NODES, dtype=jnp.int64)
    # Glorot-style init for GCN weights
    W1 = jax.random.normal(k3, (D_FEAT, D_HID), dtype=jnp.float32) * (1.0 / np.sqrt(D_FEAT))
    b1 = jnp.zeros((D_HID,), dtype=jnp.float32)
    W2 = jax.random.normal(k4, (D_HID, N_CLS), dtype=jnp.float32) * (1.0 / np.sqrt(D_HID))
    b2 = jnp.zeros((N_CLS,), dtype=jnp.float32)
    return {"x": x, "edge_index": edge_index, "W1": W1, "b1": b1, "W2": W2, "b2": b2}

def _gcn_conv(x, src, dst, W, b, n_nodes):
    # x' = D^{-1/2} (A + I) D^{-1/2} X W + b  (GCNConv with self-loops, sym norm)
    xw = x @ W
    deg = jnp.zeros((n_nodes,), dtype=jnp.float32).at[dst].add(1.0)
    dinv = jnp.where(deg > 0, 1.0 / jnp.sqrt(deg), 0.0)
    norm = dinv[src] * dinv[dst]
    msg = xw[src] * norm[:, None]
    out = jax.ops.segment_sum(msg, dst, num_segments=n_nodes)
    return out + b

def reference(x, edge_index, W1, b1, W2, b2):
    n = x.shape[0]
    loop = jnp.arange(n, dtype=edge_index.dtype)
    src = jnp.concatenate([edge_index[0], loop])
    dst = jnp.concatenate([edge_index[1], loop])
    h = _gcn_conv(x, src, dst, W1, b1, n)
    h = jax.nn.relu(h)
    # dropout is identity in eval mode (training=False)
    out = _gcn_conv(h, src, dst, W2, b2, n)
    return jax.nn.log_softmax(out, axis=1)

if __name__ == "__main__":
    import jax
    _d = setup_inputs()
    print(jax.jit(kernel)(*tuple(_d.values())))

</pallas_src>

<mosaic_0001>
#map = affine_map<(d0, d1) -> (0, 0, 0)>
#map1 = affine_map<(d0, d1) -> (0)>
module attributes {stable_mosaic.version = 14 : i64} {
  func.func @k(%arg0: i32, %arg1: i32, %arg2: memref<32x80x128xi32, #tpu.memory_space<hbm>>, %arg3: memref<10240xf32, #tpu.memory_space<hbm>>, %arg4: memref<20480xf32, #tpu.memory_space<hbm>>, %arg5: memref<80x128xi32, #tpu.memory_space<vmem>>, %arg6: memref<128xf32, #tpu.memory_space<vmem>>, %arg7: memref<10240xf32, #tpu.memory_space<vmem_shared>>) attributes {dimension_semantics = [#tpu.dimension_semantics<core_parallel>, #tpu.dimension_semantics<subcore_parallel>], iteration_bounds = array<i64: 2, 16>, scalar_prefetch = 0 : i64, scratch_operands = 3 : i64, tpu.core_type = #tpu.core_type<sc_vector_subcore>, window_params = [{transform_indices = #map}, {transform_indices = #map1}, {transform_indices = #map1}]} {
    %mul3A = arith.constant 16 : i32
    %mul3A_0 = arith.muli %arg0, %mul3A : i32
    %add3A = arith.addi %mul3A_0, %arg1 : i32
    %broadcast_in_dim3A = arith.constant 1.000000e+00 : f32
    %broadcast_in_dim3A_1 = vector.broadcast %broadcast_in_dim3A : f32 to vector<16xf32>
    %swap3A = arith.constant 0 : index
    %swap3A_2 = tpu.vector_load %arg6[%swap3A] {strides = array<i32>} : memref<128xf32, #tpu.memory_space<vmem>>, vector<16xf32>,
    %swap3A_3 = vector.shape_cast %swap3A_2 : vector<16xf32> to vector<16xf32>
    %swap3A_4 = vector.shape_cast %broadcast_in_dim3A_1 : vector<16xf32> to vector<16xf32>
    tpu.vector_store %arg6[%swap3A], %swap3A_4 {strides = array<i32>} : memref<128xf32, #tpu.memory_space<vmem>>, vector<16xf32>,
    %broadcast_in_dim3A_5 = arith.constant 1.000000e+00 : f32
    %broadcast_in_dim3A_6 = vector.broadcast %broadcast_in_dim3A_5 : f32 to vector<16xf32>
    %swap3A_7 = arith.constant 16 : index
    %swap3A_8 = tpu.vector_load %arg6[%swap3A_7] {strides = array<i32>} : memref<128xf32, #tpu.memory_space<vmem>>, vector<16xf32>,
    %swap3A_9 = vector.shape_cast %swap3A_8 : vector<16xf32> to vector<16xf32>
    %swap3A_10 = vector.shape_cast %broadcast_in_dim3A_6 : vector<16xf32> to vector<16xf32>
    tpu.vector_store %arg6[%swap3A_7], %swap3A_10 {strides = array<i32>} : memref<128xf32, #tpu.memory_space<vmem>>, vector<16xf32>,
    %broadcast_in_dim3A_11 = arith.constant 1.000000e+00 : f32
    %broadcast_in_dim3A_12 = vector.broadcast %broadcast_in_dim3A_11 : f32 to vector<16xf32>
    %swap3A_13 = arith.constant 32 : index
    %swap3A_14 = tpu.vector_load %arg6[%swap3A_13] {strides = array<i32>} : memref<128xf32, #tpu.memory_space<vmem>>, vector<16xf32>,
    %swap3A_15 = vector.shape_cast %swap3A_14 : vector<16xf32> to vector<16xf32>
    %swap3A_16 = vector.shape_cast %broadcast_in_dim3A_12 : vector<16xf32> to vector<16xf32>
    tpu.vector_store %arg6[%swap3A_13], %swap3A_16 {strides = array<i32>} : memref<128xf32, #tpu.memory_space<vmem>>, vector<16xf32>,
    %broadcast_in_dim3A_17 = arith.constant 1.000000e+00 : f32
    %broadcast_in_dim3A_18 = vector.broadcast %broadcast_in_dim3A_17 : f32 to vector<16xf32>
    %swap3A_19 = arith.constant 48 : index
    %swap3A_20 = tpu.vector_load %arg6[%swap3A_19] {strides = array<i32>} : memref<128xf32, #tpu.memory_space<vmem>>, vector<16xf32>,
    %swap3A_21 = vector.shape_cast %swap3A_20 : vector<16xf32> to vector<16xf32>
    %swap3A_22 = vector.shape_cast %broadcast_in_dim3A_18 : vector<16xf32> to vector<16xf32>
    tpu.vector_store %arg6[%swap3A_19], %swap3A_22 {strides = array<i32>} : memref<128xf32, #tpu.memory_space<vmem>>, vector<16xf32>,
    %broadcast_in_dim3A_23 = arith.constant 1.000000e+00 : f32
    %broadcast_in_dim3A_24 = vector.broadcast %broadcast_in_dim3A_23 : f32 to vector<16xf32>
    %swap3A_25 = arith.constant 64 : index
    %swap3A_26 = tpu.vector_load %arg6[%swap3A_25] {strides = array<i32>} : memref<128xf32, #tpu.memory_space<vmem>>, vector<16xf32>,
    %swap3A_27 = vector.shape_cast %swap3A_26 : vector<16xf32> to vector<16xf32>
    %swap3A_28 = vector.shape_cast %broadcast_in_dim3A_24 : vector<16xf32> to vector<16xf32>
    tpu.vector_store %arg6[%swap3A_25], %swap3A_28 {strides = array<i32>} : memref<128xf32, #tpu.memory_space<vmem>>, vector<16xf32>,
    %broadcast_in_dim3A_29 = arith.constant 1.000000e+00 : f32
    %broadcast_in_dim3A_30 = vector.broadcast %broadcast_in_dim3A_29 : f32 to vector<16xf32>
    %swap3A_31 = arith.constant 80 : index
    %swap3A_32 = tpu.vector_load %arg6[%swap3A_31] {strides = array<i32>} : memref<128xf32, #tpu.memory_space<vmem>>, vector<16xf32>,
    %swap3A_33 = vector.shape_cast %swap3A_32 : vector<16xf32> to vector<16xf32>
    %swap3A_34 = vector.shape_cast %broadcast_in_dim3A_30 : vector<16xf32> to vector<16xf32>
    tpu.vector_store %arg6[%swap3A_31], %swap3A_34 {strides = array<i32>} : memref<128xf32, #tpu.memory_space<vmem>>, vector<16xf32>,
    %broadcast_in_dim3A_35 = arith.constant 1.000000e+00 : f32
    %broadcast_in_dim3A_36 = vector.broadcast %broadcast_in_dim3A_35 : f32 to vector<16xf32>
    %swap3A_37 = arith.constant 96 : index
    %swap3A_38 = tpu.vector_load %arg6[%swap3A_37] {strides = array<i32>} : memref<128xf32, #tpu.memory_space<vmem>>, vector<16xf32>,
    %swap3A_39 = vector.shape_cast %swap3A_38 : vector<16xf32> to vector<16xf32>
    %swap3A_40 = vector.shape_cast %broadcast_in_dim3A_36 : vector<16xf32> to vector<16xf32>
    tpu.vector_store %arg6[%swap3A_37], %swap3A_40 {strides = array<i32>} : memref<128xf32, #tpu.memory_space<vmem>>, vector<16xf32>,
    %broadcast_in_dim3A_41 = arith.constant 1.000000e+00 : f32
    %broadcast_in_dim3A_42 = vector.broadcast %broadcast_in_dim3A_41 : f32 to vector<16xf32>
    %swap3A_43 = arith.constant 112 : index
    %swap3A_44 = tpu.vector_load %arg6[%swap3A_43] {strides = array<i32>} : memref<128xf32, #tpu.memory_space<vmem>>, vector<16xf32>,
    %swap3A_45 = vector.shape_cast %swap3A_44 : vector<16xf32> to vector<16xf32>
    %swap3A_46 = vector.shape_cast %broadcast_in_dim3A_42 : vector<16xf32> to vector<16xf32>
    tpu.vector_store %arg6[%swap3A_43], %swap3A_46 {strides = array<i32>} : memref<128xf32, #tpu.memory_space<vmem>>, vector<16xf32>,
    %mul3A_47 = arith.constant 640 : i32
    %mul3A_48 = arith.muli %arg1, %mul3A_47 : i32
    %mul3A_49 = arith.constant 640 : i32
    %mul3A_50 = arith.muli %arg1, %mul3A_49 : i32
    "tpu.region"() ({
      %run_scoped3A = tpu.sem_alloc : memref<!tpu.dma_semaphore, #tpu.memory_space<semaphore_mem>>
      %dma_start3A = tpu.memref_slice %arg7[%mul3A_50] : memref<10240xf32, #tpu.memory_space<vmem_shared>> -> memref<640xf32, #tpu.memory_space<vmem_shared>>
      %dma_start3A_64 = tpu.memref_slice %arg3[%mul3A_48] : memref<10240xf32, #tpu.memory_space<hbm>> -> memref<640xf32, #tpu.memory_space<hbm>>
      tpu.enqueue_dma source(%dma_start3A_64 : memref<640xf32, #tpu.memory_space<hbm>>) target(%dma_start3A : memref<640xf32, #tpu.memory_space<vmem_shared>>) target_semaphore(%run_scoped3A : memref<!tpu.dma_semaphore, #tpu.memory_space<semaphore_mem>>)
      %dma_wait3A = tpu.memref_slice %arg7[%mul3A_50] : memref<10240xf32, #tpu.memory_space<vmem_shared>> -> memref<640xf32, #tpu.memory_space<vmem_shared>>
      %dma_wait3A_65 = tpu.memref_slice %arg3[%mul3A_48] : memref<10240xf32, #tpu.memory_space<hbm>> -> memref<640xf32, #tpu.memory_space<hbm>>
      tpu.wait_dma2 semaphore(%run_scoped3A : memref<!tpu.dma_semaphore, #tpu.memory_space<semaphore_mem>>) src(%dma_wait3A_65 : memref<640xf32, #tpu.memory_space<hbm>>) dst(%dma_wait3A : memref<640xf32, #tpu.memory_space<vmem_shared>>)
      tpu.yield
    }) : () -> ()
    "tpu.region"() ({
      %run_scoped3A = tpu.sem_alloc : memref<!tpu.dma_semaphore, #tpu.memory_space<semaphore_mem>>
      %dma_start3A = arith.constant 0 : i32
      %dma_start3A_64 = arith.constant 0 : i32
      %dma_start3A_65 = tpu.memref_slice %arg2[%add3A, %dma_start3A, %dma_start3A_64] : memref<32x80x128xi32, #tpu.memory_space<hbm>> -> memref<1x80x128xi32, #tpu.memory_space<hbm>>
      %dma_start3A_66 = tpu.memref_squeeze %dma_start3A_65 : memref<1x80x128xi32, #tpu.memory_space<hbm>> -> memref<80x128xi32, #tpu.memory_space<hbm>>
      %dma_start3A_67 = arith.constant 0 : i32
      %dma_start3A_68 = arith.constant 0 : i32
      %dma_start3A_69 = tpu.memref_slice %arg2[%add3A, %dma_start3A_67, %dma_start3A_68] : memref<32x80x128xi32, #tpu.memory_space<hbm>> -> memref<1x80x128xi32, #tpu.memory_space<hbm>>
      %dma_start3A_70 = tpu.memref_squeeze %dma_start3A_69 : memref<1x80x128xi32, #tpu.memory_space<hbm>> -> memref<80x128xi32, #tpu.memory_space<hbm>>
      tpu.enqueue_dma source(%dma_start3A_70 : memref<80x128xi32, #tpu.memory_space<hbm>>) target(%arg5 : memref<80x128xi32, #tpu.memory_space<vmem>>) target_semaphore(%run_scoped3A : memref<!tpu.dma_semaphore, #tpu.memory_space<semaphore_mem>>)
      %dma_wait3A = arith.constant 0 : i32
      %dma_wait3A_71 = arith.constant 0 : i32
      %dma_wait3A_72 = tpu.memref_slice %arg2[%add3A, %dma_wait3A, %dma_wait3A_71] : memref<32x80x128xi32, #tpu.memory_space<hbm>> -> memref<1x80x128xi32, #tpu.memory_space<hbm>>
      %dma_wait3A_73 = tpu.memref_squeeze %dma_wait3A_72 : memref<1x80x128xi32, #tpu.memory_space<hbm>> -> memref<80x128xi32, #tpu.memory_space<hbm>>
      %dma_wait3A_74 = arith.constant 0 : i32
      %dma_wait3A_75 = arith.constant 0 : i32
      %dma_wait3A_76 = tpu.memref_slice %arg2[%add3A, %dma_wait3A_74, %dma_wait3A_75] : memref<32x80x128xi32, #tpu.memory_space<hbm>> -> memref<1x80x128xi32, #tpu.memory_space<hbm>>
      %dma_wait3A_77 = tpu.memref_squeeze %dma_wait3A_76 : memref<1x80x128xi32, #tpu.memory_space<hbm>> -> memref<80x128xi32, #tpu.memory_space<hbm>>
      tpu.wait_dma2 semaphore(%run_scoped3A : memref<!tpu.dma_semaphore, #tpu.memory_space<semaphore_mem>>) src(%dma_wait3A_77 : memref<80x128xi32, #tpu.memory_space<hbm>>) dst(%arg5 : memref<80x128xi32, #tpu.memory_space<vmem>>)
      tpu.yield
    }) : () -> ()
    %barrier3A = arith.constant 0 : index
    tpu.barrier barrier_id(%barrier3A)
    %scan3A = arith.constant 0 : i32
    %scan3A_51 = arith.constant 0 : i32
    %scan3A_52 = arith.constant 80 : i32
    %scan3A_53 = arith.addi %scan3A_51, %scan3A_52 : i32
    %scan3A_54 = arith.constant 1 : i32
    scf.for %scan3A_64 = %scan3A_51 to %scan3A_53 step %scan3A_54  : i32 {
      "tpu.region"() ({
        %run_scoped3A = tpu.sem_alloc : memref<!tpu.dma_semaphore, #tpu.memory_space<semaphore_mem>>
        %dma_start3A = arith.constant 0 : i32
        %dma_start3A_65 = tpu.memref_slice %arg5[%scan3A_64, %dma_start3A] : memref<80x128xi32, #tpu.memory_space<vmem>> -> memref<1x128xi32, #tpu.memory_space<vmem>>
        %dma_start3A_66 = tpu.memref_squeeze %dma_start3A_65 : memref<1x128xi32, #tpu.memory_space<vmem>> -> memref<128xi32, #tpu.memory_space<vmem>>
        %dma_start3A_67 = arith.constant 0 : i32
        %dma_start3A_68 = tpu.memref_slice %arg7[%dma_start3A_67] : memref<10240xf32, #tpu.memory_space<vmem_shared>> -> memref<10240xf32, #tpu.memory_space<vmem_shared>>
        tpu.enqueue_indirect_dma source(%arg6 : memref<128xf32, #tpu.memory_space<vmem>>) target(%dma_start3A_68 : memref<10240xf32, #tpu.memory_space<vmem_shared>>) offsets(%dma_start3A_66 : memref<128xi32, #tpu.memory_space<vmem>>) semaphore(%run_scoped3A : memref<!tpu.dma_semaphore, #tpu.memory_space<semaphore_mem>>) {add = true}
        %dma_wait3A = arith.constant 0 : i32
        %dma_wait3A_69 = tpu.memref_slice %arg5[%scan3A_64, %dma_wait3A] : memref<80x128xi32, #tpu.memory_space<vmem>> -> memref<1x128xi32, #tpu.memory_space<vmem>>
        %dma_wait3A_70 = tpu.memref_squeeze %dma_wait3A_69 : memref<1x128xi32, #tpu.memory_space<vmem>> -> memref<128xi32, #tpu.memory_space<vmem>>
        %dma_wait3A_71 = arith.constant 0 : i32
        %dma_wait3A_72 = tpu.memref_slice %arg7[%dma_wait3A_71] : memref<10240xf32, #tpu.memory_space<vmem_shared>> -> memref<10240xf32, #tpu.memory_space<vmem_shared>>
        tpu.wait_indirect_dma semaphore(%run_scoped3A : memref<!tpu.dma_semaphore, #tpu.memory_space<semaphore_mem>>) src(%arg6 : memref<128xf32, #tpu.memory_space<vmem>>) dst(%dma_wait3A_72 : memref<10240xf32, #tpu.memory_space<vmem_shared>>)
        tpu.yield
      }) : () -> ()
    }
    %scan3A_55 = arith.constant 80 : i32
    %barrier3A_56 = arith.constant 0 : index
    tpu.barrier barrier_id(%barrier3A_56)
    %mul3A_57 = arith.constant 640 : i32
    %mul3A_58 = arith.muli %arg1, %mul3A_57 : i32
    %mul3A_59 = arith.constant 10240 : i32
    %mul3A_60 = arith.muli %arg0, %mul3A_59 : i32
    %mul3A_61 = arith.constant 640 : i32
    %mul3A_62 = arith.muli %arg1, %mul3A_61 : i32
    %add3A_63 = arith.addi %mul3A_60, %mul3A_62 : i32
    "tpu.region"() ({
      %run_scoped3A = tpu.sem_alloc : memref<!tpu.dma_semaphore, #tpu.memory_space<semaphore_mem>>
      %dma_start3A = tpu.memref_slice %arg4[%add3A_63] : memref<20480xf32, #tpu.memory_space<hbm>> -> memref<640xf32, #tpu.memory_space<hbm>>
      %dma_start3A_64 = tpu.memref_slice %arg7[%mul3A_58] : memref<10240xf32, #tpu.memory_space<vmem_shared>> -> memref<640xf32, #tpu.memory_space<vmem_shared>>
      tpu.enqueue_dma source(%dma_start3A_64 : memref<640xf32, #tpu.memory_space<vmem_shared>>) target(%dma_start3A : memref<640xf32, #tpu.memory_space<hbm>>) target_semaphore(%run_scoped3A : memref<!tpu.dma_semaphore, #tpu.memory_space<semaphore_mem>>)
      %dma_wait3A = tpu.memref_slice %arg4[%add3A_63] : memref<20480xf32, #tpu.memory_space<hbm>> -> memref<640xf32, #tpu.memory_space<hbm>>
      %dma_wait3A_65 = tpu.memref_slice %arg7[%mul3A_58] : memref<10240xf32, #tpu.memory_space<vmem_shared>> -> memref<640xf32, #tpu.memory_space<vmem_shared>>
      tpu.wait_dma2 semaphore(%run_scoped3A : memref<!tpu.dma_semaphore, #tpu.memory_space<semaphore_mem>>) src(%dma_wait3A_65 : memref<640xf32, #tpu.memory_space<vmem_shared>>) dst(%dma_wait3A : memref<640xf32, #tpu.memory_space<hbm>>)
      tpu.yield
    }) : () -> ()
    return
  }
}

#map = affine_map<(d0, d1) -> (0, 0)>
#map1 = affine_map<(d0, d1) -> (0, 0, 0)>
module attributes {stable_mosaic.version = 14 : i64} {
  func.func @k(%arg0: i32, %arg1: i32, %arg2: memref<17680x16xf32, #tpu.memory_space<hbm>>, %arg3: memref<32x80x128xi32, #tpu.memory_space<hbm>>, %arg4: memref<32x80x128xi32, #tpu.memory_space<hbm>>, %arg5: memref<10240x16xf32, #tpu.memory_space<hbm>>, %arg6: memref<20480x16xf32, #tpu.memory_space<hbm>>, %arg7: memref<80x128xi32, #tpu.memory_space<vmem>>, %arg8: memref<80x128xi32, #tpu.memory_space<vmem>>, %arg9: memref<8x128x16xf32, #tpu.memory_space<vmem>>, %arg10: memref<10240x16xf32, #tpu.memory_space<vmem_shared>>, %arg11: memref<8x!tpu.dma_semaphore, #tpu.memory_space<semaphore_mem>>, %arg12: memref<8x!tpu.dma_semaphore, #tpu.memory_space<semaphore_mem>>) attributes {dimension_semantics = [#tpu.dimension_semantics<core_parallel>, #tpu.dimension_semantics<subcore_parallel>], iteration_bounds = array<i64: 2, 16>, scalar_prefetch = 0 : i64, scratch_operands = 6 : i64, tpu.core_type = #tpu.core_type<sc_vector_subcore>, window_params = [{transform_indices = #map}, {transform_indices = #map1}, {transform_indices = #map1}, {transform_indices = #map}, {transform_indices = #map}]} {
    %mul3A = arith.constant 16 : i32
    %mul3A_0 = arith.muli %arg0, %mul3A : i32
    %add3A = arith.addi %mul3A_0, %arg1 : i32
    %mul3A_1 = arith.constant 640 : i32
    %mul3A_2 = arith.muli %arg1, %mul3A_1 : i32
    %mul3A_3 = arith.constant 640 : i32
    %mul3A_4 = arith.muli %arg1, %mul3A_3 : i32
    "tpu.region"() ({
      %run_scoped3A = tpu.sem_alloc : memref<!tpu.dma_semaphore, #tpu.memory_space<semaphore_mem>>
      %dma_start3A_137 = arith.constant 0 : i32
      %dma_start3A_138 = tpu.memref_slice %arg10[%mul3A_4, %dma_start3A_137] : memref<10240x16xf32, #tpu.memory_space<vmem_shared>> -> memref<640x16xf32, #tpu.memory_space<vmem_shared>>
      %dma_start3A_139 = arith.constant 0 : i32
      %dma_start3A_140 = tpu.memref_slice %arg5[%mul3A_2, %dma_start3A_139] : memref<10240x16xf32, #tpu.memory_space<hbm>> -> memref<640x16xf32, #tpu.memory_space<hbm>>
      tpu.enqueue_dma source(%dma_start3A_140 : memref<640x16xf32, #tpu.memory_space<hbm>>) target(%dma_start3A_138 : memref<640x16xf32, #tpu.memory_space<vmem_shared>>) target_semaphore(%run_scoped3A : memref<!tpu.dma_semaphore, #tpu.memory_space<semaphore_mem>>)
      %dma_wait3A = arith.constant 0 : i32
      %dma_wait3A_141 = tpu.memref_slice %arg10[%mul3A_4, %dma_wait3A] : memref<10240x16xf32, #tpu.memory_space<vmem_shared>> -> memref<640x16xf32, #tpu.memory_space<vmem_shared>>
      %dma_wait3A_142 = arith.constant 0 : i32
      %dma_wait3A_143 = tpu.memref_slice %arg5[%mul3A_2, %dma_wait3A_142] : memref<10240x16xf32, #tpu.memory_space<hbm>> -> memref<640x16xf32, #tpu.memory_space<hbm>>
      tpu.wait_dma2 semaphore(%run_scoped3A : memref<!tpu.dma_semaphore, #tpu.memory_space<semaphore_mem>>) src(%dma_wait3A_143 : memref<640x16xf32, #tpu.memory_space<hbm>>) dst(%dma_wait3A_141 : memref<640x16xf32, #tpu.memory_space<vmem_shared>>)
      tpu.yield
    }) : () -> ()
    "tpu.region"() ({
      %run_scoped3A = tpu.sem_alloc : memref<!tpu.dma_semaphore, #tpu.memory_space<semaphore_mem>>
      %dma_start3A_137 = arith.constant 0 : i32
      %dma_start3A_138 = arith.constant 0 : i32
      %dma_start3A_139 = tpu.memref_slice %arg3[%add3A, %dma_start3A_137, %dma_start3A_138] : memref<32x80x128xi32, #tpu.memory_space<hbm>> -> memref<1x80x128xi32, #tpu.memory_space<hbm>>
      %dma_start3A_140 = tpu.memref_squeeze %dma_start3A_139 : memref<1x80x128xi32, #tpu.memory_space<hbm>> -> memref<80x128xi32, #tpu.memory_space<hbm>>
      %dma_start3A_141 = arith.constant 0 : i32
      %dma_start3A_142 = arith.constant 0 : i32
      %dma_start3A_143 = tpu.memref_slice %arg3[%add3A, %dma_start3A_141, %dma_start3A_142] : memref<32x80x128xi32, #tpu.memory_space<hbm>> -> memref<1x80x128xi32, #tpu.memory_space<hbm>>
      %dma_start3A_144 = tpu.memref_squeeze %dma_start3A_143 : memref<1x80x128xi32, #tpu.memory_space<hbm>> -> memref<80x128xi32, #tpu.memory_space<hbm>>
      tpu.enqueue_dma source(%dma_start3A_144 : memref<80x128xi32, #tpu.memory_space<hbm>>) target(%arg7 : memref<80x128xi32, #tpu.memory_space<vmem>>) target_semaphore(%run_scoped3A : memref<!tpu.dma_semaphore, #tpu.memory_space<semaphore_mem>>)
      %dma_wait3A = arith.constant 0 : i32
      %dma_wait3A_145 = arith.constant 0 : i32
      %dma_wait3A_146 = tpu.memref_slice %arg3[%add3A, %dma_wait3A, %dma_wait3A_145] : memref<32x80x128xi32, #tpu.memory_space<hbm>> -> memref<1x80x128xi32, #tpu.memory_space<hbm>>
      %dma_wait3A_147 = tpu.memref_squeeze %dma_wait3A_146 : memref<1x80x128xi32, #tpu.memory_space<hbm>> -> memref<80x128xi32, #tpu.memory_space<hbm>>
      %dma_wait3A_148 = arith.constant 0 : i32
      %dma_wait3A_149 = arith.constant 0 : i32
      %dma_wait3A_150 = tpu.memref_slice %arg3[%add3A, %dma_wait3A_148, %dma_wait3A_149] : memref<32x80x128xi32, #tpu.memory_space<hbm>> -> memref<1x80x128xi32, #tpu.memory_space<hbm>>
      %dma_wait3A_151 = tpu.memref_squeeze %dma_wait3A_150 : memref<1x80x128xi32, #tpu.memory_space<hbm>> -> memref<80x128xi32, #tpu.memory_space<hbm>>
      tpu.wait_dma2 semaphore(%run_scoped3A : memref<!tpu.dma_semaphore, #tpu.memory_space<semaphore_mem>>) src(%dma_wait3A_151 : memref<80x128xi32, #tpu.memory_space<hbm>>) dst(%arg7 : memref<80x128xi32, #tpu.memory_space<vmem>>)
      tpu.yield
    }) : () -> ()
    "tpu.region"() ({
      %run_scoped3A = tpu.sem_alloc : memref<!tpu.dma_semaphore, #tpu.memory_space<semaphore_mem>>
      %dma_start3A_137 = arith.constant 0 : i32
      %dma_start3A_138 = arith.constant 0 : i32
      %dma_start3A_139 = tpu.memref_slice %arg4[%add3A, %dma_start3A_137, %dma_start3A_138] : memref<32x80x128xi32, #tpu.memory_space<hbm>> -> memref<1x80x128xi32, #tpu.memory_space<hbm>>
      %dma_start3A_140 = tpu.memref_squeeze %dma_start3A_139 : memref<1x80x128xi32, #tpu.memory_space<hbm>> -> memref<80x128xi32, #tpu.memory_space<hbm>>
      %dma_start3A_141 = arith.constant 0 : i32
      %dma_start3A_142 = arith.constant 0 : i32
      %dma_start3A_143 = tpu.memref_slice %arg4[%add3A, %dma_start3A_141, %dma_start3A_142] : memref<32x80x128xi32, #tpu.memory_space<hbm>> -> memref<1x80x128xi32, #tpu.memory_space<hbm>>
      %dma_start3A_144 = tpu.memref_squeeze %dma_start3A_143 : memref<1x80x128xi32, #tpu.memory_space<hbm>> -> memref<80x128xi32, #tpu.memory_space<hbm>>
      tpu.enqueue_dma source(%dma_start3A_144 : memref<80x128xi32, #tpu.memory_space<hbm>>) target(%arg8 : memref<80x128xi32, #tpu.memory_space<vmem>>) target_semaphore(%run_scoped3A : memref<!tpu.dma_semaphore, #tpu.memory_space<semaphore_mem>>)
      %dma_wait3A = arith.constant 0 : i32
      %dma_wait3A_145 = arith.constant 0 : i32
      %dma_wait3A_146 = tpu.memref_slice %arg4[%add3A, %dma_wait3A, %dma_wait3A_145] : memref<32x80x128xi32, #tpu.memory_space<hbm>> -> memref<1x80x128xi32, #tpu.memory_space<hbm>>
      %dma_wait3A_147 = tpu.memref_squeeze %dma_wait3A_146 : memref<1x80x128xi32, #tpu.memory_space<hbm>> -> memref<80x128xi32, #tpu.memory_space<hbm>>
      %dma_wait3A_148 = arith.constant 0 : i32
      %dma_wait3A_149 = arith.constant 0 : i32
      %dma_wait3A_150 = tpu.memref_slice %arg4[%add3A, %dma_wait3A_148, %dma_wait3A_149] : memref<32x80x128xi32, #tpu.memory_space<hbm>> -> memref<1x80x128xi32, #tpu.memory_space<hbm>>
      %dma_wait3A_151 = tpu.memref_squeeze %dma_wait3A_150 : memref<1x80x128xi32, #tpu.memory_space<hbm>> -> memref<80x128xi32, #tpu.memory_space<hbm>>
      tpu.wait_dma2 semaphore(%run_scoped3A : memref<!tpu.dma_semaphore, #tpu.memory_space<semaphore_mem>>) src(%dma_wait3A_151 : memref<80x128xi32, #tpu.memory_space<hbm>>) dst(%arg8 : memref<80x128xi32, #tpu.memory_space<vmem>>)
      tpu.yield
    }) : () -> ()
    %barrier3A = arith.constant 0 : index
    tpu.barrier barrier_id(%barrier3A)
    %dma_start3A = arith.constant 0 : i32
    %dma_start3A_5 = arith.constant 0 : i32
    %dma_start3A_6 = arith.constant 0 : i32
    %dma_start3A_7 = arith.constant 0 : i32
    %dma_start3A_8 = arith.constant 0 : i32
    %dma_start3A_9 = tpu.memref_slice %arg9[%dma_start3A_5, %dma_start3A_7, %dma_start3A_8] : memref<8x128x16xf32, #tpu.memory_space<vmem>> -> memref<1x128x16xf32, #tpu.memory_space<vmem>>
    %dma_start3A_10 = tpu.memref_squeeze %dma_start3A_9 : memref<1x128x16xf32, #tpu.memory_space<vmem>> -> memref<128x16xf32, #tpu.memory_space<vmem>>
    %dma_start3A_11 = arith.constant 0 : i32
    %dma_start3A_12 = tpu.memref_slice %arg7[%dma_start3A, %dma_start3A_11] : memref<80x128xi32, #tpu.memory_space<vmem>> -> memref<1x128xi32, #tpu.memory_space<vmem>>
    %dma_start3A_13 = tpu.memref_squeeze %dma_start3A_12 : memref<1x128xi32, #tpu.memory_space<vmem>> -> memref<128xi32, #tpu.memory_space<vmem>>
    %dma_start3A_14 = arith.constant 0 : i32
    %dma_start3A_15 = arith.constant 0 : i32
    %dma_start3A_16 = tpu.memref_slice %arg2[%dma_start3A_14, %dma_start3A_15] : memref<17680x16xf32, #tpu.memory_space<hbm>> -> memref<17680x16xf32, #tpu.memory_space<hbm>>
    %dma_start3A_17 = tpu.memref_slice %arg11[%dma_start3A_6] : memref<8x!tpu.dma_semaphore, #tpu.memory_space<semaphore_mem>> -> memref<1x!tpu.dma_semaphore, #tpu.memory_space<semaphore_mem>>
    %dma_start3A_18 = tpu.memref_squeeze %dma_start3A_17 : memref<1x!tpu.dma_semaphore, #tpu.memory_space<semaphore_mem>> -> memref<!tpu.dma_semaphore, #tpu.memory_space<semaphore_mem>>
    tpu.enqueue_indirect_dma source(%dma_start3A_16 : memref<17680x16xf32, #tpu.memory_space<hbm>>) target(%dma_start3A_10 : memref<128x16xf32, #tpu.memory_space<vmem>>) offsets(%dma_start3A_13 : memref<128xi32, #tpu.memory_space<vmem>>) semaphore(%dma_start3A_18 : memref<!tpu.dma_semaphore, #tpu.memory_space<semaphore_mem>>)
    %dma_start3A_19 = arith.constant 1 : i32
    %dma_start3A_20 = arith.constant 1 : i32
    %dma_start3A_21 = arith.constant 1 : i32
    %dma_start3A_22 = arith.constant 0 : i32
    %dma_start3A_23 = arith.constant 0 : i32
    %dma_start3A_24 = tpu.memref_slice %arg9[%dma_start3A_20, %dma_start3A_22, %dma_start3A_23] : memref<8x128x16xf32, #tpu.memory_space<vmem>> -> memref<1x128x16xf32, #tpu.memory_space<vmem>>
    %dma_start3A_25 = tpu.memref_squeeze %dma_start3A_24 : memref<1x128x16xf32, #tpu.memory_space<vmem>> -> memref<128x16xf32, #tpu.memory_space<vmem>>
    %dma_start3A_26 = arith.constant 0 : i32
    %dma_start3A_27 = tpu.memref_slice %arg7[%dma_start3A_19, %dma_start3A_26] : memref<80x128xi32, #tpu.memory_space<vmem>> -> memref<1x128xi32, #tpu.memory_space<vmem>>
    %dma_start3A_28 = tpu.memref_squeeze %dma_start3A_27 : memref<1x128xi32, #tpu.memory_space<vmem>> -> memref<128xi32, #tpu.memory_space<vmem>>
    %dma_start3A_29 = arith.constant 0 : i32
    %dma_start3A_30 = arith.constant 0 : i32
    %dma_start3A_31 = tpu.memref_slice %arg2[%dma_start3A_29, %dma_start3A_30] : memref<17680x16xf32, #tpu.memory_space<hbm>> -> memref<17680x16xf32, #tpu.memory_space<hbm>>
    %dma_start3A_32 = tpu.memref_slice %arg11[%dma_start3A_21] : memref<8x!tpu.dma_semaphore, #tpu.memory_space<semaphore_mem>> -> memref<1x!tpu.dma_semaphore, #tpu.memory_space<semaphore_mem>>
    %dma_start3A_33 = tpu.memref_squeeze %dma_start3A_32 : memref<1x!tpu.dma_semaphore, #tpu.memory_space<semaphore_mem>> -> memref<!tpu.dma_semaphore, #tpu.memory_space<semaphore_mem>>
    tpu.enqueue_indirect_dma source(%dma_start3A_31 : memref<17680x16xf32, #tpu.memory_space<hbm>>) target(%dma_start3A_25 : memref<128x16xf32, #tpu.memory_space<vmem>>) offsets(%dma_start3A_28 : memref<128xi32, #tpu.memory_space<vmem>>) semaphore(%dma_start3A_33 : memref<!tpu.dma_semaphore, #tpu.memory_space<semaphore_mem>>)
    %dma_start3A_34 = arith.constant 2 : i32
    %dma_start3A_35 = arith.constant 2 : i32
    %dma_start3A_36 = arith.constant 2 : i32
    %dma_start3A_37 = arith.constant 0 : i32
    %dma_start3A_38 = arith.constant 0 : i32
    %dma_start3A_39 = tpu.memref_slice %arg9[%dma_start3A_35, %dma_start3A_37, %dma_start3A_38] : memref<8x128x16xf32, #tpu.memory_space<vmem>> -> memref<1x128x16xf32, #tpu.memory_space<vmem>>
    %dma_start3A_40 = tpu.memref_squeeze %dma_start3A_39 : memref<1x128x16xf32, #tpu.memory_space<vmem>> -> memref<128x16xf32, #tpu.memory_space<vmem>>
    %dma_start3A_41 = arith.constant 0 : i32
    %dma_start3A_42 = tpu.memref_slice %arg7[%dma_start3A_34, %dma_start3A_41] : memref<80x128xi32, #tpu.memory_space<vmem>> -> memref<1x128xi32, #tpu.memory_space<vmem>>
    %dma_start3A_43 = tpu.memref_squeeze %dma_start3A_42 : memref<1x128xi32, #tpu.memory_space<vmem>> -> memref<128xi32, #tpu.memory_space<vmem>>
    %dma_start3A_44 = arith.constant 0 : i32
    %dma_start3A_45 = arith.constant 0 : i32
    %dma_start3A_46 = tpu.memref_slice %arg2[%dma_start3A_44, %dma_start3A_45] : memref<17680x16xf32, #tpu.memory_space<hbm>> -> memref<17680x16xf32, #tpu.memory_space<hbm>>
    %dma_start3A_47 = tpu.memref_slice %arg11[%dma_start3A_36] : memref<8x!tpu.dma_semaphore, #tpu.memory_space<semaphore_mem>> -> memref<1x!tpu.dma_semaphore, #tpu.memory_space<semaphore_mem>>
    %dma_start3A_48 = tpu.memref_squeeze %dma_start3A_47 : memref<1x!tpu.dma_semaphore, #tpu.memory_space<semaphore_mem>> -> memref<!tpu.dma_semaphore, #tpu.memory_space<semaphore_mem>>
    tpu.enqueue_indirect_dma source(%dma_start3A_46 : memref<17680x16xf32, #tpu.memory_space<hbm>>) target(%dma_start3A_40 : memref<128x16xf32, #tpu.memory_space<vmem>>) offsets(%dma_start3A_43 : memref<128xi32, #tpu.memory_space<vmem>>) semaphore(%dma_start3A_48 : memref<!tpu.dma_semaphore, #tpu.memory_space<semaphore_mem>>)
    %dma_start3A_49 = arith.constant 3 : i32
    %dma_start3A_50 = arith.constant 3 : i32
    %dma_start3A_51 = arith.constant 3 : i32
    %dma_start3A_52 = arith.constant 0 : i32
    %dma_start3A_53 = arith.constant 0 : i32
    %dma_start3A_54 = tpu.memref_slice %arg9[%dma_start3A_50, %dma_start3A_52, %dma_start3A_53] : memref<8x128x16xf32, #tpu.memory_space<vmem>> -> memref<1x128x16xf32, #tpu.memory_space<vmem>>
    %dma_start3A_55 = tpu.memref_squeeze %dma_start3A_54 : memref<1x128x16xf32, #tpu.memory_space<vmem>> -> memref<128x16xf32, #tpu.memory_space<vmem>>
    %dma_start3A_56 = arith.constant 0 : i32
    %dma_start3A_57 = tpu.memref_slice %arg7[%dma_start3A_49, %dma_start3A_56] : memref<80x128xi32, #tpu.memory_space<vmem>> -> memref<1x128xi32, #tpu.memory_space<vmem>>
    %dma_start3A_58 = tpu.memref_squeeze %dma_start3A_57 : memref<1x128xi32, #tpu.memory_space<vmem>> -> memref<128xi32, #tpu.memory_space<vmem>>
    %dma_start3A_59 = arith.constant 0 : i32
    %dma_start3A_60 = arith.constant 0 : i32
    %dma_start3A_61 = tpu.memref_slice %arg2[%dma_start3A_59, %dma_start3A_60] : memref<17680x16xf32, #tpu.memory_space<hbm>> -> memref<17680x16xf32, #tpu.memory_space<hbm>>
    %dma_start3A_62 = tpu.memref_slice %arg11[%dma_start3A_51] : memref<8x!tpu.dma_semaphore, #tpu.memory_space<semaphore_mem>> -> memref<1x!tpu.dma_semaphore, #tpu.memory_space<semaphore_mem>>
    %dma_start3A_63 = tpu.memref_squeeze %dma_start3A_62 : memref<1x!tpu.dma_semaphore, #tpu.memory_space<semaphore_mem>> -> memref<!tpu.dma_semaphore, #tpu.memory_space<semaphore_mem>>
    tpu.enqueue_indirect_dma source(%dma_start3A_61 : memref<17680x16xf32, #tpu.memory_space<hbm>>) target(%dma_start3A_55 : memref<128x16xf32, #tpu.memory_space<vmem>>) offsets(%dma_start3A_58 : memref<128xi32, #tpu.memory_space<vmem>>) semaphore(%dma_start3A_63 : memref<!tpu.dma_semaphore, #tpu.memory_space<semaphore_mem>>)
    %dma_start3A_64 = arith.constant 4 : i32
    %dma_start3A_65 = arith.constant 4 : i32
    %dma_start3A_66 = arith.constant 4 : i32
    %dma_start3A_67 = arith.constant 0 : i32
    %dma_start3A_68 = arith.constant 0 : i32
    %dma_start3A_69 = tpu.memref_slice %arg9[%dma_start3A_65, %dma_start3A_67, %dma_start3A_68] : memref<8x128x16xf32, #tpu.memory_space<vmem>> -> memref<1x128x16xf32, #tpu.memory_space<vmem>>
    %dma_start3A_70 = tpu.memref_squeeze %dma_start3A_69 : memref<1x128x16xf32, #tpu.memory_space<vmem>> -> memref<128x16xf32, #tpu.memory_space<vmem>>
    %dma_start3A_71 = arith.constant 0 : i32
    %dma_start3A_72 = tpu.memref_slice %arg7[%dma_start3A_64, %dma_start3A_71] : memref<80x128xi32, #tpu.memory_space<vmem>> -> memref<1x128xi32, #tpu.memory_space<vmem>>
    %dma_start3A_73 = tpu.memref_squeeze %dma_start3A_72 : memref<1x128xi32, #tpu.memory_space<vmem>> -> memref<128xi32, #tpu.memory_space<vmem>>
    %dma_start3A_74 = arith.constant 0 : i32
    %dma_start3A_75 = arith.constant 0 : i32
    %dma_start3A_76 = tpu.memref_slice %arg2[%dma_start3A_74, %dma_start3A_75] : memref<17680x16xf32, #tpu.memory_space<hbm>> -> memref<17680x16xf32, #tpu.memory_space<hbm>>
    %dma_start3A_77 = tpu.memref_slice %arg11[%dma_start3A_66] : memref<8x!tpu.dma_semaphore, #tpu.memory_space<semaphore_mem>> -> memref<1x!tpu.dma_semaphore, #tpu.memory_space<semaphore_mem>>
    %dma_start3A_78 = tpu.memref_squeeze %dma_start3A_77 : memref<1x!tpu.dma_semaphore, #tpu.memory_space<semaphore_mem>> -> memref<!tpu.dma_semaphore, #tpu.memory_space<semaphore_mem>>
    tpu.enqueue_indirect_dma source(%dma_start3A_76 : memref<17680x16xf32, #tpu.memory_space<hbm>>) target(%dma_start3A_70 : memref<128x16xf32, #tpu.memory_space<vmem>>) offsets(%dma_start3A_73 : memref<128xi32, #tpu.memory_space<vmem>>) semaphore(%dma_start3A_78 : memref<!tpu.dma_semaphore, #tpu.memory_space<semaphore_mem>>)
    %dma_start3A_79 = arith.constant 5 : i32
    %dma_start3A_80 = arith.constant 5 : i32
    %dma_start3A_81 = arith.constant 5 : i32
    %dma_start3A_82 = arith.constant 0 : i32
    %dma_start3A_83 = arith.constant 0 : i32
    %dma_start3A_84 = tpu.memref_slice %arg9[%dma_start3A_80, %dma_start3A_82, %dma_start3A_83] : memref<8x128x16xf32, #tpu.memory_space<vmem>> -> memref<1x128x16xf32, #tpu.memory_space<vmem>>
    %dma_start3A_85 = tpu.memref_squeeze %dma_start3A_84 : memref<1x128x16xf32, #tpu.memory_space<vmem>> -> memref<128x16xf32, #tpu.memory_space<vmem>>
    %dma_start3A_86 = arith.constant 0 : i32
    %dma_start3A_87 = tpu.memref_slice %arg7[%dma_start3A_79, %dma_start3A_86] : memref<80x128xi32, #tpu.memory_space<vmem>> -> memref<1x128xi32, #tpu.memory_space<vmem>>
    %dma_start3A_88 = tpu.memref_squeeze %dma_start3A_87 : memref<1x128xi32, #tpu.memory_space<vmem>> -> memref<128xi32, #tpu.memory_space<vmem>>
    %dma_start3A_89 = arith.constant 0 : i32
    %dma_start3A_90 = arith.constant 0 : i32
    %dma_start3A_91 = tpu.memref_slice %arg2[%dma_start3A_89, %dma_start3A_90] : memref<17680x16xf32, #tpu.memory_space<hbm>> -> memref<17680x16xf32, #tpu.memory_space<hbm>>
    %dma_start3A_92 = tpu.memref_slice %arg11[%dma_start3A_81] : memref<8x!tpu.dma_semaphore, #tpu.memory_space<semaphore_mem>> -> memref<1x!tpu.dma_semaphore, #tpu.memory_space<semaphore_mem>>
    %dma_start3A_93 = tpu.memref_squeeze %dma_start3A_92 : memref<1x!tpu.dma_semaphore, #tpu.memory_space<semaphore_mem>> -> memref<!tpu.dma_semaphore, #tpu.memory_space<semaphore_mem>>
    tpu.enqueue_indirect_dma source(%dma_start3A_91 : memref<17680x16xf32, #tpu.memory_space<hbm>>) target(%dma_start3A_85 : memref<128x16xf32, #tpu.memory_space<vmem>>) offsets(%dma_start3A_88 : memref<128xi32, #tpu.memory_space<vmem>>) semaphore(%dma_start3A_93 : memref<!tpu.dma_semaphore, #tpu.memory_space<semaphore_mem>>)
    %dma_start3A_94 = arith.constant 6 : i32
    %dma_start3A_95 = arith.constant 6 : i32
    %dma_start3A_96 = arith.constant 6 : i32
    %dma_start3A_97 = arith.constant 0 : i32
    %dma_start3A_98 = arith.constant 0 : i32
    %dma_start3A_99 = tpu.memref_slice %arg9[%dma_start3A_95, %dma_start3A_97, %dma_start3A_98] : memref<8x128x16xf32, #tpu.memory_space<vmem>> -> memref<1x128x16xf32, #tpu.memory_space<vmem>>
    %dma_start3A_100 = tpu.memref_squeeze %dma_start3A_99 : memref<1x128x16xf32, #tpu.memory_space<vmem>> -> memref<128x16xf32, #tpu.memory_space<vmem>>
    %dma_start3A_101 = arith.constant 0 : i32
    %dma_start3A_102 = tpu.memref_slice %arg7[%dma_start3A_94, %dma_start3A_101] : memref<80x128xi32, #tpu.memory_space<vmem>> -> memref<1x128xi32, #tpu.memory_space<vmem>>
    %dma_start3A_103 = tpu.memref_squeeze %dma_start3A_102 : memref<1x128xi32, #tpu.memory_space<vmem>> -> memref<128xi32, #tpu.memory_space<vmem>>
    %dma_start3A_104 = arith.constant 0 : i32
    %dma_start3A_105 = arith.constant 0 : i32
    %dma_start3A_106 = tpu.memref_slice %arg2[%dma_start3A_104, %dma_start3A_105] : memref<17680x16xf32, #tpu.memory_space<hbm>> -> memref<17680x16xf32, #tpu.memory_space<hbm>>
    %dma_start3A_107 = tpu.memref_slice %arg11[%dma_start3A_96] : memref<8x!tpu.dma_semaphore, #tpu.memory_space<semaphore_mem>> -> memref<1x!tpu.dma_semaphore, #tpu.memory_space<semaphore_mem>>
    %dma_start3A_108 = tpu.memref_squeeze %dma_start3A_107 : memref<1x!tpu.dma_semaphore, #tpu.memory_space<semaphore_mem>> -> memref<!tpu.dma_semaphore, #tpu.memory_space<semaphore_mem>>
    tpu.enqueue_indirect_dma source(%dma_start3A_106 : memref<17680x16xf32, #tpu.memory_space<hbm>>) target(%dma_start3A_100 : memref<128x16xf32, #tpu.memory_space<vmem>>) offsets(%dma_start3A_103 : memref<128xi32, #tpu.memory_space<vmem>>) semaphore(%dma_start3A_108 : memref<!tpu.dma_semaphore, #tpu.memory_space<semaphore_mem>>)
    %dma_start3A_109 = arith.constant 7 : i32
    %dma_start3A_110 = arith.constant 7 : i32
    %dma_start3A_111 = arith.constant 7 : i32
    %dma_start3A_112 = arith.constant 0 : i32
    %dma_start3A_113 = arith.constant 0 : i32
    %dma_start3A_114 = tpu.memref_slice %arg9[%dma_start3A_110, %dma_start3A_112, %dma_start3A_113] : memref<8x128x16xf32, #tpu.memory_space<vmem>> -> memref<1x128x16xf32, #tpu.memory_space<vmem>>
    %dma_start3A_115 = tpu.memref_squeeze %dma_start3A_114 : memref<1x128x16xf32, #tpu.memory_space<vmem>> -> memref<128x16xf32, #tpu.memory_space<vmem>>
    %dma_start3A_116 = arith.constant 0 : i32
    %dma_start3A_117 = tpu.memref_slice %arg7[%dma_start3A_109, %dma_start3A_116] : memref<80x128xi32, #tpu.memory_space<vmem>> -> memref<1x128xi32, #tpu.memory_space<vmem>>
    %dma_start3A_118 = tpu.memref_squeeze %dma_start3A_117 : memref<1x128xi32, #tpu.memory_space<vmem>> -> memref<128xi32, #tpu.memory_space<vmem>>
    %dma_start3A_119 = arith.constant 0 : i32
    %dma_start3A_120 = arith.constant 0 : i32
    %dma_start3A_121 = tpu.memref_slice %arg2[%dma_start3A_119, %dma_start3A_120] : memref<17680x16xf32, #tpu.memory_space<hbm>> -> memref<17680x16xf32, #tpu.memory_space<hbm>>
    %dma_start3A_122 = tpu.memref_slice %arg11[%dma_start3A_111] : memref<8x!tpu.dma_semaphore, #tpu.memory_space<semaphore_mem>> -> memref<1x!tpu.dma_semaphore, #tpu.memory_space<semaphore_mem>>
    %dma_start3A_123 = tpu.memref_squeeze %dma_start3A_122 : memref<1x!tpu.dma_semaphore, #tpu.memory_space<semaphore_mem>> -> memref<!tpu.dma_semaphore, #tpu.memory_space<semaphore_mem>>
    tpu.enqueue_indirect_dma source(%dma_start3A_121 : memref<17680x16xf32, #tpu.memory_space<hbm>>) target(%dma_start3A_115 : memref<128x16xf32, #tpu.memory_space<vmem>>) offsets(%dma_start3A_118 : memref<128xi32, #tpu.memory_space<vmem>>) semaphore(%dma_start3A_123 : memref<!tpu.dma_semaphore, #tpu.memory_space<semaphore_mem>>)
    %scan3A = arith.constant 0 : i32
    %scan3A_124 = arith.constant 0 : i32
    %scan3A_125 = arith.constant 10 : i32
    %scan3A_126 = arith.addi %scan3A_124, %scan3A_125 : i32
    %scan3A_127 = arith.constant 1 : i32
    scf.for %scan3A_137 = %scan3A_124 to %scan3A_126 step %scan3A_127  : i32 {
      %mul3A_138 = arith.constant 8 : i32
      %mul3A_139 = arith.muli %scan3A_137, %mul3A_138 : i32
      %add3A_140 = arith.constant 0 : i32
      %add3A_141 = arith.addi %mul3A_139, %add3A_140 : i32
      %dma_wait3A = arith.constant 0 : i32
      %dma_wait3A_142 = arith.constant 0 : i32
      %dma_wait3A_143 = arith.constant 0 : i32
      %dma_wait3A_144 = arith.constant 0 : i32
      %dma_wait3A_145 = tpu.memref_slice %arg9[%dma_wait3A, %dma_wait3A_143, %dma_wait3A_144] : memref<8x128x16xf32, #tpu.memory_space<vmem>> -> memref<1x128x16xf32, #tpu.memory_space<vmem>>
      %dma_wait3A_146 = tpu.memref_squeeze %dma_wait3A_145 : memref<1x128x16xf32, #tpu.memory_space<vmem>> -> memref<128x16xf32, #tpu.memory_space<vmem>>
      %dma_wait3A_147 = arith.constant 0 : i32
      %dma_wait3A_148 = tpu.memref_slice %arg7[%add3A_141, %dma_wait3A_147] : memref<80x128xi32, #tpu.memory_space<vmem>> -> memref<1x128xi32, #tpu.memory_space<vmem>>
      %dma_wait3A_149 = tpu.memref_squeeze %dma_wait3A_148 : memref<1x128xi32, #tpu.memory_space<vmem>> -> memref<128xi32, #tpu.memory_space<vmem>>
      %dma_wait3A_150 = arith.constant 0 : i32
      %dma_wait3A_151 = arith.constant 0 : i32
      %dma_wait3A_152 = tpu.memref_slice %arg2[%dma_wait3A_150, %dma_wait3A_151] : memref<17680x16xf32, #tpu.memory_space<hbm>> -> memref<17680x16xf32, #tpu.memory_space<hbm>>
      %dma_wait3A_153 = tpu.memref_slice %arg11[%dma_wait3A_142] : memref<8x!tpu.dma_semaphore, #tpu.memory_space<semaphore_mem>> -> memref<1x!tpu.dma_semaphore, #tpu.memory_space<semaphore_mem>>
      %dma_wait3A_154 = tpu.memref_squeeze %dma_wait3A_153 : memref<1x!tpu.dma_semaphore, #tpu.memory_space<semaphore_mem>> -> memref<!tpu.dma_semaphore, #tpu.memory_space<semaphore_mem>>
      tpu.wait_indirect_dma semaphore(%dma_wait3A_154 : memref<!tpu.dma_semaphore, #tpu.memory_space<semaphore_mem>>) src(%dma_wait3A_152 : memref<17680x16xf32, #tpu.memory_space<hbm>>) dst(%dma_wait3A_146 : memref<128x16xf32, #tpu.memory_space<vmem>>)
      %add3A_155 = arith.constant 0 : i32
      %add3A_156 = arith.addi %mul3A_139, %add3A_155 : i32
      %dma_start3A_157 = arith.constant 0 : i32
      %dma_start3A_158 = arith.constant 0 : i32
      %dma_start3A_159 = arith.constant 0 : i32
      %dma_start3A_160 = arith.constant 0 : i32
      %dma_start3A_161 = tpu.memref_slice %arg9[%dma_start3A_157, %dma_start3A_159, %dma_start3A_160] : memref<8x128x16xf32, #tpu.memory_space<vmem>> -> memref<1x128x16xf32, #tpu.memory_space<vmem>>
      %dma_start3A_162 = tpu.memref_squeeze %dma_start3A_161 : memref<1x128x16xf32, #tpu.memory_space<vmem>> -> memref<128x16xf32, #tpu.memory_space<vmem>>
      %dma_start3A_163 = arith.constant 0 : i32
      %dma_start3A_164 = tpu.memref_slice %arg8[%add3A_156, %dma_start3A_163] : memref<80x128xi32, #tpu.memory_space<vmem>> -> memref<1x128xi32, #tpu.memory_space<vmem>>
      %dma_start3A_165 = tpu.memref_squeeze %dma_start3A_164 : memref<1x128xi32, #tpu.memory_space<vmem>> -> memref<128xi32, #tpu.memory_space<vmem>>
      %dma_start3A_166 = arith.constant 0 : i32
      %dma_start3A_167 = arith.constant 0 : i32
      %dma_start3A_168 = tpu.memref_slice %arg10[%dma_start3A_166, %dma_start3A_167] : memref<10240x16xf32, #tpu.memory_space<vmem_shared>> -> memref<10240x16xf32, #tpu.memory_space<vmem_shared>>
      %dma_start3A_169 = tpu.memref_slice %arg12[%dma_start3A_158] : memref<8x!tpu.dma_semaphore, #tpu.memory_space<semaphore_mem>> -> memref<1x!tpu.dma_semaphore, #tpu.memory_space<semaphore_mem>>
      %dma_start3A_170 = tpu.memref_squeeze %dma_start3A_169 : memref<1x!tpu.dma_semaphore, #tpu.memory_space<semaphore_mem>> -> memref<!tpu.dma_semaphore, #tpu.memory_space<semaphore_mem>>
      tpu.enqueue_indirect_dma source(%dma_start3A_162 : memref<128x16xf32, #tpu.memory_space<vmem>>) target(%dma_start3A_168 : memref<10240x16xf32, #tpu.memory_space<vmem_shared>>) offsets(%dma_start3A_165 : memref<128xi32, #tpu.memory_space<vmem>>) semaphore(%dma_start3A_170 : memref<!tpu.dma_semaphore, #tpu.memory_space<semaphore_mem>>) {add = true}
      %add3A_171 = arith.constant 1 : i32
      %add3A_172 = arith.addi %mul3A_139, %add3A_171 : i32
      %dma_wait3A_173 = arith.constant 1 : i32
      %dma_wait3A_174 = arith.constant 1 : i32
      %dma_wait3A_175 = arith.constant 0 : i32
      %dma_wait3A_176 = arith.constant 0 : i32
      %dma_wait3A_177 = tpu.memref_slice %arg9[%dma_wait3A_173, %dma_wait3A_175, %dma_wait3A_176] : memref<8x128x16xf32, #tpu.memory_space<vmem>> -> memref<1x128x16xf32, #tpu.memory_space<vmem>>
      %dma_wait3A_178 = tpu.memref_squeeze %dma_wait3A_177 : memref<1x128x16xf32, #tpu.memory_space<vmem>> -> memref<128x16xf32, #tpu.memory_space<vmem>>
      %dma_wait3A_179 = arith.constant 0 : i32
      %dma_wait3A_180 = tpu.memref_slice %arg7[%add3A_172, %dma_wait3A_179] : memref<80x128xi32, #tpu.memory_space<vmem>> -> memref<1x128xi32, #tpu.memory_space<vmem>>
      %dma_wait3A_181 = tpu.memref_squeeze %dma_wait3A_180 : memref<1x128xi32, #tpu.memory_space<vmem>> -> memref<128xi32, #tpu.memory_space<vmem>>
      %dma_wait3A_182 = arith.constant 0 : i32
      %dma_wait3A_183 = arith.constant 0 : i32
      %dma_wait3A_184 = tpu.memref_slice %arg2[%dma_wait3A_182, %dma_wait3A_183] : memref<17680x16xf32, #tpu.memory_space<hbm>> -> memref<17680x16xf32, #tpu.memory_space<hbm>>
      %dma_wait3A_185 = tpu.memref_slice %arg11[%dma_wait3A_174] : memref<8x!tpu.dma_semaphore, #tpu.memory_space<semaphore_mem>> -> memref<1x!tpu.dma_semaphore, #tpu.memory_space<semaphore_mem>>
      %dma_wait3A_186 = tpu.memref_squeeze %dma_wait3A_185 : memref<1x!tpu.dma_semaphore, #tpu.memory_space<semaphore_mem>> -> memref<!tpu.dma_semaphore, #tpu.memory_space<semaphore_mem>>
      tpu.wait_indirect_dma semaphore(%dma_wait3A_186 : memref<!tpu.dma_semaphore, #tpu.memory_space<semaphore_mem>>) src(%dma_wait3A_184 : memref<17680x16xf32, #tpu.memory_space<hbm>>) dst(%dma_wait3A_178 : memref<128x16xf32, #tpu.memory_space<vmem>>)
      %add3A_187 = arith.constant 1 : i32
      %add3A_188 = arith.addi %mul3A_139, %add3A_187 : i32
      %dma_start3A_189 = arith.constant 1 : i32
      %dma_start3A_190 = arith.constant 1 : i32
      %dma_start3A_191 = arith.constant 0 : i32
      %dma_start3A_192 = arith.constant 0 : i32
      %dma_start3A_193 = tpu.memref_slice %arg9[%dma_start3A_189, %dma_start3A_191, %dma_start3A_192] : memref<8x128x16xf32, #tpu.memory_space<vmem>> -> memref<1x128x16xf32, #tpu.memory_space<vmem>>
      %dma_start3A_194 = tpu.memref_squeeze %dma_start3A_193 : memref<1x128x16xf32, #tpu.memory_space<vmem>> -> memref<128x16xf32, #tpu.memory_space<vmem>>
      %dma_start3A_195 = arith.constant 0 : i32
      %dma_start3A_196 = tpu.memref_slice %arg8[%add3A_188, %dma_start3A_195] : memref<80x128xi32, #tpu.memory_space<vmem>> -> memref<1x128xi32, #tpu.memory_space<vmem>>
      %dma_start3A_197 = tpu.memref_squeeze %dma_start3A_196 : memref<1x128xi32, #tpu.memory_space<vmem>> -> memref<128xi32, #tpu.memory_space<vmem>>
      %dma_start3A_198 = arith.constant 0 : i32
      %dma_start3A_199 = arith.constant 0 : i32
      %dma_start3A_200 = tpu.memref_slice %arg10[%dma_start3A_198, %dma_start3A_199] : memref<10240x16xf32, #tpu.memory_space<vmem_shared>> -> memref<10240x16xf32, #tpu.memory_space<vmem_shared>>
      %dma_start3A_201 = tpu.memref_slice %arg12[%dma_start3A_190] : memref<8x!tpu.dma_semaphore, #tpu.memory_space<semaphore_mem>> -> memref<1x!tpu.dma_semaphore, #tpu.memory_space<semaphore_mem>>
      %dma_start3A_202 = tpu.memref_squeeze %dma_start3A_201 : memref<1x!tpu.dma_semaphore, #tpu.memory_space<semaphore_mem>> -> memref<!tpu.dma_semaphore, #tpu.memory_space<semaphore_mem>>
      tpu.enqueue_indirect_dma source(%dma_start3A_194 : memref<128x16xf32, #tpu.memory_space<vmem>>) target(%dma_start3A_200 : memref<10240x16xf32, #tpu.memory_space<vmem_shared>>) offsets(%dma_start3A_197 : memref<128xi32, #tpu.memory_space<vmem>>) semaphore(%dma_start3A_202 : memref<!tpu.dma_semaphore, #tpu.memory_space<semaphore_mem>>) {add = true}
      %add3A_203 = arith.constant 2 : i32
      %add3A_204 = arith.addi %mul3A_139, %add3A_203 : i32
      %dma_wait3A_205 = arith.constant 2 : i32
      %dma_wait3A_206 = arith.constant 2 : i32
      %dma_wait3A_207 = arith.constant 0 : i32
      %dma_wait3A_208 = arith.constant 0 : i32
      %dma_wait3A_209 = tpu.memref_slice %arg9[%dma_wait3A_205, %dma_wait3A_207, %dma_wait3A_208] : memref<8x128x16xf32, #tpu.memory_space<vmem>> -> memref<1x128x16xf32, #tpu.memory_space<vmem>>
      %dma_wait3A_210 = tpu.memref_squeeze %dma_wait3A_209 : memref<1x128x16xf32, #tpu.memory_space<vmem>> -> memref<128x16xf32, #tpu.memory_space<vmem>>
      %dma_wait3A_211 = arith.constant 0 : i32
      %dma_wait3A_212 = tpu.memref_slice %arg7[%add3A_204, %dma_wait3A_211] : memref<80x128xi32, #tpu.memory_space<vmem>> -> memref<1x128xi32, #tpu.memory_space<vmem>>
      %dma_wait3A_213 = tpu.memref_squeeze %dma_wait3A_212 : memref<1x128xi32, #tpu.memory_space<vmem>> -> memref<128xi32, #tpu.memory_space<vmem>>
      %dma_wait3A_214 = arith.constant 0 : i32
      %dma_wait3A_215 = arith.constant 0 : i32
      %dma_wait3A_216 = tpu.memref_slice %arg2[%dma_wait3A_214, %dma_wait3A_215] : memref<17680x16xf32, #tpu.memory_space<hbm>> -> memref<17680x16xf32, #tpu.memory_space<hbm>>
      %dma_wait3A_217 = tpu.memref_slice %arg11[%dma_wait3A_206] : memref<8x!tpu.dma_semaphore, #tpu.memory_space<semaphore_mem>> -> memref<1x!tpu.dma_semaphore, #tpu.memory_space<semaphore_mem>>
      %dma_wait3A_218 = tpu.memref_squeeze %dma_wait3A_217 : memref<1x!tpu.dma_semaphore, #tpu.memory_space<semaphore_mem>> -> memref<!tpu.dma_semaphore, #tpu.memory_space<semaphore_mem>>
      tpu.wait_indirect_dma semaphore(%dma_wait3A_218 : memref<!tpu.dma_semaphore, #tpu.memory_space<semaphore_mem>>) src(%dma_wait3A_216 : memref<17680x16xf32, #tpu.memory_space<hbm>>) dst(%dma_wait3A_210 : memref<128x16xf32, #tpu.memory_space<vmem>>)
      %add3A_219 = arith.constant 2 : i32
      %add3A_220 = arith.addi %mul3A_139, %add3A_219 : i32
      %dma_start3A_221 = arith.constant 2 : i32
      %dma_start3A_222 = arith.constant 2 : i32
      %dma_start3A_223 = arith.constant 0 : i32
      %dma_start3A_224 = arith.constant 0 : i32
      %dma_start3A_225 = tpu.memref_slice %arg9[%dma_start3A_221, %dma_start3A_223, %dma_start3A_224] : memref<8x128x16xf32, #tpu.memory_space<vmem>> -> memref<1x128x16xf32, #tpu.memory_space<vmem>>
      %dma_start3A_226 = tpu.memref_squeeze %dma_start3A_225 : memref<1x128x16xf32, #tpu.memory_space<vmem>> -> memref<128x16xf32, #tpu.memory_space<vmem>>
      %dma_start3A_227 = arith.constant 0 : i32
      %dma_start3A_228 = tpu.memref_slice %arg8[%add3A_220, %dma_start3A_227] : memref<80x128xi32, #tpu.memory_space<vmem>> -> memref<1x128xi32, #tpu.memory_space<vmem>>
      %dma_start3A_229 = tpu.memref_squeeze %dma_start3A_228 : memref<1x128xi32, #tpu.memory_space<vmem>> -> memref<128xi32, #tpu.memory_space<vmem>>
      %dma_start3A_230 = arith.constant 0 : i32
      %dma_start3A_231 = arith.constant 0 : i32
      %dma_start3A_232 = tpu.memref_slice %arg10[%dma_start3A_230, %dma_start3A_231] : memref<10240x16xf32, #tpu.memory_space<vmem_shared>> -> memref<10240x16xf32, #tpu.memory_space<vmem_shared>>
      %dma_start3A_233 = tpu.memref_slice %arg12[%dma_start3A_222] : memref<8x!tpu.dma_semaphore, #tpu.memory_space<semaphore_mem>> -> memref<1x!tpu.dma_semaphore, #tpu.memory_space<semaphore_mem>>
      %dma_start3A_234 = tpu.memref_squeeze %dma_start3A_233 : memref<1x!tpu.dma_semaphore, #tpu.memory_space<semaphore_mem>> -> memref<!tpu.dma_semaphore, #tpu.memory_space<semaphore_mem>>
      tpu.enqueue_indirect_dma source(%dma_start3A_226 : memref<128x16xf32, #tpu.memory_space<vmem>>) target(%dma_start3A_232 : memref<10240x16xf32, #tpu.memory_space<vmem_shared>>) offsets(%dma_start3A_229 : memref<128xi32, #tpu.memory_space<vmem>>) semaphore(%dma_start3A_234 : memref<!tpu.dma_semaphore, #tpu.memory_space<semaphore_mem>>) {add = true}
      %add3A_235 = arith.constant 3 : i32
      %add3A_236 = arith.addi %mul3A_139, %add3A_235 : i32
      %dma_wait3A_237 = arith.constant 3 : i32
      %dma_wait3A_238 = arith.constant 3 : i32
      %dma_wait3A_239 = arith.constant 0 : i32
      %dma_wait3A_240 = arith.constant 0 : i32
      %dma_wait3A_241 = tpu.memref_slice %arg9[%dma_wait3A_237, %dma_wait3A_239, %dma_wait3A_240] : memref<8x128x16xf32, #tpu.memory_space<vmem>> -> memref<1x128x16xf32, #tpu.memory_space<vmem>>
      %dma_wait3A_242 = tpu.memref_squeeze %dma_wait3A_241 : memref<1x128x16xf32, #tpu.memory_space<vmem>> -> memref<128x16xf32, #tpu.memory_space<vmem>>
      %dma_wait3A_243 = arith.constant 0 : i32
      %dma_wait3A_244 = tpu.memref_slice %arg7[%add3A_236, %dma_wait3A_243] : memref<80x128xi32, #tpu.memory_space<vmem>> -> memref<1x128xi32, #tpu.memory_space<vmem>>
      %dma_wait3A_245 = tpu.memref_squeeze %dma_wait3A_244 : memref<1x128xi32, #tpu.memory_space<vmem>> -> memref<128xi32, #tpu.memory_space<vmem>>
      %dma_wait3A_246 = arith.constant 0 : i32
      %dma_wait3A_247 = arith.constant 0 : i32
      %dma_wait3A_248 = tpu.memref_slice %arg2[%dma_wait3A_246, %dma_wait3A_247] : memref<17680x16xf32, #tpu.memory_space<hbm>> -> memref<17680x16xf32, #tpu.memory_space<hbm>>
      %dma_wait3A_249 = tpu.memref_slice %arg11[%dma_wait3A_238] : memref<8x!tpu.dma_semaphore, #tpu.memory_space<semaphore_mem>> -> memref<1x!tpu.dma_semaphore, #tpu.memory_space<semaphore_mem>>
      %dma_wait3A_250 = tpu.memref_squeeze %dma_wait3A_249 : memref<1x!tpu.dma_semaphore, #tpu.memory_space<semaphore_mem>> -> memref<!tpu.dma_semaphore, #tpu.memory_space<semaphore_mem>>
      tpu.wait_indirect_dma semaphore(%dma_wait3A_250 : memref<!tpu.dma_semaphore, #tpu.memory_space<semaphore_mem>>) src(%dma_wait3A_248 : memref<17680x16xf32, #tpu.memory_space<hbm>>) dst(%dma_wait3A_242 : memref<128x16xf32, #tpu.memory_space<vmem>>)
      %add3A_251 = arith.constant 3 : i32
      %add3A_252 = arith.addi %mul3A_139, %add3A_251 : i32
      %dma_start3A_253 = arith.constant 3 : i32
      %dma_start3A_254 = arith.constant 3 : i32
      %dma_start3A_255 = arith.constant 0 : i32
      %dma_start3A_256 = arith.constant 0 : i32
      %dma_start3A_257 = tpu.memref_slice %arg9[%dma_start3A_253, %dma_start3A_255, %dma_start3A_256] : memref<8x128x16xf32, #tpu.memory_space<vmem>> -> memref<1x128x16xf32, #tpu.memory_space<vmem>>
      %dma_start3A_258 = tpu.memref_squeeze %dma_start3A_257 : memref<1x128x16xf32, #tpu.memory_space<vmem>> -> memref<128x16xf32, #tpu.memory_space<vmem>>
      %dma_start3A_259 = arith.constant 0 : i32
      %dma_start3A_260 = tpu.memref_slice %arg8[%add3A_252, %dma_start3A_259] : memref<80x128xi32, #tpu.memory_space<vmem>> -> memref<1x128xi32, #tpu.memory_space<vmem>>
      %dma_start3A_261 = tpu.memref_squeeze %dma_start3A_260 : memref<1x128xi32, #tpu.memory_space<vmem>> -> memref<128xi32, #tpu.memory_space<vmem>>
      %dma_start3A_262 = arith.constant 0 : i32
      %dma_start3A_263 = arith.constant 0 : i32
      %dma_start3A_264 = tpu.memref_slice %arg10[%dma_start3A_262, %dma_start3A_263] : memref<10240x16xf32, #tpu.memory_space<vmem_shared>> -> memref<10240x16xf32, #tpu.memory_space<vmem_shared>>
      %dma_start3A_265 = tpu.memref_slice %arg12[%dma_start3A_254] : memref<8x!tpu.dma_semaphore, #tpu.memory_space<semaphore_mem>> -> memref<1x!tpu.dma_semaphore, #tpu.memory_space<semaphore_mem>>
      %dma_start3A_266 = tpu.memref_squeeze %dma_start3A_265 : memref<1x!tpu.dma_semaphore, #tpu.memory_space<semaphore_mem>> -> memref<!tpu.dma_semaphore, #tpu.memory_space<semaphore_mem>>
      tpu.enqueue_indirect_dma source(%dma_start3A_258 : memref<128x16xf32, #tpu.memory_space<vmem>>) target(%dma_start3A_264 : memref<10240x16xf32, #tpu.memory_space<vmem_shared>>) offsets(%dma_start3A_261 : memref<128xi32, #tpu.memory_space<vmem>>) semaphore(%dma_start3A_266 : memref<!tpu.dma_semaphore, #tpu.memory_space<semaphore_mem>>) {add = true}
      %add3A_267 = arith.constant 4 : i32
      %add3A_268 = arith.addi %mul3A_139, %add3A_267 : i32
      %dma_wait3A_269 = arith.constant 4 : i32
      %dma_wait3A_270 = arith.constant 4 : i32
      %dma_wait3A_271 = arith.constant 0 : i32
      %dma_wait3A_272 = arith.constant 0 : i32
      %dma_wait3A_273 = tpu.memref_slice %arg9[%dma_wait3A_269, %dma_wait3A_271, %dma_wait3A_272] : memref<8x128x16xf32, #tpu.memory_space<vmem>> -> memref<1x128x16xf32, #tpu.memory_space<vmem>>
      %dma_wait3A_274 = tpu.memref_squeeze %dma_wait3A_273 : memref<1x128x16xf32, #tpu.memory_space<vmem>> -> memref<128x16xf32, #tpu.memory_space<vmem>>
      %dma_wait3A_275 = arith.constant 0 : i32
      %dma_wait3A_276 = tpu.memref_slice %arg7[%add3A_268, %dma_wait3A_275] : memref<80x128xi32, #tpu.memory_space<vmem>> -> memref<1x128xi32, #tpu.memory_space<vmem>>
      %dma_wait3A_277 = tpu.memref_squeeze %dma_wait3A_276 : memref<1x128xi32, #tpu.memory_space<vmem>> -> memref<128xi32, #tpu.memory_space<vmem>>
      %dma_wait3A_278 = arith.constant 0 : i32
      %dma_wait3A_279 = arith.constant 0 : i32
      %dma_wait3A_280 = tpu.memref_slice %arg2[%dma_wait3A_278, %dma_wait3A_279] : memref<17680x16xf32, #tpu.memory_space<hbm>> -> memref<17680x16xf32, #tpu.memory_space<hbm>>
      %dma_wait3A_281 = tpu.memref_slice %arg11[%dma_wait3A_270] : memref<8x!tpu.dma_semaphore, #tpu.memory_space<semaphore_mem>> -> memref<1x!tpu.dma_semaphore, #tpu.memory_space<semaphore_mem>>
      %dma_wait3A_282 = tpu.memref_squeeze %dma_wait3A_281 : memref<1x!tpu.dma_semaphore, #tpu.memory_space<semaphore_mem>> -> memref<!tpu.dma_semaphore, #tpu.memory_space<semaphore_mem>>
      tpu.wait_indirect_dma semaphore(%dma_wait3A_282 : memref<!tpu.dma_semaphore, #tpu.memory_space<semaphore_mem>>) src(%dma_wait3A_280 : memref<17680x16xf32, #tpu.memory_space<hbm>>) dst(%dma_wait3A_274 : memref<128x16xf32, #tpu.memory_space<vmem>>)
      %add3A_283 = arith.constant 4 : i32
      %add3A_284 = arith.addi %mul3A_139, %add3A_283 : i32
      %dma_start3A_285 = arith.constant 4 : i32
      %dma_start3A_286 = arith.constant 4 : i32
      %dma_start3A_287 = arith.constant 0 : i32
      %dma_start3A_288 = arith.constant 0 : i32
      %dma_start3A_289 = tpu.memref_slice %arg9[%dma_start3A_285, %dma_start3A_287, %dma_start3A_288] : memref<8x128x16xf32, #tpu.memory_space<vmem>> -> memref<1x128x16xf32, #tpu.memory_space<vmem>>
      %dma_start3A_290 = tpu.memref_squeeze %dma_start3A_289 : memref<1x128x16xf32, #tpu.memory_space<vmem>> -> memref<128x16xf32, #tpu.memory_space<vmem>>
      %dma_start3A_291 = arith.constant 0 : i32
      %dma_start3A_292 = tpu.memref_slice %arg8[%add3A_284, %dma_start3A_291] : memref<80x128xi32, #tpu.memory_space<vmem>> -> memref<1x128xi32, #tpu.memory_space<vmem>>
      %dma_start3A_293 = tpu.memref_squeeze %dma_start3A_292 : memref<1x128xi32, #tpu.memory_space<vmem>> -> memref<128xi32, #tpu.memory_space<vmem>>
      %dma_start3A_294 = arith.constant 0 : i32
      %dma_start3A_295 = arith.constant 0 : i32
      %dma_start3A_296 = tpu.memref_slice %arg10[%dma_start3A_294, %dma_start3A_295] : memref<10240x16xf32, #tpu.memory_space<vmem_shared>> -> memref<10240x16xf32, #tpu.memory_space<vmem_shared>>
      %dma_start3A_297 = tpu.memref_slice %arg12[%dma_start3A_286] : memref<8x!tpu.dma_semaphore, #tpu.memory_space<semaphore_mem>> -> memref<1x!tpu.dma_semaphore, #tpu.memory_space<semaphore_mem>>
      %dma_start3A_298 = tpu.memref_squeeze %dma_start3A_297 : memref<1x!tpu.dma_semaphore, #tpu.memory_space<semaphore_mem>> -> memref<!tpu.dma_semaphore, #tpu.memory_space<semaphore_mem>>
      tpu.enqueue_indirect_dma source(%dma_start3A_290 : memref<128x16xf32, #tpu.memory_space<vmem>>) target(%dma_start3A_296 : memref<10240x16xf32, #tpu.memory_space<vmem_shared>>) offsets(%dma_start3A_293 : memref<128xi32, #tpu.memory_space<vmem>>) semaphore(%dma_start3A_298 : memref<!tpu.dma_semaphore, #tpu.memory_space<semaphore_mem>>) {add = true}
      %add3A_299 = arith.constant 5 : i32
      %add3A_300 = arith.addi %mul3A_139, %add3A_299 : i32
      %dma_wait3A_301 = arith.constant 5 : i32
      %dma_wait3A_302 = arith.constant 5 : i32
      %dma_wait3A_303 = arith.constant 0 : i32
      %dma_wait3A_304 = arith.constant 0 : i32
      %dma_wait3A_305 = tpu.memref_slice %arg9[%dma_wait3A_301, %dma_wait3A_303, %dma_wait3A_304] : memref<8x128x16xf32, #tpu.memory_space<vmem>> -> memref<1x128x16xf32, #tpu.memory_space<vmem>>
      %dma_wait3A_306 = tpu.memref_squeeze %dma_wait3A_305 : memref<1x128x16xf32, #tpu.memory_space<vmem>> -> memref<128x16xf32, #tpu.memory_space<vmem>>
      %dma_wait3A_307 = arith.constant 0 : i32
      %dma_wait3A_308 = tpu.memref_slice %arg7[%add3A_300, %dma_wait3A_307] : memref<80x128xi32, #tpu.memory_space<vmem>> -> memref<1x128xi32, #tpu.memory_space<vmem>>
      %dma_wait3A_309 = tpu.memref_squeeze %dma_wait3A_308 : memref<1x128xi32, #tpu.memory_space<vmem>> -> memref<128xi32, #tpu.memory_space<vmem>>
      %dma_wait3A_310 = arith.constant 0 : i32
      %dma_wait3A_311 = arith.constant 0 : i32
      %dma_wait3A_312 = tpu.memref_slice %arg2[%dma_wait3A_310, %dma_wait3A_311] : memref<17680x16xf32, #tpu.memory_space<hbm>> -> memref<17680x16xf32, #tpu.memory_space<hbm>>
      %dma_wait3A_313 = tpu.memref_slice %arg11[%dma_wait3A_302] : memref<8x!tpu.dma_semaphore, #tpu.memory_space<semaphore_mem>> -> memref<1x!tpu.dma_semaphore, #tpu.memory_space<semaphore_mem>>
      %dma_wait3A_314 = tpu.memref_squeeze %dma_wait3A_313 : memref<1x!tpu.dma_semaphore, #tpu.memory_space<semaphore_mem>> -> memref<!tpu.dma_semaphore, #tpu.memory_space<semaphore_mem>>
      tpu.wait_indirect_dma semaphore(%dma_wait3A_314 : memref<!tpu.dma_semaphore, #tpu.memory_space<semaphore_mem>>) src(%dma_wait3A_312 : memref<17680x16xf32, #tpu.memory_space<hbm>>) dst(%dma_wait3A_306 : memref<128x16xf32, #tpu.memory_space<vmem>>)
      %add3A_315 = arith.constant 5 : i32
      %add3A_316 = arith.addi %mul3A_139, %add3A_315 : i32
      %dma_start3A_317 = arith.constant 5 : i32
      %dma_start3A_318 = arith.constant 5 : i32
      %dma_start3A_319 = arith.constant 0 : i32
      %dma_start3A_320 = arith.constant 0 : i32
      %dma_start3A_321 = tpu.memref_slice %arg9[%dma_start3A_317, %dma_start3A_319, %dma_start3A_320] : memref<8x128x16xf32, #tpu.memory_space<vmem>> -> memref<1x128x16xf32, #tpu.memory_space<vmem>>
      %dma_start3A_322 = tpu.memref_squeeze %dma_start3A_321 : memref<1x128x16xf32, #tpu.memory_space<vmem>> -> memref<128x16xf32, #tpu.memory_space<vmem>>
      %dma_start3A_323 = arith.constant 0 : i32
      %dma_start3A_324 = tpu.memref_slice %arg8[%add3A_316, %dma_start3A_323] : memref<80x128xi32, #tpu.memory_space<vmem>> -> memref<1x128xi32, #tpu.memory_space<vmem>>
      %dma_start3A_325 = tpu.memref_squeeze %dma_start3A_324 : memref<1x128xi32, #tpu.memory_space<vmem>> -> memref<128xi32, #tpu.memory_space<vmem>>
      %dma_start3A_326 = arith.constant 0 : i32
      %dma_start3A_327 = arith.constant 0 : i32
      %dma_start3A_328 = tpu.memref_slice %arg10[%dma_start3A_326, %dma_start3A_327] : memref<10240x16xf32, #tpu.memory_space<vmem_shared>> -> memref<10240x16xf32, #tpu.memory_space<vmem_shared>>
      %dma_start3A_329 = tpu.memref_slice %arg12[%dma_start3A_318] : memref<8x!tpu.dma_semaphore, #tpu.memory_space<semaphore_mem>> -> memref<1x!tpu.dma_semaphore, #tpu.memory_space<semaphore_mem>>
      %dma_start3A_330 = tpu.memref_squeeze %dma_start3A_329 : memref<1x!tpu.dma_semaphore, #tpu.memory_space<semaphore_mem>> -> memref<!tpu.dma_semaphore, #tpu.memory_space<semaphore_mem>>
      tpu.enqueue_indirect_dma source(%dma_start3A_322 : memref<128x16xf32, #tpu.memory_space<vmem>>) target(%dma_start3A_328 : memref<10240x16xf32, #tpu.memory_space<vmem_shared>>) offsets(%dma_start3A_325 : memref<128xi32, #tpu.memory_space<vmem>>) semaphore(%dma_start3A_330 : memref<!tpu.dma_semaphore, #tpu.memory_space<semaphore_mem>>) {add = true}
      %add3A_331 = arith.constant 6 : i32
      %add3A_332 = arith.addi %mul3A_139, %add3A_331 : i32
      %dma_wait3A_333 = arith.constant 6 : i32
      %dma_wait3A_334 = arith.constant 6 : i32
      %dma_wait3A_335 = arith.constant 0 : i32
      %dma_wait3A_336 = arith.constant 0 : i32
      %dma_wait3A_337 = tpu.memref_slice %arg9[%dma_wait3A_333, %dma_wait3A_335, %dma_wait3A_336] : memref<8x128x16xf32, #tpu.memory_space<vmem>> -> memref<1x128x16xf32, #tpu.memory_space<vmem>>
      %dma_wait3A_338 = tpu.memref_squeeze %dma_wait3A_337 : memref<1x128x16xf32, #tpu.memory_space<vmem>> -> memref<128x16xf32, #tpu.memory_space<vmem>>
      %dma_wait3A_339 = arith.constant 0 : i32
      %dma_wait3A_340 = tpu.memref_slice %arg7[%add3A_332, %dma_wait3A_339] : memref<80x128xi32, #tpu.memory_space<vmem>> -> memref<1x128xi32, #tpu.memory_space<vmem>>
      %dma_wait3A_341 = tpu.memref_squeeze %dma_wait3A_340 : memref<1x128xi32, #tpu.memory_space<vmem>> -> memref<128xi32, #tpu.memory_space<vmem>>
      %dma_wait3A_342 = arith.constant 0 : i32
      %dma_wait3A_343 = arith.constant 0 : i32
      %dma_wait3A_344 = tpu.memref_slice %arg2[%dma_wait3A_342, %dma_wait3A_343] : memref<17680x16xf32, #tpu.memory_space<hbm>> -> memref<17680x16xf32, #tpu.memory_space<hbm>>
      %dma_wait3A_345 = tpu.memref_slice %arg11[%dma_wait3A_334] : memref<8x!tpu.dma_semaphore, #tpu.memory_space<semaphore_mem>> -> memref<1x!tpu.dma_semaphore, #tpu.memory_space<semaphore_mem>>
      %dma_wait3A_346 = tpu.memref_squeeze %dma_wait3A_345 : memref<1x!tpu.dma_semaphore, #tpu.memory_space<semaphore_mem>> -> memref<!tpu.dma_semaphore, #tpu.memory_space<semaphore_mem>>
      tpu.wait_indirect_dma semaphore(%dma_wait3A_346 : memref<!tpu.dma_semaphore, #tpu.memory_space<semaphore_mem>>) src(%dma_wait3A_344 : memref<17680x16xf32, #tpu.memory_space<hbm>>) dst(%dma_wait3A_338 : memref<128x16xf32, #tpu.memory_space<vmem>>)
      %add3A_347 = arith.constant 6 : i32
      %add3A_348 = arith.addi %mul3A_139, %add3A_347 : i32
      %dma_start3A_349 = arith.constant 6 : i32
      %dma_start3A_350 = arith.constant 6 : i32
      %dma_start3A_351 = arith.constant 0 : i32
      %dma_start3A_352 = arith.constant 0 : i32
      %dma_start3A_353 = tpu.memref_slice %arg9[%dma_start3A_349, %dma_start3A_351, %dma_start3A_352] : memref<8x128x16xf32, #tpu.memory_space<vmem>> -> memref<1x128x16xf32, #tpu.memory_space<vmem>>
      %dma_start3A_354 = tpu.memref_squeeze %dma_start3A_353 : memref<1x128x16xf32, #tpu.memory_space<vmem>> -> memref<128x16xf32, #tpu.memory_space<vmem>>
      %dma_start3A_355 = arith.constant 0 : i32
      %dma_start3A_356 = tpu.memref_slice %arg8[%add3A_348, %dma_start3A_355] : memref<80x128xi32, #tpu.memory_space<vmem>> -> memref<1x128xi32, #tpu.memory_space<vmem>>
      %dma_start3A_357 = tpu.memref_squeeze %dma_start3A_356 : memref<1x128xi32, #tpu.memory_space<vmem>> -> memref<128xi32, #tpu.memory_space<vmem>>
      %dma_start3A_358 = arith.constant 0 : i32
      %dma_start3A_359 = arith.constant 0 : i32
      %dma_start3A_360 = tpu.memref_slice %arg10[%dma_start3A_358, %dma_start3A_359] : memref<10240x16xf32, #tpu.memory_space<vmem_shared>> -> memref<10240x16xf32, #tpu.memory_space<vmem_shared>>
      %dma_start3A_361 = tpu.memref_slice %arg12[%dma_start3A_350] : memref<8x!tpu.dma_semaphore, #tpu.memory_space<semaphore_mem>> -> memref<1x!tpu.dma_semaphore, #tpu.memory_space<semaphore_mem>>
      %dma_start3A_362 = tpu.memref_squeeze %dma_start3A_361 : memref<1x!tpu.dma_semaphore, #tpu.memory_space<semaphore_mem>> -> memref<!tpu.dma_semaphore, #tpu.memory_space<semaphore_mem>>
      tpu.enqueue_indirect_dma source(%dma_start3A_354 : memref<128x16xf32, #tpu.memory_space<vmem>>) target(%dma_start3A_360 : memref<10240x16xf32, #tpu.memory_space<vmem_shared>>) offsets(%dma_start3A_357 : memref<128xi32, #tpu.memory_space<vmem>>) semaphore(%dma_start3A_362 : memref<!tpu.dma_semaphore, #tpu.memory_space<semaphore_mem>>) {add = true}
      %add3A_363 = arith.constant 7 : i32
      %add3A_364 = arith.addi %mul3A_139, %add3A_363 : i32
      %dma_wait3A_365 = arith.constant 7 : i32
      %dma_wait3A_366 = arith.constant 7 : i32
      %dma_wait3A_367 = arith.constant 0 : i32
      %dma_wait3A_368 = arith.constant 0 : i32
      %dma_wait3A_369 = tpu.memref_slice %arg9[%dma_wait3A_365, %dma_wait3A_367, %dma_wait3A_368] : memref<8x128x16xf32, #tpu.memory_space<vmem>> -> memref<1x128x16xf32, #tpu.memory_space<vmem>>
      %dma_wait3A_370 = tpu.memref_squeeze %dma_wait3A_369 : memref<1x128x16xf32, #tpu.memory_space<vmem>> -> memref<128x16xf32, #tpu.memory_space<vmem>>
      %dma_wait3A_371 = arith.constant 0 : i32
      %dma_wait3A_372 = tpu.memref_slice %arg7[%add3A_364, %dma_wait3A_371] : memref<80x128xi32, #tpu.memory_space<vmem>> -> memref<1x128xi32, #tpu.memory_space<vmem>>
      %dma_wait3A_373 = tpu.memref_squeeze %dma_wait3A_372 : memref<1x128xi32, #tpu.memory_space<vmem>> -> memref<128xi32, #tpu.memory_space<vmem>>
      %dma_wait3A_374 = arith.constant 0 : i32
      %dma_wait3A_375 = arith.constant 0 : i32
      %dma_wait3A_376 = tpu.memref_slice %arg2[%dma_wait3A_374, %dma_wait3A_375] : memref<17680x16xf32, #tpu.memory_space<hbm>> -> memref<17680x16xf32, #tpu.memory_space<hbm>>
      %dma_wait3A_377 = tpu.memref_slice %arg11[%dma_wait3A_366] : memref<8x!tpu.dma_semaphore, #tpu.memory_space<semaphore_mem>> -> memref<1x!tpu.dma_semaphore, #tpu.memory_space<semaphore_mem>>
      %dma_wait3A_378 = tpu.memref_squeeze %dma_wait3A_377 : memref<1x!tpu.dma_semaphore, #tpu.memory_space<semaphore_mem>> -> memref<!tpu.dma_semaphore, #tpu.memory_space<semaphore_mem>>
      tpu.wait_indirect_dma semaphore(%dma_wait3A_378 : memref<!tpu.dma_semaphore, #tpu.memory_space<semaphore_mem>>) src(%dma_wait3A_376 : memref<17680x16xf32, #tpu.memory_space<hbm>>) dst(%dma_wait3A_370 : memref<128x16xf32, #tpu.memory_space<vmem>>)
      %add3A_379 = arith.constant 7 : i32
      %add3A_380 = arith.addi %mul3A_139, %add3A_379 : i32
      %dma_start3A_381 = arith.constant 7 : i32
      %dma_start3A_382 = arith.constant 7 : i32
      %dma_start3A_383 = arith.constant 0 : i32
      %dma_start3A_384 = arith.constant 0 : i32
      %dma_start3A_385 = tpu.memref_slice %arg9[%dma_start3A_381, %dma_start3A_383, %dma_start3A_384] : memref<8x128x16xf32, #tpu.memory_space<vmem>> -> memref<1x128x16xf32, #tpu.memory_space<vmem>>
      %dma_start3A_386 = tpu.memref_squeeze %dma_start3A_385 : memref<1x128x16xf32, #tpu.memory_space<vmem>> -> memref<128x16xf32, #tpu.memory_space<vmem>>
      %dma_start3A_387 = arith.constant 0 : i32
      %dma_start3A_388 = tpu.memref_slice %arg8[%add3A_380, %dma_start3A_387] : memref<80x128xi32, #tpu.memory_space<vmem>> -> memref<1x128xi32, #tpu.memory_space<vmem>>
      %dma_start3A_389 = tpu.memref_squeeze %dma_start3A_388 : memref<1x128xi32, #tpu.memory_space<vmem>> -> memref<128xi32, #tpu.memory_space<vmem>>
      %dma_start3A_390 = arith.constant 0 : i32
      %dma_start3A_391 = arith.constant 0 : i32
      %dma_start3A_392 = tpu.memref_slice %arg10[%dma_start3A_390, %dma_start3A_391] : memref<10240x16xf32, #tpu.memory_space<vmem_shared>> -> memref<10240x16xf32, #tpu.memory_space<vmem_shared>>
      %dma_start3A_393 = tpu.memref_slice %arg12[%dma_start3A_382] : memref<8x!tpu.dma_semaphore, #tpu.memory_space<semaphore_mem>> -> memref<1x!tpu.dma_semaphore, #tpu.memory_space<semaphore_mem>>
      %dma_start3A_394 = tpu.memref_squeeze %dma_start3A_393 : memref<1x!tpu.dma_semaphore, #tpu.memory_space<semaphore_mem>> -> memref<!tpu.dma_semaphore, #tpu.memory_space<semaphore_mem>>
      tpu.enqueue_indirect_dma source(%dma_start3A_386 : memref<128x16xf32, #tpu.memory_space<vmem>>) target(%dma_start3A_392 : memref<10240x16xf32, #tpu.memory_space<vmem_shared>>) offsets(%dma_start3A_389 : memref<128xi32, #tpu.memory_space<vmem>>) semaphore(%dma_start3A_394 : memref<!tpu.dma_semaphore, #tpu.memory_space<semaphore_mem>>) {add = true}
      %add3A_395 = arith.constant 0 : i32
      %add3A_396 = arith.addi %mul3A_139, %add3A_395 : i32
      %dma_wait3A_397 = arith.constant 0 : i32
      %dma_wait3A_398 = arith.constant 0 : i32
      %dma_wait3A_399 = arith.constant 0 : i32
      %dma_wait3A_400 = arith.constant 0 : i32
      %dma_wait3A_401 = tpu.memref_slice %arg9[%dma_wait3A_397, %dma_wait3A_399, %dma_wait3A_400] : memref<8x128x16xf32, #tpu.memory_space<vmem>> -> memref<1x128x16xf32, #tpu.memory_space<vmem>>
      %dma_wait3A_402 = tpu.memref_squeeze %dma_wait3A_401 : memref<1x128x16xf32, #tpu.memory_space<vmem>> -> memref<128x16xf32, #tpu.memory_space<vmem>>
      %dma_wait3A_403 = arith.constant 0 : i32
      %dma_wait3A_404 = tpu.memref_slice %arg8[%add3A_396, %dma_wait3A_403] : memref<80x128xi32, #tpu.memory_space<vmem>> -> memref<1x128xi32, #tpu.memory_space<vmem>>
      %dma_wait3A_405 = tpu.memref_squeeze %dma_wait3A_404 : memref<1x128xi32, #tpu.memory_space<vmem>> -> memref<128xi32, #tpu.memory_space<vmem>>
      %dma_wait3A_406 = arith.constant 0 : i32
      %dma_wait3A_407 = arith.constant 0 : i32
      %dma_wait3A_408 = tpu.memref_slice %arg10[%dma_wait3A_406, %dma_wait3A_407] : memref<10240x16xf32, #tpu.memory_space<vmem_shared>> -> memref<10240x16xf32, #tpu.memory_space<vmem_shared>>
      %dma_wait3A_409 = tpu.memref_slice %arg12[%dma_wait3A_398] : memref<8x!tpu.dma_semaphore, #tpu.memory_space<semaphore_mem>> -> memref<1x!tpu.dma_semaphore, #tpu.memory_space<semaphore_mem>>
      %dma_wait3A_410 = tpu.memref_squeeze %dma_wait3A_409 : memref<1x!tpu.dma_semaphore, #tpu.memory_space<semaphore_mem>> -> memref<!tpu.dma_semaphore, #tpu.memory_space<semaphore_mem>>
      tpu.wait_indirect_dma semaphore(%dma_wait3A_410 : memref<!tpu.dma_semaphore, #tpu.memory_space<semaphore_mem>>) src(%dma_wait3A_402 : memref<128x16xf32, #tpu.memory_space<vmem>>) dst(%dma_wait3A_408 : memref<10240x16xf32, #tpu.memory_space<vmem_shared>>)
      %lt3A = arith.constant 9 : i32
      %lt3A_411 = arith.cmpi slt, %scan3A_137, %lt3A : i32
      %convert_element_type3A = arith.extui %lt3A_411 : i1 to i32
      %cond3A = arith.constant 0 : i32
      %cond3A_412 = arith.cmpi ne, %convert_element_type3A, %cond3A : i32
      scf.if %cond3A_412 {
        %add3A_560 = arith.constant 8 : i32
        %add3A_561 = arith.addi %mul3A_139, %add3A_560 : i32
        %add3A_562 = arith.constant 0 : i32
        %add3A_563 = arith.addi %add3A_561, %add3A_562 : i32
        %dma_start3A_564 = arith.constant 0 : i32
        %dma_start3A_565 = arith.constant 0 : i32
        %dma_start3A_566 = arith.constant 0 : i32
        %dma_start3A_567 = arith.constant 0 : i32
        %dma_start3A_568 = tpu.memref_slice %arg9[%dma_start3A_564, %dma_start3A_566, %dma_start3A_567] : memref<8x128x16xf32, #tpu.memory_space<vmem>> -> memref<1x128x16xf32, #tpu.memory_space<vmem>>
        %dma_start3A_569 = tpu.memref_squeeze %dma_start3A_568 : memref<1x128x16xf32, #tpu.memory_space<vmem>> -> memref<128x16xf32, #tpu.memory_space<vmem>>
        %dma_start3A_570 = arith.constant 0 : i32
        %dma_start3A_571 = tpu.memref_slice %arg7[%add3A_563, %dma_start3A_570] : memref<80x128xi32, #tpu.memory_space<vmem>> -> memref<1x128xi32, #tpu.memory_space<vmem>>
        %dma_start3A_572 = tpu.memref_squeeze %dma_start3A_571 : memref<1x128xi32, #tpu.memory_space<vmem>> -> memref<128xi32, #tpu.memory_space<vmem>>
        %dma_start3A_573 = arith.constant 0 : i32
        %dma_start3A_574 = arith.constant 0 : i32
        %dma_start3A_575 = tpu.memref_slice %arg2[%dma_start3A_573, %dma_start3A_574] : memref<17680x16xf32, #tpu.memory_space<hbm>> -> memref<17680x16xf32, #tpu.memory_space<hbm>>
        %dma_start3A_576 = tpu.memref_slice %arg11[%dma_start3A_565] : memref<8x!tpu.dma_semaphore, #tpu.memory_space<semaphore_mem>> -> memref<1x!tpu.dma_semaphore, #tpu.memory_space<semaphore_mem>>
        %dma_start3A_577 = tpu.memref_squeeze %dma_start3A_576 : memref<1x!tpu.dma_semaphore, #tpu.memory_space<semaphore_mem>> -> memref<!tpu.dma_semaphore, #tpu.memory_space<semaphore_mem>>
        tpu.enqueue_indirect_dma source(%dma_start3A_575 : memref<17680x16xf32, #tpu.memory_space<hbm>>) target(%dma_start3A_569 : memref<128x16xf32, #tpu.memory_space<vmem>>) offsets(%dma_start3A_572 : memref<128xi32, #tpu.memory_space<vmem>>) semaphore(%dma_start3A_577 : memref<!tpu.dma_semaphore, #tpu.memory_space<semaphore_mem>>)
      } else {
      }
      %add3A_413 = arith.constant 1 : i32
      %add3A_414 = arith.addi %mul3A_139, %add3A_413 : i32
      %dma_wait3A_415 = arith.constant 1 : i32
      %dma_wait3A_416 = arith.constant 1 : i32
      %dma_wait3A_417 = arith.constant 0 : i32
      %dma_wait3A_418 = arith.constant 0 : i32
      %dma_wait3A_419 = tpu.memref_slice %arg9[%dma_wait3A_415, %dma_wait3A_417, %dma_wait3A_418] : memref<8x128x16xf32, #tpu.memory_space<vmem>> -> memref<1x128x16xf32, #tpu.memory_space<vmem>>
      %dma_wait3A_420 = tpu.memref_squeeze %dma_wait3A_419 : memref<1x128x16xf32, #tpu.memory_space<vmem>> -> memref<128x16xf32, #tpu.memory_space<vmem>>
      %dma_wait3A_421 = arith.constant 0 : i32
      %dma_wait3A_422 = tpu.memref_slice %arg8[%add3A_414, %dma_wait3A_421] : memref<80x128xi32, #tpu.memory_space<vmem>> -> memref<1x128xi32, #tpu.memory_space<vmem>>
      %dma_wait3A_423 = tpu.memref_squeeze %dma_wait3A_422 : memref<1x128xi32, #tpu.memory_space<vmem>> -> memref<128xi32, #tpu.memory_space<vmem>>
      %dma_wait3A_424 = arith.constant 0 : i32
      %dma_wait3A_425 = arith.constant 0 : i32
      %dma_wait3A_426 = tpu.memref_slice %arg10[%dma_wait3A_424, %dma_wait3A_425] : memref<10240x16xf32, #tpu.memory_space<vmem_shared>> -> memref<10240x16xf32, #tpu.memory_space<vmem_shared>>
      %dma_wait3A_427 = tpu.memref_slice %arg12[%dma_wait3A_416] : memref<8x!tpu.dma_semaphore, #tpu.memory_space<semaphore_mem>> -> memref<1x!tpu.dma_semaphore, #tpu.memory_space<semaphore_mem>>
      %dma_wait3A_428 = tpu.memref_squeeze %dma_wait3A_427 : memref<1x!tpu.dma_semaphore, #tpu.memory_space<semaphore_mem>> -> memref<!tpu.dma_semaphore, #tpu.memory_space<semaphore_mem>>
      tpu.wait_indirect_dma semaphore(%dma_wait3A_428 : memref<!tpu.dma_semaphore, #tpu.memory_space<semaphore_mem>>) src(%dma_wait3A_420 : memref<128x16xf32, #tpu.memory_space<vmem>>) dst(%dma_wait3A_426 : memref<10240x16xf32, #tpu.memory_space<vmem_shared>>)
      %lt3A_429 = arith.constant 9 : i32
      %lt3A_430 = arith.cmpi slt, %scan3A_137, %lt3A_429 : i32
      %convert_element_type3A_431 = arith.extui %lt3A_430 : i1 to i32
      %cond3A_432 = arith.constant 0 : i32
      %cond3A_433 = arith.cmpi ne, %convert_element_type3A_431, %cond3A_432 : i32
      scf.if %cond3A_433 {
        %add3A_560 = arith.constant 8 : i32
        %add3A_561 = arith.addi %mul3A_139, %add3A_560 : i32
        %add3A_562 = arith.constant 1 : i32
        %add3A_563 = arith.addi %add3A_561, %add3A_562 : i32
        %dma_start3A_564 = arith.constant 1 : i32
        %dma_start3A_565 = arith.constant 1 : i32
        %dma_start3A_566 = arith.constant 0 : i32
        %dma_start3A_567 = arith.constant 0 : i32
        %dma_start3A_568 = tpu.memref_slice %arg9[%dma_start3A_564, %dma_start3A_566, %dma_start3A_567] : memref<8x128x16xf32, #tpu.memory_space<vmem>> -> memref<1x128x16xf32, #tpu.memory_space<vmem>>
        %dma_start3A_569 = tpu.memref_squeeze %dma_start3A_568 : memref<1x128x16xf32, #tpu.memory_space<vmem>> -> memref<128x16xf32, #tpu.memory_space<vmem>>
        %dma_start3A_570 = arith.constant 0 : i32
        %dma_start3A_571 = tpu.memref_slice %arg7[%add3A_563, %dma_start3A_570] : memref<80x128xi32, #tpu.memory_space<vmem>> -> memref<1x128xi32, #tpu.memory_space<vmem>>
        %dma_start3A_572 = tpu.memref_squeeze %dma_start3A_571 : memref<1x128xi32, #tpu.memory_space<vmem>> -> memref<128xi32, #tpu.memory_space<vmem>>
        %dma_start3A_573 = arith.constant 0 : i32
        %dma_start3A_574 = arith.constant 0 : i32
        %dma_start3A_575 = tpu.memref_slice %arg2[%dma_start3A_573, %dma_start3A_574] : memref<17680x16xf32, #tpu.memory_space<hbm>> -> memref<17680x16xf32, #tpu.memory_space<hbm>>
        %dma_start3A_576 = tpu.memref_slice %arg11[%dma_start3A_565] : memref<8x!tpu.dma_semaphore, #tpu.memory_space<semaphore_mem>> -> memref<1x!tpu.dma_semaphore, #tpu.memory_space<semaphore_mem>>
        %dma_start3A_577 = tpu.memref_squeeze %dma_start3A_576 : memref<1x!tpu.dma_semaphore, #tpu.memory_space<semaphore_mem>> -> memref<!tpu.dma_semaphore, #tpu.memory_space<semaphore_mem>>
        tpu.enqueue_indirect_dma source(%dma_start3A_575 : memref<17680x16xf32, #tpu.memory_space<hbm>>) target(%dma_start3A_569 : memref<128x16xf32, #tpu.memory_space<vmem>>) offsets(%dma_start3A_572 : memref<128xi32, #tpu.memory_space<vmem>>) semaphore(%dma_start3A_577 : memref<!tpu.dma_semaphore, #tpu.memory_space<semaphore_mem>>)
      } else {
      }
      %add3A_434 = arith.constant 2 : i32
      %add3A_435 = arith.addi %mul3A_139, %add3A_434 : i32
      %dma_wait3A_436 = arith.constant 2 : i32
      %dma_wait3A_437 = arith.constant 2 : i32
      %dma_wait3A_438 = arith.constant 0 : i32
      %dma_wait3A_439 = arith.constant 0 : i32
      %dma_wait3A_440 = tpu.memref_slice %arg9[%dma_wait3A_436, %dma_wait3A_438, %dma_wait3A_439] : memref<8x128x16xf32, #tpu.memory_space<vmem>> -> memref<1x128x16xf32, #tpu.memory_space<vmem>>
      %dma_wait3A_441 = tpu.memref_squeeze %dma_wait3A_440 : memref<1x128x16xf32, #tpu.memory_space<vmem>> -> memref<128x16xf32, #tpu.memory_space<vmem>>
      %dma_wait3A_442 = arith.constant 0 : i32
      %dma_wait3A_443 = tpu.memref_slice %arg8[%add3A_435, %dma_wait3A_442] : memref<80x128xi32, #tpu.memory_space<vmem>> -> memref<1x128xi32, #tpu.memory_space<vmem>>
      %dma_wait3A_444 = tpu.memref_squeeze %dma_wait3A_443 : memref<1x128xi32, #tpu.memory_space<vmem>> -> memref<128xi32, #tpu.memory_space<vmem>>
      %dma_wait3A_445 = arith.constant 0 : i32
      %dma_wait3A_446 = arith.constant 0 : i32
      %dma_wait3A_447 = tpu.memref_slice %arg10[%dma_wait3A_445, %dma_wait3A_446] : memref<10240x16xf32, #tpu.memory_space<vmem_shared>> -> memref<10240x16xf32, #tpu.memory_space<vmem_shared>>
      %dma_wait3A_448 = tpu.memref_slice %arg12[%dma_wait3A_437] : memref<8x!tpu.dma_semaphore, #tpu.memory_space<semaphore_mem>> -> memref<1x!tpu.dma_semaphore, #tpu.memory_space<semaphore_mem>>
      %dma_wait3A_449 = tpu.memref_squeeze %dma_wait3A_448 : memref<1x!tpu.dma_semaphore, #tpu.memory_space<semaphore_mem>> -> memref<!tpu.dma_semaphore, #tpu.memory_space<semaphore_mem>>
      tpu.wait_indirect_dma semaphore(%dma_wait3A_449 : memref<!tpu.dma_semaphore, #tpu.memory_space<semaphore_mem>>) src(%dma_wait3A_441 : memref<128x16xf32, #tpu.memory_space<vmem>>) dst(%dma_wait3A_447 : memref<10240x16xf32, #tpu.memory_space<vmem_shared>>)
      %lt3A_450 = arith.constant 9 : i32
      %lt3A_451 = arith.cmpi slt, %scan3A_137, %lt3A_450 : i32
      %convert_element_type3A_452 = arith.extui %lt3A_451 : i1 to i32
      %cond3A_453 = arith.constant 0 : i32
      %cond3A_454 = arith.cmpi ne, %convert_element_type3A_452, %cond3A_453 : i32
      scf.if %cond3A_454 {
        %add3A_560 = arith.constant 8 : i32
        %add3A_561 = arith.addi %mul3A_139, %add3A_560 : i32
        %add3A_562 = arith.constant 2 : i32
        %add3A_563 = arith.addi %add3A_561, %add3A_562 : i32
        %dma_start3A_564 = arith.constant 2 : i32
        %dma_start3A_565 = arith.constant 2 : i32
        %dma_start3A_566 = arith.constant 0 : i32
        %dma_start3A_567 = arith.constant 0 : i32
        %dma_start3A_568 = tpu.memref_slice %arg9[%dma_start3A_564, %dma_start3A_566, %dma_start3A_567] : memref<8x128x16xf32, #tpu.memory_space<vmem>> -> memref<1x128x16xf32, #tpu.memory_space<vmem>>
        %dma_start3A_569 = tpu.memref_squeeze %dma_start3A_568 : memref<1x128x16xf32, #tpu.memory_space<vmem>> -> memref<128x16xf32, #tpu.memory_space<vmem>>
        %dma_start3A_570 = arith.constant 0 : i32
        %dma_start3A_571 = tpu.memref_slice %arg7[%add3A_563, %dma_start3A_570] : memref<80x128xi32, #tpu.memory_space<vmem>> -> memref<1x128xi32, #tpu.memory_space<vmem>>
        %dma_start3A_572 = tpu.memref_squeeze %dma_start3A_571 : memref<1x128xi32, #tpu.memory_space<vmem>> -> memref<128xi32, #tpu.memory_space<vmem>>
        %dma_start3A_573 = arith.constant 0 : i32
        %dma_start3A_574 = arith.constant 0 : i32
        %dma_start3A_575 = tpu.memref_slice %arg2[%dma_start3A_573, %dma_start3A_574] : memref<17680x16xf32, #tpu.memory_space<hbm>> -> memref<17680x16xf32, #tpu.memory_space<hbm>>
        %dma_start3A_576 = tpu.memref_slice %arg11[%dma_start3A_565] : memref<8x!tpu.dma_semaphore, #tpu.memory_space<semaphore_mem>> -> memref<1x!tpu.dma_semaphore, #tpu.memory_space<semaphore_mem>>
        %dma_start3A_577 = tpu.memref_squeeze %dma_start3A_576 : memref<1x!tpu.dma_semaphore, #tpu.memory_space<semaphore_mem>> -> memref<!tpu.dma_semaphore, #tpu.memory_space<semaphore_mem>>
        tpu.enqueue_indirect_dma source(%dma_start3A_575 : memref<17680x16xf32, #tpu.memory_space<hbm>>) target(%dma_start3A_569 : memref<128x16xf32, #tpu.memory_space<vmem>>) offsets(%dma_start3A_572 : memref<128xi32, #tpu.memory_space<vmem>>) semaphore(%dma_start3A_577 : memref<!tpu.dma_semaphore, #tpu.memory_space<semaphore_mem>>)
      } else {
      }
      %add3A_455 = arith.constant 3 : i32
      %add3A_456 = arith.addi %mul3A_139, %add3A_455 : i32
      %dma_wait3A_457 = arith.constant 3 : i32
      %dma_wait3A_458 = arith.constant 3 : i32
      %dma_wait3A_459 = arith.constant 0 : i32
      %dma_wait3A_460 = arith.constant 0 : i32
      %dma_wait3A_461 = tpu.memref_slice %arg9[%dma_wait3A_457, %dma_wait3A_459, %dma_wait3A_460] : memref<8x128x16xf32, #tpu.memory_space<vmem>> -> memref<1x128x16xf32, #tpu.memory_space<vmem>>
      %dma_wait3A_462 = tpu.memref_squeeze %dma_wait3A_461 : memref<1x128x16xf32, #tpu.memory_space<vmem>> -> memref<128x16xf32, #tpu.memory_space<vmem>>
      %dma_wait3A_463 = arith.constant 0 : i32
      %dma_wait3A_464 = tpu.memref_slice %arg8[%add3A_456, %dma_wait3A_463] : memref<80x128xi32, #tpu.memory_space<vmem>> -> memref<1x128xi32, #tpu.memory_space<vmem>>
      %dma_wait3A_465 = tpu.memref_squeeze %dma_wait3A_464 : memref<1x128xi32, #tpu.memory_space<vmem>> -> memref<128xi32, #tpu.memory_space<vmem>>
      %dma_wait3A_466 = arith.constant 0 : i32
      %dma_wait3A_467 = arith.constant 0 : i32
      %dma_wait3A_468 = tpu.memref_slice %arg10[%dma_wait3A_466, %dma_wait3A_467] : memref<10240x16xf32, #tpu.memory_space<vmem_shared>> -> memref<10240x16xf32, #tpu.memory_space<vmem_shared>>
      %dma_wait3A_469 = tpu.memref_slice %arg12[%dma_wait3A_458] : memref<8x!tpu.dma_semaphore, #tpu.memory_space<semaphore_mem>> -> memref<1x!tpu.dma_semaphore, #tpu.memory_space<semaphore_mem>>
      %dma_wait3A_470 = tpu.memref_squeeze %dma_wait3A_469 : memref<1x!tpu.dma_semaphore, #tpu.memory_space<semaphore_mem>> -> memref<!tpu.dma_semaphore, #tpu.memory_space<semaphore_mem>>
      tpu.wait_indirect_dma semaphore(%dma_wait3A_470 : memref<!tpu.dma_semaphore, #tpu.memory_space<semaphore_mem>>) src(%dma_wait3A_462 : memref<128x16xf32, #tpu.memory_space<vmem>>) dst(%dma_wait3A_468 : memref<10240x16xf32, #tpu.memory_space<vmem_shared>>)
      %lt3A_471 = arith.constant 9 : i32
      %lt3A_472 = arith.cmpi slt, %scan3A_137, %lt3A_471 : i32
      %convert_element_type3A_473 = arith.extui %lt3A_472 : i1 to i32
      %cond3A_474 = arith.constant 0 : i32
      %cond3A_475 = arith.cmpi ne, %convert_element_type3A_473, %cond3A_474 : i32
      scf.if %cond3A_475 {
        %add3A_560 = arith.constant 8 : i32
        %add3A_561 = arith.addi %mul3A_139, %add3A_560 : i32
        %add3A_562 = arith.constant 3 : i32
        %add3A_563 = arith.addi %add3A_561, %add3A_562 : i32
        %dma_start3A_564 = arith.constant 3 : i32
        %dma_start3A_565 = arith.constant 3 : i32
        %dma_start3A_566 = arith.constant 0 : i32
        %dma_start3A_567 = arith.constant 0 : i32
        %dma_start3A_568 = tpu.memref_slice %arg9[%dma_start3A_564, %dma_start3A_566, %dma_start3A_567] : memref<8x128x16xf32, #tpu.memory_space<vmem>> -> memref<1x128x16xf32, #tpu.memory_space<vmem>>
        %dma_start3A_569 = tpu.memref_squeeze %dma_start3A_568 : memref<1x128x16xf32, #tpu.memory_space<vmem>> -> memref<128x16xf32, #tpu.memory_space<vmem>>
        %dma_start3A_570 = arith.constant 0 : i32
        %dma_start3A_571 = tpu.memref_slice %arg7[%add3A_563, %dma_start3A_570] : memref<80x128xi32, #tpu.memory_space<vmem>> -> memref<1x128xi32, #tpu.memory_space<vmem>>
        %dma_start3A_572 = tpu.memref_squeeze %dma_start3A_571 : memref<1x128xi32, #tpu.memory_space<vmem>> -> memref<128xi32, #tpu.memory_space<vmem>>
        %dma_start3A_573 = arith.constant 0 : i32
        %dma_start3A_574 = arith.constant 0 : i32
        %dma_start3A_575 = tpu.memref_slice %arg2[%dma_start3A_573, %dma_start3A_574] : memref<17680x16xf32, #tpu.memory_space<hbm>> -> memref<17680x16xf32, #tpu.memory_space<hbm>>
        %dma_start3A_576 = tpu.memref_slice %arg11[%dma_start3A_565] : memref<8x!tpu.dma_semaphore, #tpu.memory_space<semaphore_mem>> -> memref<1x!tpu.dma_semaphore, #tpu.memory_space<semaphore_mem>>
        %dma_start3A_577 = tpu.memref_squeeze %dma_start3A_576 : memref<1x!tpu.dma_semaphore, #tpu.memory_space<semaphore_mem>> -> memref<!tpu.dma_semaphore, #tpu.memory_space<semaphore_mem>>
        tpu.enqueue_indirect_dma source(%dma_start3A_575 : memref<17680x16xf32, #tpu.memory_space<hbm>>) target(%dma_start3A_569 : memref<128x16xf32, #tpu.memory_space<vmem>>) offsets(%dma_start3A_572 : memref<128xi32, #tpu.memory_space<vmem>>) semaphore(%dma_start3A_577 : memref<!tpu.dma_semaphore, #tpu.memory_space<semaphore_mem>>)
      } else {
      }
      %add3A_476 = arith.constant 4 : i32
      %add3A_477 = arith.addi %mul3A_139, %add3A_476 : i32
      %dma_wait3A_478 = arith.constant 4 : i32
      %dma_wait3A_479 = arith.constant 4 : i32
      %dma_wait3A_480 = arith.constant 0 : i32
      %dma_wait3A_481 = arith.constant 0 : i32
      %dma_wait3A_482 = tpu.memref_slice %arg9[%dma_wait3A_478, %dma_wait3A_480, %dma_wait3A_481] : memref<8x128x16xf32, #tpu.memory_space<vmem>> -> memref<1x128x16xf32, #tpu.memory_space<vmem>>
      %dma_wait3A_483 = tpu.memref_squeeze %dma_wait3A_482 : memref<1x128x16xf32, #tpu.memory_space<vmem>> -> memref<128x16xf32, #tpu.memory_space<vmem>>
      %dma_wait3A_484 = arith.constant 0 : i32
      %dma_wait3A_485 = tpu.memref_slice %arg8[%add3A_477, %dma_wait3A_484] : memref<80x128xi32, #tpu.memory_space<vmem>> -> memref<1x128xi32, #tpu.memory_space<vmem>>
      %dma_wait3A_486 = tpu.memref_squeeze %dma_wait3A_485 : memref<1x128xi32, #tpu.memory_space<vmem>> -> memref<128xi32, #tpu.memory_space<vmem>>
      %dma_wait3A_487 = arith.constant 0 : i32
      %dma_wait3A_488 = arith.constant 0 : i32
      %dma_wait3A_489 = tpu.memref_slice %arg10[%dma_wait3A_487, %dma_wait3A_488] : memref<10240x16xf32, #tpu.memory_space<vmem_shared>> -> memref<10240x16xf32, #tpu.memory_space<vmem_shared>>
      %dma_wait3A_490 = tpu.memref_slice %arg12[%dma_wait3A_479] : memref<8x!tpu.dma_semaphore, #tpu.memory_space<semaphore_mem>> -> memref<1x!tpu.dma_semaphore, #tpu.memory_space<semaphore_mem>>
      %dma_wait3A_491 = tpu.memref_squeeze %dma_wait3A_490 : memref<1x!tpu.dma_semaphore, #tpu.memory_space<semaphore_mem>> -> memref<!tpu.dma_semaphore, #tpu.memory_space<semaphore_mem>>
      tpu.wait_indirect_dma semaphore(%dma_wait3A_491 : memref<!tpu.dma_semaphore, #tpu.memory_space<semaphore_mem>>) src(%dma_wait3A_483 : memref<128x16xf32, #tpu.memory_space<vmem>>) dst(%dma_wait3A_489 : memref<10240x16xf32, #tpu.memory_space<vmem_shared>>)
      %lt3A_492 = arith.constant 9 : i32
      %lt3A_493 = arith.cmpi slt, %scan3A_137, %lt3A_492 : i32
      %convert_element_type3A_494 = arith.extui %lt3A_493 : i1 to i32
      %cond3A_495 = arith.constant 0 : i32
      %cond3A_496 = arith.cmpi ne, %convert_element_type3A_494, %cond3A_495 : i32
      scf.if %cond3A_496 {
        %add3A_560 = arith.constant 8 : i32
        %add3A_561 = arith.addi %mul3A_139, %add3A_560 : i32
        %add3A_562 = arith.constant 4 : i32
        %add3A_563 = arith.addi %add3A_561, %add3A_562 : i32
        %dma_start3A_564 = arith.constant 4 : i32
        %dma_start3A_565 = arith.constant 4 : i32
        %dma_start3A_566 = arith.constant 0 : i32
        %dma_start3A_567 = arith.constant 0 : i32
        %dma_start3A_568 = tpu.memref_slice %arg9[%dma_start3A_564, %dma_start3A_566, %dma_start3A_567] : memref<8x128x16xf32, #tpu.memory_space<vmem>> -> memref<1x128x16xf32, #tpu.memory_space<vmem>>
        %dma_start3A_569 = tpu.memref_squeeze %dma_start3A_568 : memref<1x128x16xf32, #tpu.memory_space<vmem>> -> memref<128x16xf32, #tpu.memory_space<vmem>>
        %dma_start3A_570 = arith.constant 0 : i32
        %dma_start3A_571 = tpu.memref_slice %arg7[%add3A_563, %dma_start3A_570] : memref<80x128xi32, #tpu.memory_space<vmem>> -> memref<1x128xi32, #tpu.memory_space<vmem>>
        %dma_start3A_572 = tpu.memref_squeeze %dma_start3A_571 : memref<1x128xi32, #tpu.memory_space<vmem>> -> memref<128xi32, #tpu.memory_space<vmem>>
        %dma_start3A_573 = arith.constant 0 : i32
        %dma_start3A_574 = arith.constant 0 : i32
        %dma_start3A_575 = tpu.memref_slice %arg2[%dma_start3A_573, %dma_start3A_574] : memref<17680x16xf32, #tpu.memory_space<hbm>> -> memref<17680x16xf32, #tpu.memory_space<hbm>>
        %dma_start3A_576 = tpu.memref_slice %arg11[%dma_start3A_565] : memref<8x!tpu.dma_semaphore, #tpu.memory_space<semaphore_mem>> -> memref<1x!tpu.dma_semaphore, #tpu.memory_space<semaphore_mem>>
        %dma_start3A_577 = tpu.memref_squeeze %dma_start3A_576 : memref<1x!tpu.dma_semaphore, #tpu.memory_space<semaphore_mem>> -> memref<!tpu.dma_semaphore, #tpu.memory_space<semaphore_mem>>
        tpu.enqueue_indirect_dma source(%dma_start3A_575 : memref<17680x16xf32, #tpu.memory_space<hbm>>) target(%dma_start3A_569 : memref<128x16xf32, #tpu.memory_space<vmem>>) offsets(%dma_start3A_572 : memref<128xi32, #tpu.memory_space<vmem>>) semaphore(%dma_start3A_577 : memref<!tpu.dma_semaphore, #tpu.memory_space<semaphore_mem>>)
      } else {
      }
      %add3A_497 = arith.constant 5 : i32
      %add3A_498 = arith.addi %mul3A_139, %add3A_497 : i32
      %dma_wait3A_499 = arith.constant 5 : i32
      %dma_wait3A_500 = arith.constant 5 : i32
      %dma_wait3A_501 = arith.constant 0 : i32
      %dma_wait3A_502 = arith.constant 0 : i32
      %dma_wait3A_503 = tpu.memref_slice %arg9[%dma_wait3A_499, %dma_wait3A_501, %dma_wait3A_502] : memref<8x128x16xf32, #tpu.memory_space<vmem>> -> memref<1x128x16xf32, #tpu.memory_space<vmem>>
      %dma_wait3A_504 = tpu.memref_squeeze %dma_wait3A_503 : memref<1x128x16xf32, #tpu.memory_space<vmem>> -> memref<128x16xf32, #tpu.memory_space<vmem>>
      %dma_wait3A_505 = arith.constant 0 : i32
      %dma_wait3A_506 = tpu.memref_slice %arg8[%add3A_498, %dma_wait3A_505] : memref<80x128xi32, #tpu.memory_space<vmem>> -> memref<1x128xi32, #tpu.memory_space<vmem>>
      %dma_wait3A_507 = tpu.memref_squeeze %dma_wait3A_506 : memref<1x128xi32, #tpu.memory_space<vmem>> -> memref<128xi32, #tpu.memory_space<vmem>>
      %dma_wait3A_508 = arith.constant 0 : i32
      %dma_wait3A_509 = arith.constant 0 : i32
      %dma_wait3A_510 = tpu.memref_slice %arg10[%dma_wait3A_508, %dma_wait3A_509] : memref<10240x16xf32, #tpu.memory_space<vmem_shared>> -> memref<10240x16xf32, #tpu.memory_space<vmem_shared>>
      %dma_wait3A_511 = tpu.memref_slice %arg12[%dma_wait3A_500] : memref<8x!tpu.dma_semaphore, #tpu.memory_space<semaphore_mem>> -> memref<1x!tpu.dma_semaphore, #tpu.memory_space<semaphore_mem>>
      %dma_wait3A_512 = tpu.memref_squeeze %dma_wait3A_511 : memref<1x!tpu.dma_semaphore, #tpu.memory_space<semaphore_mem>> -> memref<!tpu.dma_semaphore, #tpu.memory_space<semaphore_mem>>
      tpu.wait_indirect_dma semaphore(%dma_wait3A_512 : memref<!tpu.dma_semaphore, #tpu.memory_space<semaphore_mem>>) src(%dma_wait3A_504 : memref<128x16xf32, #tpu.memory_space<vmem>>) dst(%dma_wait3A_510 : memref<10240x16xf32, #tpu.memory_space<vmem_shared>>)
      %lt3A_513 = arith.constant 9 : i32
      %lt3A_514 = arith.cmpi slt, %scan3A_137, %lt3A_513 : i32
      %convert_element_type3A_515 = arith.extui %lt3A_514 : i1 to i32
      %cond3A_516 = arith.constant 0 : i32
      %cond3A_517 = arith.cmpi ne, %convert_element_type3A_515, %cond3A_516 : i32
      scf.if %cond3A_517 {
        %add3A_560 = arith.constant 8 : i32
        %add3A_561 = arith.addi %mul3A_139, %add3A_560 : i32
        %add3A_562 = arith.constant 5 : i32
        %add3A_563 = arith.addi %add3A_561, %add3A_562 : i32
        %dma_start3A_564 = arith.constant 5 : i32
        %dma_start3A_565 = arith.constant 5 : i32
        %dma_start3A_566 = arith.constant 0 : i32
        %dma_start3A_567 = arith.constant 0 : i32
        %dma_start3A_568 = tpu.memref_slice %arg9[%dma_start3A_564, %dma_start3A_566, %dma_start3A_567] : memref<8x128x16xf32, #tpu.memory_space<vmem>> -> memref<1x128x16xf32, #tpu.memory_space<vmem>>
        %dma_start3A_569 = tpu.memref_squeeze %dma_start3A_568 : memref<1x128x16xf32, #tpu.memory_space<vmem>> -> memref<128x16xf32, #tpu.memory_space<vmem>>
        %dma_start3A_570 = arith.constant 0 : i32
        %dma_start3A_571 = tpu.memref_slice %arg7[%add3A_563, %dma_start3A_570] : memref<80x128xi32, #tpu.memory_space<vmem>> -> memref<1x128xi32, #tpu.memory_space<vmem>>
        %dma_start3A_572 = tpu.memref_squeeze %dma_start3A_571 : memref<1x128xi32, #tpu.memory_space<vmem>> -> memref<128xi32, #tpu.memory_space<vmem>>
        %dma_start3A_573 = arith.constant 0 : i32
        %dma_start3A_574 = arith.constant 0 : i32
        %dma_start3A_575 = tpu.memref_slice %arg2[%dma_start3A_573, %dma_start3A_574] : memref<17680x16xf32, #tpu.memory_space<hbm>> -> memref<17680x16xf32, #tpu.memory_space<hbm>>
        %dma_start3A_576 = tpu.memref_slice %arg11[%dma_start3A_565] : memref<8x!tpu.dma_semaphore, #tpu.memory_space<semaphore_mem>> -> memref<1x!tpu.dma_semaphore, #tpu.memory_space<semaphore_mem>>
        %dma_start3A_577 = tpu.memref_squeeze %dma_start3A_576 : memref<1x!tpu.dma_semaphore, #tpu.memory_space<semaphore_mem>> -> memref<!tpu.dma_semaphore, #tpu.memory_space<semaphore_mem>>
        tpu.enqueue_indirect_dma source(%dma_start3A_575 : memref<17680x16xf32, #tpu.memory_space<hbm>>) target(%dma_start3A_569 : memref<128x16xf32, #tpu.memory_space<vmem>>) offsets(%dma_start3A_572 : memref<128xi32, #tpu.memory_space<vmem>>) semaphore(%dma_start3A_577 : memref<!tpu.dma_semaphore, #tpu.memory_space<semaphore_mem>>)
      } else {
      }
      %add3A_518 = arith.constant 6 : i32
      %add3A_519 = arith.addi %mul3A_139, %add3A_518 : i32
      %dma_wait3A_520 = arith.constant 6 : i32
      %dma_wait3A_521 = arith.constant 6 : i32
      %dma_wait3A_522 = arith.constant 0 : i32
      %dma_wait3A_523 = arith.constant 0 : i32
      %dma_wait3A_524 = tpu.memref_slice %arg9[%dma_wait3A_520, %dma_wait3A_522, %dma_wait3A_523] : memref<8x128x16xf32, #tpu.memory_space<vmem>> -> memref<1x128x16xf32, #tpu.memory_space<vmem>>
      %dma_wait3A_525 = tpu.memref_squeeze %dma_wait3A_524 : memref<1x128x16xf32, #tpu.memory_space<vmem>> -> memref<128x16xf32, #tpu.memory_space<vmem>>
      %dma_wait3A_526 = arith.constant 0 : i32
      %dma_wait3A_527 = tpu.memref_slice %arg8[%add3A_519, %dma_wait3A_526] : memref<80x128xi32, #tpu.memory_space<vmem>> -> memref<1x128xi32, #tpu.memory_space<vmem>>
      %dma_wait3A_528 = tpu.memref_squeeze %dma_wait3A_527 : memref<1x128xi32, #tpu.memory_space<vmem>> -> memref<128xi32, #tpu.memory_space<vmem>>
      %dma_wait3A_529 = arith.constant 0 : i32
      %dma_wait3A_530 = arith.constant 0 : i32
      %dma_wait3A_531 = tpu.memref_slice %arg10[%dma_wait3A_529, %dma_wait3A_530] : memref<10240x16xf32, #tpu.memory_space<vmem_shared>> -> memref<10240x16xf32, #tpu.memory_space<vmem_shared>>
      %dma_wait3A_532 = tpu.memref_slice %arg12[%dma_wait3A_521] : memref<8x!tpu.dma_semaphore, #tpu.memory_space<semaphore_mem>> -> memref<1x!tpu.dma_semaphore, #tpu.memory_space<semaphore_mem>>
      %dma_wait3A_533 = tpu.memref_squeeze %dma_wait3A_532 : memref<1x!tpu.dma_semaphore, #tpu.memory_space<semaphore_mem>> -> memref<!tpu.dma_semaphore, #tpu.memory_space<semaphore_mem>>
      tpu.wait_indirect_dma semaphore(%dma_wait3A_533 : memref<!tpu.dma_semaphore, #tpu.memory_space<semaphore_mem>>) src(%dma_wait3A_525 : memref<128x16xf32, #tpu.memory_space<vmem>>) dst(%dma_wait3A_531 : memref<10240x16xf32, #tpu.memory_space<vmem_shared>>)
      %lt3A_534 = arith.constant 9 : i32
      %lt3A_535 = arith.cmpi slt, %scan3A_137, %lt3A_534 : i32
      %convert_element_type3A_536 = arith.extui %lt3A_535 : i1 to i32
      %cond3A_537 = arith.constant 0 : i32
      %cond3A_538 = arith.cmpi ne, %convert_element_type3A_536, %cond3A_537 : i32
      scf.if %cond3A_538 {
        %add3A_560 = arith.constant 8 : i32
        %add3A_561 = arith.addi %mul3A_139, %add3A_560 : i32
        %add3A_562 = arith.constant 6 : i32
        %add3A_563 = arith.addi %add3A_561, %add3A_562 : i32
        %dma_start3A_564 = arith.constant 6 : i32
        %dma_start3A_565 = arith.constant 6 : i32
        %dma_start3A_566 = arith.constant 0 : i32
        %dma_start3A_567 = arith.constant 0 : i32
        %dma_start3A_568 = tpu.memref_slice %arg9[%dma_start3A_564, %dma_start3A_566, %dma_start3A_567] : memref<8x128x16xf32, #tpu.memory_space<vmem>> -> memref<1x128x16xf32, #tpu.memory_space<vmem>>
        %dma_start3A_569 = tpu.memref_squeeze %dma_start3A_568 : memref<1x128x16xf32, #tpu.memory_space<vmem>> -> memref<128x16xf32, #tpu.memory_space<vmem>>
        %dma_start3A_570 = arith.constant 0 : i32
        %dma_start3A_571 = tpu.memref_slice %arg7[%add3A_563, %dma_start3A_570] : memref<80x128xi32, #tpu.memory_space<vmem>> -> memref<1x128xi32, #tpu.memory_space<vmem>>
        %dma_start3A_572 = tpu.memref_squeeze %dma_start3A_571 : memref<1x128xi32, #tpu.memory_space<vmem>> -> memref<128xi32, #tpu.memory_space<vmem>>
        %dma_start3A_573 = arith.constant 0 : i32
        %dma_start3A_574 = arith.constant 0 : i32
        %dma_start3A_575 = tpu.memref_slice %arg2[%dma_start3A_573, %dma_start3A_574] : memref<17680x16xf32, #tpu.memory_space<hbm>> -> memref<17680x16xf32, #tpu.memory_space<hbm>>
        %dma_start3A_576 = tpu.memref_slice %arg11[%dma_start3A_565] : memref<8x!tpu.dma_semaphore, #tpu.memory_space<semaphore_mem>> -> memref<1x!tpu.dma_semaphore, #tpu.memory_space<semaphore_mem>>
        %dma_start3A_577 = tpu.memref_squeeze %dma_start3A_576 : memref<1x!tpu.dma_semaphore, #tpu.memory_space<semaphore_mem>> -> memref<!tpu.dma_semaphore, #tpu.memory_space<semaphore_mem>>
        tpu.enqueue_indirect_dma source(%dma_start3A_575 : memref<17680x16xf32, #tpu.memory_space<hbm>>) target(%dma_start3A_569 : memref<128x16xf32, #tpu.memory_space<vmem>>) offsets(%dma_start3A_572 : memref<128xi32, #tpu.memory_space<vmem>>) semaphore(%dma_start3A_577 : memref<!tpu.dma_semaphore, #tpu.memory_space<semaphore_mem>>)
      } else {
      }
      %add3A_539 = arith.constant 7 : i32
      %add3A_540 = arith.addi %mul3A_139, %add3A_539 : i32
      %dma_wait3A_541 = arith.constant 7 : i32
      %dma_wait3A_542 = arith.constant 7 : i32
      %dma_wait3A_543 = arith.constant 0 : i32
      %dma_wait3A_544 = arith.constant 0 : i32
      %dma_wait3A_545 = tpu.memref_slice %arg9[%dma_wait3A_541, %dma_wait3A_543, %dma_wait3A_544] : memref<8x128x16xf32, #tpu.memory_space<vmem>> -> memref<1x128x16xf32, #tpu.memory_space<vmem>>
      %dma_wait3A_546 = tpu.memref_squeeze %dma_wait3A_545 : memref<1x128x16xf32, #tpu.memory_space<vmem>> -> memref<128x16xf32, #tpu.memory_space<vmem>>
      %dma_wait3A_547 = arith.constant 0 : i32
      %dma_wait3A_548 = tpu.memref_slice %arg8[%add3A_540, %dma_wait3A_547] : memref<80x128xi32, #tpu.memory_space<vmem>> -> memref<1x128xi32, #tpu.memory_space<vmem>>
      %dma_wait3A_549 = tpu.memref_squeeze %dma_wait3A_548 : memref<1x128xi32, #tpu.memory_space<vmem>> -> memref<128xi32, #tpu.memory_space<vmem>>
      %dma_wait3A_550 = arith.constant 0 : i32
      %dma_wait3A_551 = arith.constant 0 : i32
      %dma_wait3A_552 = tpu.memref_slice %arg10[%dma_wait3A_550, %dma_wait3A_551] : memref<10240x16xf32, #tpu.memory_space<vmem_shared>> -> memref<10240x16xf32, #tpu.memory_space<vmem_shared>>
      %dma_wait3A_553 = tpu.memref_slice %arg12[%dma_wait3A_542] : memref<8x!tpu.dma_semaphore, #tpu.memory_space<semaphore_mem>> -> memref<1x!tpu.dma_semaphore, #tpu.memory_space<semaphore_mem>>
      %dma_wait3A_554 = tpu.memref_squeeze %dma_wait3A_553 : memref<1x!tpu.dma_semaphore, #tpu.memory_space<semaphore_mem>> -> memref<!tpu.dma_semaphore, #tpu.memory_space<semaphore_mem>>
      tpu.wait_indirect_dma semaphore(%dma_wait3A_554 : memref<!tpu.dma_semaphore, #tpu.memory_space<semaphore_mem>>) src(%dma_wait3A_546 : memref<128x16xf32, #tpu.memory_space<vmem>>) dst(%dma_wait3A_552 : memref<10240x16xf32, #tpu.memory_space<vmem_shared>>)
      %lt3A_555 = arith.constant 9 : i32
      %lt3A_556 = arith.cmpi slt, %scan3A_137, %lt3A_555 : i32
      %convert_element_type3A_557 = arith.extui %lt3A_556 : i1 to i32
      %cond3A_558 = arith.constant 0 : i32
      %cond3A_559 = arith.cmpi ne, %convert_element_type3A_557, %cond3A_558 : i32
      scf.if %cond3A_559 {
        %add3A_560 = arith.constant 8 : i32
        %add3A_561 = arith.addi %mul3A_139, %add3A_560 : i32
        %add3A_562 = arith.constant 7 : i32
        %add3A_563 = arith.addi %add3A_561, %add3A_562 : i32
        %dma_start3A_564 = arith.constant 7 : i32
        %dma_start3A_565 = arith.constant 7 : i32
        %dma_start3A_566 = arith.constant 0 : i32
        %dma_start3A_567 = arith.constant 0 : i32
        %dma_start3A_568 = tpu.memref_slice %arg9[%dma_start3A_564, %dma_start3A_566, %dma_start3A_567] : memref<8x128x16xf32, #tpu.memory_space<vmem>> -> memref<1x128x16xf32, #tpu.memory_space<vmem>>
        %dma_start3A_569 = tpu.memref_squeeze %dma_start3A_568 : memref<1x128x16xf32, #tpu.memory_space<vmem>> -> memref<128x16xf32, #tpu.memory_space<vmem>>
        %dma_start3A_570 = arith.constant 0 : i32
        %dma_start3A_571 = tpu.memref_slice %arg7[%add3A_563, %dma_start3A_570] : memref<80x128xi32, #tpu.memory_space<vmem>> -> memref<1x128xi32, #tpu.memory_space<vmem>>
        %dma_start3A_572 = tpu.memref_squeeze %dma_start3A_571 : memref<1x128xi32, #tpu.memory_space<vmem>> -> memref<128xi32, #tpu.memory_space<vmem>>
        %dma_start3A_573 = arith.constant 0 : i32
        %dma_start3A_574 = arith.constant 0 : i32
        %dma_start3A_575 = tpu.memref_slice %arg2[%dma_start3A_573, %dma_start3A_574] : memref<17680x16xf32, #tpu.memory_space<hbm>> -> memref<17680x16xf32, #tpu.memory_space<hbm>>
        %dma_start3A_576 = tpu.memref_slice %arg11[%dma_start3A_565] : memref<8x!tpu.dma_semaphore, #tpu.memory_space<semaphore_mem>> -> memref<1x!tpu.dma_semaphore, #tpu.memory_space<semaphore_mem>>
        %dma_start3A_577 = tpu.memref_squeeze %dma_start3A_576 : memref<1x!tpu.dma_semaphore, #tpu.memory_space<semaphore_mem>> -> memref<!tpu.dma_semaphore, #tpu.memory_space<semaphore_mem>>
        tpu.enqueue_indirect_dma source(%dma_start3A_575 : memref<17680x16xf32, #tpu.memory_space<hbm>>) target(%dma_start3A_569 : memref<128x16xf32, #tpu.memory_space<vmem>>) offsets(%dma_start3A_572 : memref<128xi32, #tpu.memory_space<vmem>>) semaphore(%dma_start3A_577 : memref<!tpu.dma_semaphore, #tpu.memory_space<semaphore_mem>>)
      } else {
      }
    }
    %scan3A_128 = arith.constant 10 : i32
    %barrier3A_129 = arith.constant 0 : index
    tpu.barrier barrier_id(%barrier3A_129)
    %mul3A_130 = arith.constant 640 : i32
    %mul3A_131 = arith.muli %arg1, %mul3A_130 : i32
    %mul3A_132 = arith.constant 10240 : i32
    %mul3A_133 = arith.muli %arg0, %mul3A_132 : i32
    %mul3A_134 = arith.constant 640 : i32
    %mul3A_135 = arith.muli %arg1, %mul3A_134 : i32
    %add3A_136 = arith.addi %mul3A_133, %mul3A_135 : i32
    "tpu.region"() ({
      %run_scoped3A = tpu.sem_alloc : memref<!tpu.dma_semaphore, #tpu.memory_space<semaphore_mem>>
      %dma_start3A_137 = arith.constant 0 : i32
      %dma_start3A_138 = tpu.memref_slice %arg6[%add3A_136, %dma_start3A_137] : memref<20480x16xf32, #tpu.memory_space<hbm>> -> memref<640x16xf32, #tpu.memory_space<hbm>>
      %dma_start3A_139 = arith.constant 0 : i32
      %dma_start3A_140 = tpu.memref_slice %arg10[%mul3A_131, %dma_start3A_139] : memref<10240x16xf32, #tpu.memory_space<vmem_shared>> -> memref<640x16xf32, #tpu.memory_space<vmem_shared>>
      tpu.enqueue_dma source(%dma_start3A_140 : memref<640x16xf32, #tpu.memory_space<vmem_shared>>) target(%dma_start3A_138 : memref<640x16xf32, #tpu.memory_space<hbm>>) target_semaphore(%run_scoped3A : memref<!tpu.dma_semaphore, #tpu.memory_space<semaphore_mem>>)
      %dma_wait3A = arith.constant 0 : i32
      %dma_wait3A_141 = tpu.memref_slice %arg6[%add3A_136, %dma_wait3A] : memref<20480x16xf32, #tpu.memory_space<hbm>> -> memref<640x16xf32, #tpu.memory_space<hbm>>
      %dma_wait3A_142 = arith.constant 0 : i32
      %dma_wait3A_143 = tpu.memref_slice %arg10[%mul3A_131, %dma_wait3A_142] : memref<10240x16xf32, #tpu.memory_space<vmem_shared>> -> memref<640x16xf32, #tpu.memory_space<vmem_shared>>
      tpu.wait_dma2 semaphore(%run_scoped3A : memref<!tpu.dma_semaphore, #tpu.memory_space<semaphore_mem>>) src(%dma_wait3A_143 : memref<640x16xf32, #tpu.memory_space<vmem_shared>>) dst(%dma_wait3A_141 : memref<640x16xf32, #tpu.memory_space<hbm>>)
      tpu.yield
    }) : () -> ()
    return
  }
}

#map = affine_map<(d0, d1) -> (0, 0)>
#map1 = affine_map<(d0, d1) -> (0, 0, 0)>
module attributes {stable_mosaic.version = 14 : i64} {
  func.func @k(%arg0: i32, %arg1: i32, %arg2: memref<17680x16xf32, #tpu.memory_space<hbm>>, %arg3: memref<32x80x128xi32, #tpu.memory_space<hbm>>, %arg4: memref<32x80x128xi32, #tpu.memory_space<hbm>>, %arg5: memref<10240x16xf32, #tpu.memory_space<hbm>>, %arg6: memref<20480x16xf32, #tpu.memory_space<hbm>>, %arg7: memref<80x128xi32, #tpu.memory_space<vmem>>, %arg8: memref<80x128xi32, #tpu.memory_space<vmem>>, %arg9: memref<8x128x16xf32, #tpu.memory_space<vmem>>, %arg10: memref<10240x16xf32, #tpu.memory_space<vmem_shared>>, %arg11: memref<8x!tpu.dma_semaphore, #tpu.memory_space<semaphore_mem>>, %arg12: memref<8x!tpu.dma_semaphore, #tpu.memory_space<semaphore_mem>>) attributes {dimension_semantics = [#tpu.dimension_semantics<core_parallel>, #tpu.dimension_semantics<subcore_parallel>], iteration_bounds = array<i64: 2, 16>, scalar_prefetch = 0 : i64, scratch_operands = 6 : i64, tpu.core_type = #tpu.core_type<sc_vector_subcore>, window_params = [{transform_indices = #map}, {transform_indices = #map1}, {transform_indices = #map1}, {transform_indices = #map}, {transform_indices = #map}]} {
    %mul3A = arith.constant 16 : i32
    %mul3A_0 = arith.muli %arg0, %mul3A : i32
    %add3A = arith.addi %mul3A_0, %arg1 : i32
    %mul3A_1 = arith.constant 640 : i32
    %mul3A_2 = arith.muli %arg1, %mul3A_1 : i32
    %mul3A_3 = arith.constant 640 : i32
    %mul3A_4 = arith.muli %arg1, %mul3A_3 : i32
    "tpu.region"() ({
      %run_scoped3A = tpu.sem_alloc : memref<!tpu.dma_semaphore, #tpu.memory_space<semaphore_mem>>
      %dma_start3A_137 = arith.constant 0 : i32
      %dma_start3A_138 = tpu.memref_slice %arg10[%mul3A_4, %dma_start3A_137] : memref<10240x16xf32, #tpu.memory_space<vmem_shared>> -> memref<640x16xf32, #tpu.memory_space<vmem_shared>>
      %dma_start3A_139 = arith.constant 0 : i32
      %dma_start3A_140 = tpu.memref_slice %arg5[%mul3A_2, %dma_start3A_139] : memref<10240x16xf32, #tpu.memory_space<hbm>> -> memref<640x16xf32, #tpu.memory_space<hbm>>
      tpu.enqueue_dma source(%dma_start3A_140 : memref<640x16xf32, #tpu.memory_space<hbm>>) target(%dma_start3A_138 : memref<640x16xf32, #tpu.memory_space<vmem_shared>>) target_semaphore(%run_scoped3A : memref<!tpu.dma_semaphore, #tpu.memory_space<semaphore_mem>>)
      %dma_wait3A = arith.constant 0 : i32
      %dma_wait3A_141 = tpu.memref_slice %arg10[%mul3A_4, %dma_wait3A] : memref<10240x16xf32, #tpu.memory_space<vmem_shared>> -> memref<640x16xf32, #tpu.memory_space<vmem_shared>>
      %dma_wait3A_142 = arith.constant 0 : i32
      %dma_wait3A_143 = tpu.memref_slice %arg5[%mul3A_2, %dma_wait3A_142] : memref<10240x16xf32, #tpu.memory_space<hbm>> -> memref<640x16xf32, #tpu.memory_space<hbm>>
      tpu.wait_dma2 semaphore(%run_scoped3A : memref<!tpu.dma_semaphore, #tpu.memory_space<semaphore_mem>>) src(%dma_wait3A_143 : memref<640x16xf32, #tpu.memory_space<hbm>>) dst(%dma_wait3A_141 : memref<640x16xf32, #tpu.memory_space<vmem_shared>>)
      tpu.yield
    }) : () -> ()
    "tpu.region"() ({
      %run_scoped3A = tpu.sem_alloc : memref<!tpu.dma_semaphore, #tpu.memory_space<semaphore_mem>>
      %dma_start3A_137 = arith.constant 0 : i32
      %dma_start3A_138 = arith.constant 0 : i32
      %dma_start3A_139 = tpu.memref_slice %arg3[%add3A, %dma_start3A_137, %dma_start3A_138] : memref<32x80x128xi32, #tpu.memory_space<hbm>> -> memref<1x80x128xi32, #tpu.memory_space<hbm>>
      %dma_start3A_140 = tpu.memref_squeeze %dma_start3A_139 : memref<1x80x128xi32, #tpu.memory_space<hbm>> -> memref<80x128xi32, #tpu.memory_space<hbm>>
      %dma_start3A_141 = arith.constant 0 : i32
      %dma_start3A_142 = arith.constant 0 : i32
      %dma_start3A_143 = tpu.memref_slice %arg3[%add3A, %dma_start3A_141, %dma_start3A_142] : memref<32x80x128xi32, #tpu.memory_space<hbm>> -> memref<1x80x128xi32, #tpu.memory_space<hbm>>
      %dma_start3A_144 = tpu.memref_squeeze %dma_start3A_143 : memref<1x80x128xi32, #tpu.memory_space<hbm>> -> memref<80x128xi32, #tpu.memory_space<hbm>>
      tpu.enqueue_dma source(%dma_start3A_144 : memref<80x128xi32, #tpu.memory_space<hbm>>) target(%arg7 : memref<80x128xi32, #tpu.memory_space<vmem>>) target_semaphore(%run_scoped3A : memref<!tpu.dma_semaphore, #tpu.memory_space<semaphore_mem>>)
      %dma_wait3A = arith.constant 0 : i32
      %dma_wait3A_145 = arith.constant 0 : i32
      %dma_wait3A_146 = tpu.memref_slice %arg3[%add3A, %dma_wait3A, %dma_wait3A_145] : memref<32x80x128xi32, #tpu.memory_space<hbm>> -> memref<1x80x128xi32, #tpu.memory_space<hbm>>
      %dma_wait3A_147 = tpu.memref_squeeze %dma_wait3A_146 : memref<1x80x128xi32, #tpu.memory_space<hbm>> -> memref<80x128xi32, #tpu.memory_space<hbm>>
      %dma_wait3A_148 = arith.constant 0 : i32
      %dma_wait3A_149 = arith.constant 0 : i32
      %dma_wait3A_150 = tpu.memref_slice %arg3[%add3A, %dma_wait3A_148, %dma_wait3A_149] : memref<32x80x128xi32, #tpu.memory_space<hbm>> -> memref<1x80x128xi32, #tpu.memory_space<hbm>>
      %dma_wait3A_151 = tpu.memref_squeeze %dma_wait3A_150 : memref<1x80x128xi32, #tpu.memory_space<hbm>> -> memref<80x128xi32, #tpu.memory_space<hbm>>
      tpu.wait_dma2 semaphore(%run_scoped3A : memref<!tpu.dma_semaphore, #tpu.memory_space<semaphore_mem>>) src(%dma_wait3A_151 : memref<80x128xi32, #tpu.memory_space<hbm>>) dst(%arg7 : memref<80x128xi32, #tpu.memory_space<vmem>>)
      tpu.yield
    }) : () -> ()
    "tpu.region"() ({
      %run_scoped3A = tpu.sem_alloc : memref<!tpu.dma_semaphore, #tpu.memory_space<semaphore_mem>>
      %dma_start3A_137 = arith.constant 0 : i32
      %dma_start3A_138 = arith.constant 0 : i32
      %dma_start3A_139 = tpu.memref_slice %arg4[%add3A, %dma_start3A_137, %dma_start3A_138] : memref<32x80x128xi32, #tpu.memory_space<hbm>> -> memref<1x80x128xi32, #tpu.memory_space<hbm>>
      %dma_start3A_140 = tpu.memref_squeeze %dma_start3A_139 : memref<1x80x128xi32, #tpu.memory_space<hbm>> -> memref<80x128xi32, #tpu.memory_space<hbm>>
      %dma_start3A_141 = arith.constant 0 : i32
      %dma_start3A_142 = arith.constant 0 : i32
      %dma_start3A_143 = tpu.memref_slice %arg4[%add3A, %dma_start3A_141, %dma_start3A_142] : memref<32x80x128xi32, #tpu.memory_space<hbm>> -> memref<1x80x128xi32, #tpu.memory_space<hbm>>
      %dma_start3A_144 = tpu.memref_squeeze %dma_start3A_143 : memref<1x80x128xi32, #tpu.memory_space<hbm>> -> memref<80x128xi32, #tpu.memory_space<hbm>>
      tpu.enqueue_dma source(%dma_start3A_144 : memref<80x128xi32, #tpu.memory_space<hbm>>) target(%arg8 : memref<80x128xi32, #tpu.memory_space<vmem>>) target_semaphore(%run_scoped3A : memref<!tpu.dma_semaphore, #tpu.memory_space<semaphore_mem>>)
      %dma_wait3A = arith.constant 0 : i32
      %dma_wait3A_145 = arith.constant 0 : i32
      %dma_wait3A_146 = tpu.memref_slice %arg4[%add3A, %dma_wait3A, %dma_wait3A_145] : memref<32x80x128xi32, #tpu.memory_space<hbm>> -> memref<1x80x128xi32, #tpu.memory_space<hbm>>
      %dma_wait3A_147 = tpu.memref_squeeze %dma_wait3A_146 : memref<1x80x128xi32, #tpu.memory_space<hbm>> -> memref<80x128xi32, #tpu.memory_space<hbm>>
      %dma_wait3A_148 = arith.constant 0 : i32
      %dma_wait3A_149 = arith.constant 0 : i32
      %dma_wait3A_150 = tpu.memref_slice %arg4[%add3A, %dma_wait3A_148, %dma_wait3A_149] : memref<32x80x128xi32, #tpu.memory_space<hbm>> -> memref<1x80x128xi32, #tpu.memory_space<hbm>>
      %dma_wait3A_151 = tpu.memref_squeeze %dma_wait3A_150 : memref<1x80x128xi32, #tpu.memory_space<hbm>> -> memref<80x128xi32, #tpu.memory_space<hbm>>
      tpu.wait_dma2 semaphore(%run_scoped3A : memref<!tpu.dma_semaphore, #tpu.memory_space<semaphore_mem>>) src(%dma_wait3A_151 : memref<80x128xi32, #tpu.memory_space<hbm>>) dst(%arg8 : memref<80x128xi32, #tpu.memory_space<vmem>>)
      tpu.yield
    }) : () -> ()
    %barrier3A = arith.constant 0 : index
    tpu.barrier barrier_id(%barrier3A)
    %dma_start3A = arith.constant 0 : i32
    %dma_start3A_5 = arith.constant 0 : i32
    %dma_start3A_6 = arith.constant 0 : i32
    %dma_start3A_7 = arith.constant 0 : i32
    %dma_start3A_8 = arith.constant 0 : i32
    %dma_start3A_9 = tpu.memref_slice %arg9[%dma_start3A_5, %dma_start3A_7, %dma_start3A_8] : memref<8x128x16xf32, #tpu.memory_space<vmem>> -> memref<1x128x16xf32, #tpu.memory_space<vmem>>
    %dma_start3A_10 = tpu.memref_squeeze %dma_start3A_9 : memref<1x128x16xf32, #tpu.memory_space<vmem>> -> memref<128x16xf32, #tpu.memory_space<vmem>>
    %dma_start3A_11 = arith.constant 0 : i32
    %dma_start3A_12 = tpu.memref_slice %arg7[%dma_start3A, %dma_start3A_11] : memref<80x128xi32, #tpu.memory_space<vmem>> -> memref<1x128xi32, #tpu.memory_space<vmem>>
    %dma_start3A_13 = tpu.memref_squeeze %dma_start3A_12 : memref<1x128xi32, #tpu.memory_space<vmem>> -> memref<128xi32, #tpu.memory_space<vmem>>
    %dma_start3A_14 = arith.constant 0 : i32
    %dma_start3A_15 = arith.constant 0 : i32
    %dma_start3A_16 = tpu.memref_slice %arg2[%dma_start3A_14, %dma_start3A_15] : memref<17680x16xf32, #tpu.memory_space<hbm>> -> memref<17680x16xf32, #tpu.memory_space<hbm>>
    %dma_start3A_17 = tpu.memref_slice %arg11[%dma_start3A_6] : memref<8x!tpu.dma_semaphore, #tpu.memory_space<semaphore_mem>> -> memref<1x!tpu.dma_semaphore, #tpu.memory_space<semaphore_mem>>
    %dma_start3A_18 = tpu.memref_squeeze %dma_start3A_17 : memref<1x!tpu.dma_semaphore, #tpu.memory_space<semaphore_mem>> -> memref<!tpu.dma_semaphore, #tpu.memory_space<semaphore_mem>>
    tpu.enqueue_indirect_dma source(%dma_start3A_16 : memref<17680x16xf32, #tpu.memory_space<hbm>>) target(%dma_start3A_10 : memref<128x16xf32, #tpu.memory_space<vmem>>) offsets(%dma_start3A_13 : memref<128xi32, #tpu.memory_space<vmem>>) semaphore(%dma_start3A_18 : memref<!tpu.dma_semaphore, #tpu.memory_space<semaphore_mem>>)
    %dma_start3A_19 = arith.constant 1 : i32
    %dma_start3A_20 = arith.constant 1 : i32
    %dma_start3A_21 = arith.constant 1 : i32
    %dma_start3A_22 = arith.constant 0 : i32
    %dma_start3A_23 = arith.constant 0 : i32
    %dma_start3A_24 = tpu.memref_slice %arg9[%dma_start3A_20, %dma_start3A_22, %dma_start3A_23] : memref<8x128x16xf32, #tpu.memory_space<vmem>> -> memref<1x128x16xf32, #tpu.memory_space<vmem>>
    %dma_start3A_25 = tpu.memref_squeeze %dma_start3A_24 : memref<1x128x16xf32, #tpu.memory_space<vmem>> -> memref<128x16xf32, #tpu.memory_space<vmem>>
    %dma_start3A_26 = arith.constant 0 : i32
    %dma_start3A_27 = tpu.memref_slice %arg7[%dma_start3A_19, %dma_start3A_26] : memref<80x128xi32, #tpu.memory_space<vmem>> -> memref<1x128xi32, #tpu.memory_space<vmem>>
    %dma_start3A_28 = tpu.memref_squeeze %dma_start3A_27 : memref<1x128xi32, #tpu.memory_space<vmem>> -> memref<128xi32, #tpu.memory_space<vmem>>
    %dma_start3A_29 = arith.constant 0 : i32
    %dma_start3A_30 = arith.constant 0 : i32
    %dma_start3A_31 = tpu.memref_slice %arg2[%dma_start3A_29, %dma_start3A_30] : memref<17680x16xf32, #tpu.memory_space<hbm>> -> memref<17680x16xf32, #tpu.memory_space<hbm>>
    %dma_start3A_32 = tpu.memref_slice %arg11[%dma_start3A_21] : memref<8x!tpu.dma_semaphore, #tpu.memory_space<semaphore_mem>> -> memref<1x!tpu.dma_semaphore, #tpu.memory_space<semaphore_mem>>
    %dma_start3A_33 = tpu.memref_squeeze %dma_start3A_32 : memref<1x!tpu.dma_semaphore, #tpu.memory_space<semaphore_mem>> -> memref<!tpu.dma_semaphore, #tpu.memory_space<semaphore_mem>>
    tpu.enqueue_indirect_dma source(%dma_start3A_31 : memref<17680x16xf32, #tpu.memory_space<hbm>>) target(%dma_start3A_25 : memref<128x16xf32, #tpu.memory_space<vmem>>) offsets(%dma_start3A_28 : memref<128xi32, #tpu.memory_space<vmem>>) semaphore(%dma_start3A_33 : memref<!tpu.dma_semaphore, #tpu.memory_space<semaphore_mem>>)
    %dma_start3A_34 = arith.constant 2 : i32
    %dma_start3A_35 = arith.constant 2 : i32
    %dma_start3A_36 = arith.constant 2 : i32
    %dma_start3A_37 = arith.constant 0 : i32
    %dma_start3A_38 = arith.constant 0 : i32
    %dma_start3A_39 = tpu.memref_slice %arg9[%dma_start3A_35, %dma_start3A_37, %dma_start3A_38] : memref<8x128x16xf32, #tpu.memory_space<vmem>> -> memref<1x128x16xf32, #tpu.memory_space<vmem>>
    %dma_start3A_40 = tpu.memref_squeeze %dma_start3A_39 : memref<1x128x16xf32, #tpu.memory_space<vmem>> -> memref<128x16xf32, #tpu.memory_space<vmem>>
    %dma_start3A_41 = arith.constant 0 : i32
    %dma_start3A_42 = tpu.memref_slice %arg7[%dma_start3A_34, %dma_start3A_41] : memref<80x128xi32, #tpu.memory_space<vmem>> -> memref<1x128xi32, #tpu.memory_space<vmem>>
    %dma_start3A_43 = tpu.memref_squeeze %dma_start3A_42 : memref<1x128xi32, #tpu.memory_space<vmem>> -> memref<128xi32, #tpu.memory_space<vmem>>
    %dma_start3A_44 = arith.constant 0 : i32
    %dma_start3A_45 = arith.constant 0 : i32
    %dma_start3A_46 = tpu.memref_slice %arg2[%dma_start3A_44, %dma_start3A_45] : memref<17680x16xf32, #tpu.memory_space<hbm>> -> memref<17680x16xf32, #tpu.memory_space<hbm>>
    %dma_start3A_47 = tpu.memref_slice %arg11[%dma_start3A_36] : memref<8x!tpu.dma_semaphore, #tpu.memory_space<semaphore_mem>> -> memref<1x!tpu.dma_semaphore, #tpu.memory_space<semaphore_mem>>
    %dma_start3A_48 = tpu.memref_squeeze %dma_start3A_47 : memref<1x!tpu.dma_semaphore, #tpu.memory_space<semaphore_mem>> -> memref<!tpu.dma_semaphore, #tpu.memory_space<semaphore_mem>>
    tpu.enqueue_indirect_dma source(%dma_start3A_46 : memref<17680x16xf32, #tpu.memory_space<hbm>>) target(%dma_start3A_40 : memref<128x16xf32, #tpu.memory_space<vmem>>) offsets(%dma_start3A_43 : memref<128xi32, #tpu.memory_space<vmem>>) semaphore(%dma_start3A_48 : memref<!tpu.dma_semaphore, #tpu.memory_space<semaphore_mem>>)
    %dma_start3A_49 = arith.constant 3 : i32
    %dma_start3A_50 = arith.constant 3 : i32
    %dma_start3A_51 = arith.constant 3 : i32
    %dma_start3A_52 = arith.constant 0 : i32
    %dma_start3A_53 = arith.constant 0 : i32
    %dma_start3A_54 = tpu.memref_slice %arg9[%dma_start3A_50, %dma_start3A_52, %dma_start3A_53] : memref<8x128x16xf32, #tpu.memory_space<vmem>> -> memref<1x128x16xf32, #tpu.memory_space<vmem>>
    %dma_start3A_55 = tpu.memref_squeeze %dma_start3A_54 : memref<1x128x16xf32, #tpu.memory_space<vmem>> -> memref<128x16xf32, #tpu.memory_space<vmem>>
    %dma_start3A_56 = arith.constant 0 : i32
    %dma_start3A_57 = tpu.memref_slice %arg7[%dma_start3A_49, %dma_start3A_56] : memref<80x128xi32, #tpu.memory_space<vmem>> -> memref<1x128xi32, #tpu.memory_space<vmem>>
    %dma_start3A_58 = tpu.memref_squeeze %dma_start3A_57 : memref<1x128xi32, #tpu.memory_space<vmem>> -> memref<128xi32, #tpu.memory_space<vmem>>
    %dma_start3A_59 = arith.constant 0 : i32
    %dma_start3A_60 = arith.constant 0 : i32
    %dma_start3A_61 = tpu.memref_slice %arg2[%dma_start3A_59, %dma_start3A_60] : memref<17680x16xf32, #tpu.memory_space<hbm>> -> memref<17680x16xf32, #tpu.memory_space<hbm>>
    %dma_start3A_62 = tpu.memref_slice %arg11[%dma_start3A_51] : memref<8x!tpu.dma_semaphore, #tpu.memory_space<semaphore_mem>> -> memref<1x!tpu.dma_semaphore, #tpu.memory_space<semaphore_mem>>
    %dma_start3A_63 = tpu.memref_squeeze %dma_start3A_62 : memref<1x!tpu.dma_semaphore, #tpu.memory_space<semaphore_mem>> -> memref<!tpu.dma_semaphore, #tpu.memory_space<semaphore_mem>>
    tpu.enqueue_indirect_dma source(%dma_start3A_61 : memref<17680x16xf32, #tpu.memory_space<hbm>>) target(%dma_start3A_55 : memref<128x16xf32, #tpu.memory_space<vmem>>) offsets(%dma_start3A_58 : memref<128xi32, #tpu.memory_space<vmem>>) semaphore(%dma_start3A_63 : memref<!tpu.dma_semaphore, #tpu.memory_space<semaphore_mem>>)
    %dma_start3A_64 = arith.constant 4 : i32
    %dma_start3A_65 = arith.constant 4 : i32
    %dma_start3A_66 = arith.constant 4 : i32
    %dma_start3A_67 = arith.constant 0 : i32
    %dma_start3A_68 = arith.constant 0 : i32
    %dma_start3A_69 = tpu.memref_slice %arg9[%dma_start3A_65, %dma_start3A_67, %dma_start3A_68] : memref<8x128x16xf32, #tpu.memory_space<vmem>> -> memref<1x128x16xf32, #tpu.memory_space<vmem>>
    %dma_start3A_70 = tpu.memref_squeeze %dma_start3A_69 : memref<1x128x16xf32, #tpu.memory_space<vmem>> -> memref<128x16xf32, #tpu.memory_space<vmem>>
    %dma_start3A_71 = arith.constant 0 : i32
    %dma_start3A_72 = tpu.memref_slice %arg7[%dma_start3A_64, %dma_start3A_71] : memref<80x128xi32, #tpu.memory_space<vmem>> -> memref<1x128xi32, #tpu.memory_space<vmem>>
    %dma_start3A_73 = tpu.memref_squeeze %dma_start3A_72 : memref<1x128xi32, #tpu.memory_space<vmem>> -> memref<128xi32, #tpu.memory_space<vmem>>
    %dma_start3A_74 = arith.constant 0 : i32
    %dma_start3A_75 = arith.constant 0 : i32
    %dma_start3A_76 = tpu.memref_slice %arg2[%dma_start3A_74, %dma_start3A_75] : memref<17680x16xf32, #tpu.memory_space<hbm>> -> memref<17680x16xf32, #tpu.memory_space<hbm>>
    %dma_start3A_77 = tpu.memref_slice %arg11[%dma_start3A_66] : memref<8x!tpu.dma_semaphore, #tpu.memory_space<semaphore_mem>> -> memref<1x!tpu.dma_semaphore, #tpu.memory_space<semaphore_mem>>
    %dma_start3A_78 = tpu.memref_squeeze %dma_start3A_77 : memref<1x!tpu.dma_semaphore, #tpu.memory_space<semaphore_mem>> -> memref<!tpu.dma_semaphore, #tpu.memory_space<semaphore_mem>>
    tpu.enqueue_indirect_dma source(%dma_start3A_76 : memref<17680x16xf32, #tpu.memory_space<hbm>>) target(%dma_start3A_70 : memref<128x16xf32, #tpu.memory_space<vmem>>) offsets(%dma_start3A_73 : memref<128xi32, #tpu.memory_space<vmem>>) semaphore(%dma_start3A_78 : memref<!tpu.dma_semaphore, #tpu.memory_space<semaphore_mem>>)
    %dma_start3A_79 = arith.constant 5 : i32
    %dma_start3A_80 = arith.constant 5 : i32
    %dma_start3A_81 = arith.constant 5 : i32
    %dma_start3A_82 = arith.constant 0 : i32
    %dma_start3A_83 = arith.constant 0 : i32
    %dma_start3A_84 = tpu.memref_slice %arg9[%dma_start3A_80, %dma_start3A_82, %dma_start3A_83] : memref<8x128x16xf32, #tpu.memory_space<vmem>> -> memref<1x128x16xf32, #tpu.memory_space<vmem>>
    %dma_start3A_85 = tpu.memref_squeeze %dma_start3A_84 : memref<1x128x16xf32, #tpu.memory_space<vmem>> -> memref<128x16xf32, #tpu.memory_space<vmem>>
    %dma_start3A_86 = arith.constant 0 : i32
    %dma_start3A_87 = tpu.memref_slice %arg7[%dma_start3A_79, %dma_start3A_86] : memref<80x128xi32, #tpu.memory_space<vmem>> -> memref<1x128xi32, #tpu.memory_space<vmem>>
    %dma_start3A_88 = tpu.memref_squeeze %dma_start3A_87 : memref<1x128xi32, #tpu.memory_space<vmem>> -> memref<128xi32, #tpu.memory_space<vmem>>
    %dma_start3A_89 = arith.constant 0 : i32
    %dma_start3A_90 = arith.constant 0 : i32
    %dma_start3A_91 = tpu.memref_slice %arg2[%dma_start3A_89, %dma_start3A_90] : memref<17680x16xf32, #tpu.memory_space<hbm>> -> memref<17680x16xf32, #tpu.memory_space<hbm>>
    %dma_start3A_92 = tpu.memref_slice %arg11[%dma_start3A_81] : memref<8x!tpu.dma_semaphore, #tpu.memory_space<semaphore_mem>> -> memref<1x!tpu.dma_semaphore, #tpu.memory_space<semaphore_mem>>
    %dma_start3A_93 = tpu.memref_squeeze %dma_start3A_92 : memref<1x!tpu.dma_semaphore, #tpu.memory_space<semaphore_mem>> -> memref<!tpu.dma_semaphore, #tpu.memory_space<semaphore_mem>>
    tpu.enqueue_indirect_dma source(%dma_start3A_91 : memref<17680x16xf32, #tpu.memory_space<hbm>>) target(%dma_start3A_85 : memref<128x16xf32, #tpu.memory_space<vmem>>) offsets(%dma_start3A_88 : memref<128xi32, #tpu.memory_space<vmem>>) semaphore(%dma_start3A_93 : memref<!tpu.dma_semaphore, #tpu.memory_space<semaphore_mem>>)
    %dma_start3A_94 = arith.constant 6 : i32
    %dma_start3A_95 = arith.constant 6 : i32
    %dma_start3A_96 = arith.constant 6 : i32
    %dma_start3A_97 = arith.constant 0 : i32
    %dma_start3A_98 = arith.constant 0 : i32
    %dma_start3A_99 = tpu.memref_slice %arg9[%dma_start3A_95, %dma_start3A_97, %dma_start3A_98] : memref<8x128x16xf32, #tpu.memory_space<vmem>> -> memref<1x128x16xf32, #tpu.memory_space<vmem>>
    %dma_start3A_100 = tpu.memref_squeeze %dma_start3A_99 : memref<1x128x16xf32, #tpu.memory_space<vmem>> -> memref<128x16xf32, #tpu.memory_space<vmem>>
    %dma_start3A_101 = arith.constant 0 : i32
    %dma_start3A_102 = tpu.memref_slice %arg7[%dma_start3A_94, %dma_start3A_101] : memref<80x128xi32, #tpu.memory_space<vmem>> -> memref<1x128xi32, #tpu.memory_space<vmem>>
    %dma_start3A_103 = tpu.memref_squeeze %dma_start3A_102 : memref<1x128xi32, #tpu.memory_space<vmem>> -> memref<128xi32, #tpu.memory_space<vmem>>
    %dma_start3A_104 = arith.constant 0 : i32
    %dma_start3A_105 = arith.constant 0 : i32
    %dma_start3A_106 = tpu.memref_slice %arg2[%dma_start3A_104, %dma_start3A_105] : memref<17680x16xf32, #tpu.memory_space<hbm>> -> memref<17680x16xf32, #tpu.memory_space<hbm>>
    %dma_start3A_107 = tpu.memref_slice %arg11[%dma_start3A_96] : memref<8x!tpu.dma_semaphore, #tpu.memory_space<semaphore_mem>> -> memref<1x!tpu.dma_semaphore, #tpu.memory_space<semaphore_mem>>
    %dma_start3A_108 = tpu.memref_squeeze %dma_start3A_107 : memref<1x!tpu.dma_semaphore, #tpu.memory_space<semaphore_mem>> -> memref<!tpu.dma_semaphore, #tpu.memory_space<semaphore_mem>>
    tpu.enqueue_indirect_dma source(%dma_start3A_106 : memref<17680x16xf32, #tpu.memory_space<hbm>>) target(%dma_start3A_100 : memref<128x16xf32, #tpu.memory_space<vmem>>) offsets(%dma_start3A_103 : memref<128xi32, #tpu.memory_space<vmem>>) semaphore(%dma_start3A_108 : memref<!tpu.dma_semaphore, #tpu.memory_space<semaphore_mem>>)
    %dma_start3A_109 = arith.constant 7 : i32
    %dma_start3A_110 = arith.constant 7 : i32
    %dma_start3A_111 = arith.constant 7 : i32
    %dma_start3A_112 = arith.constant 0 : i32
    %dma_start3A_113 = arith.constant 0 : i32
    %dma_start3A_114 = tpu.memref_slice %arg9[%dma_start3A_110, %dma_start3A_112, %dma_start3A_113] : memref<8x128x16xf32, #tpu.memory_space<vmem>> -> memref<1x128x16xf32, #tpu.memory_space<vmem>>
    %dma_start3A_115 = tpu.memref_squeeze %dma_start3A_114 : memref<1x128x16xf32, #tpu.memory_space<vmem>> -> memref<128x16xf32, #tpu.memory_space<vmem>>
    %dma_start3A_116 = arith.constant 0 : i32
    %dma_start3A_117 = tpu.memref_slice %arg7[%dma_start3A_109, %dma_start3A_116] : memref<80x128xi32, #tpu.memory_space<vmem>> -> memref<1x128xi32, #tpu.memory_space<vmem>>
    %dma_start3A_118 = tpu.memref_squeeze %dma_start3A_117 : memref<1x128xi32, #tpu.memory_space<vmem>> -> memref<128xi32, #tpu.memory_space<vmem>>
    %dma_start3A_119 = arith.constant 0 : i32
    %dma_start3A_120 = arith.constant 0 : i32
    %dma_start3A_121 = tpu.memref_slice %arg2[%dma_start3A_119, %dma_start3A_120] : memref<17680x16xf32, #tpu.memory_space<hbm>> -> memref<17680x16xf32, #tpu.memory_space<hbm>>
    %dma_start3A_122 = tpu.memref_slice %arg11[%dma_start3A_111] : memref<8x!tpu.dma_semaphore, #tpu.memory_space<semaphore_mem>> -> memref<1x!tpu.dma_semaphore, #tpu.memory_space<semaphore_mem>>
    %dma_start3A_123 = tpu.memref_squeeze %dma_start3A_122 : memref<1x!tpu.dma_semaphore, #tpu.memory_space<semaphore_mem>> -> memref<!tpu.dma_semaphore, #tpu.memory_space<semaphore_mem>>
    tpu.enqueue_indirect_dma source(%dma_start3A_121 : memref<17680x16xf32, #tpu.memory_space<hbm>>) target(%dma_start3A_115 : memref<128x16xf32, #tpu.memory_space<vmem>>) offsets(%dma_start3A_118 : memref<128xi32, #tpu.memory_space<vmem>>) semaphore(%dma_start3A_123 : memref<!tpu.dma_semaphore, #tpu.memory_space<semaphore_mem>>)
    %scan3A = arith.constant 0 : i32
    %scan3A_124 = arith.constant 0 : i32
    %scan3A_125 = arith.constant 10 : i32
    %scan3A_126 = arith.addi %scan3A_124, %scan3A_125 : i32
    %scan3A_127 = arith.constant 1 : i32
    scf.for %scan3A_137 = %scan3A_124 to %scan3A_126 step %scan3A_127  : i32 {
      %mul3A_138 = arith.constant 8 : i32
      %mul3A_139 = arith.muli %scan3A_137, %mul3A_138 : i32
      %add3A_140 = arith.constant 0 : i32
      %add3A_141 = arith.addi %mul3A_139, %add3A_140 : i32
      %dma_wait3A = arith.constant 0 : i32
      %dma_wait3A_142 = arith.constant 0 : i32
      %dma_wait3A_143 = arith.constant 0 : i32
      %dma_wait3A_144 = arith.constant 0 : i32
      %dma_wait3A_145 = tpu.memref_slice %arg9[%dma_wait3A, %dma_wait3A_143, %dma_wait3A_144] : memref<8x128x16xf32, #tpu.memory_space<vmem>> -> memref<1x128x16xf32, #tpu.memory_space<vmem>>
      %dma_wait3A_146 = tpu.memref_squeeze %dma_wait3A_145 : memref<1x128x16xf32, #tpu.memory_space<vmem>> -> memref<128x16xf32, #tpu.memory_space<vmem>>
      %dma_wait3A_147 = arith.constant 0 : i32
      %dma_wait3A_148 = tpu.memref_slice %arg7[%add3A_141, %dma_wait3A_147] : memref<80x128xi32, #tpu.memory_space<vmem>> -> memref<1x128xi32, #tpu.memory_space<vmem>>
      %dma_wait3A_149 = tpu.memref_squeeze %dma_wait3A_148 : memref<1x128xi32, #tpu.memory_space<vmem>> -> memref<128xi32, #tpu.memory_space<vmem>>
      %dma_wait3A_150 = arith.constant 0 : i32
      %dma_wait3A_151 = arith.constant 0 : i32
      %dma_wait3A_152 = tpu.memref_slice %arg2[%dma_wait3A_150, %dma_wait3A_151] : memref<17680x16xf32, #tpu.memory_space<hbm>> -> memref<17680x16xf32, #tpu.memory_space<hbm>>
      %dma_wait3A_153 = tpu.memref_slice %arg11[%dma_wait3A_142] : memref<8x!tpu.dma_semaphore, #tpu.memory_space<semaphore_mem>> -> memref<1x!tpu.dma_semaphore, #tpu.memory_space<semaphore_mem>>
      %dma_wait3A_154 = tpu.memref_squeeze %dma_wait3A_153 : memref<1x!tpu.dma_semaphore, #tpu.memory_space<semaphore_mem>> -> memref<!tpu.dma_semaphore, #tpu.memory_space<semaphore_mem>>
      tpu.wait_indirect_dma semaphore(%dma_wait3A_154 : memref<!tpu.dma_semaphore, #tpu.memory_space<semaphore_mem>>) src(%dma_wait3A_152 : memref<17680x16xf32, #tpu.memory_space<hbm>>) dst(%dma_wait3A_146 : memref<128x16xf32, #tpu.memory_space<vmem>>)
      %add3A_155 = arith.constant 0 : i32
      %add3A_156 = arith.addi %mul3A_139, %add3A_155 : i32
      %dma_start3A_157 = arith.constant 0 : i32
      %dma_start3A_158 = arith.constant 0 : i32
      %dma_start3A_159 = arith.constant 0 : i32
      %dma_start3A_160 = arith.constant 0 : i32
      %dma_start3A_161 = tpu.memref_slice %arg9[%dma_start3A_157, %dma_start3A_159, %dma_start3A_160] : memref<8x128x16xf32, #tpu.memory_space<vmem>> -> memref<1x128x16xf32, #tpu.memory_space<vmem>>
      %dma_start3A_162 = tpu.memref_squeeze %dma_start3A_161 : memref<1x128x16xf32, #tpu.memory_space<vmem>> -> memref<128x16xf32, #tpu.memory_space<vmem>>
      %dma_start3A_163 = arith.constant 0 : i32
      %dma_start3A_164 = tpu.memref_slice %arg8[%add3A_156, %dma_start3A_163] : memref<80x128xi32, #tpu.memory_space<vmem>> -> memref<1x128xi32, #tpu.memory_space<vmem>>
      %dma_start3A_165 = tpu.memref_squeeze %dma_start3A_164 : memref<1x128xi32, #tpu.memory_space<vmem>> -> memref<128xi32, #tpu.memory_space<vmem>>
      %dma_start3A_166 = arith.constant 0 : i32
      %dma_start3A_167 = arith.constant 0 : i32
      %dma_start3A_168 = tpu.memref_slice %arg10[%dma_start3A_166, %dma_start3A_167] : memref<10240x16xf32, #tpu.memory_space<vmem_shared>> -> memref<10240x16xf32, #tpu.memory_space<vmem_shared>>
      %dma_start3A_169 = tpu.memref_slice %arg12[%dma_start3A_158] : memref<8x!tpu.dma_semaphore, #tpu.memory_space<semaphore_mem>> -> memref<1x!tpu.dma_semaphore, #tpu.memory_space<semaphore_mem>>
      %dma_start3A_170 = tpu.memref_squeeze %dma_start3A_169 : memref<1x!tpu.dma_semaphore, #tpu.memory_space<semaphore_mem>> -> memref<!tpu.dma_semaphore, #tpu.memory_space<semaphore_mem>>
      tpu.enqueue_indirect_dma source(%dma_start3A_162 : memref<128x16xf32, #tpu.memory_space<vmem>>) target(%dma_start3A_168 : memref<10240x16xf32, #tpu.memory_space<vmem_shared>>) offsets(%dma_start3A_165 : memref<128xi32, #tpu.memory_space<vmem>>) semaphore(%dma_start3A_170 : memref<!tpu.dma_semaphore, #tpu.memory_space<semaphore_mem>>) {add = true}
      %add3A_171 = arith.constant 1 : i32
      %add3A_172 = arith.addi %mul3A_139, %add3A_171 : i32
      %dma_wait3A_173 = arith.constant 1 : i32
      %dma_wait3A_174 = arith.constant 1 : i32
      %dma_wait3A_175 = arith.constant 0 : i32
      %dma_wait3A_176 = arith.constant 0 : i32
      %dma_wait3A_177 = tpu.memref_slice %arg9[%dma_wait3A_173, %dma_wait3A_175, %dma_wait3A_176] : memref<8x128x16xf32, #tpu.memory_space<vmem>> -> memref<1x128x16xf32, #tpu.memory_space<vmem>>
      %dma_wait3A_178 = tpu.memref_squeeze %dma_wait3A_177 : memref<1x128x16xf32, #tpu.memory_space<vmem>> -> memref<128x16xf32, #tpu.memory_space<vmem>>
      %dma_wait3A_179 = arith.constant 0 : i32
      %dma_wait3A_180 = tpu.memref_slice %arg7[%add3A_172, %dma_wait3A_179] : memref<80x128xi32, #tpu.memory_space<vmem>> -> memref<1x128xi32, #tpu.memory_space<vmem>>
      %dma_wait3A_181 = tpu.memref_squeeze %dma_wait3A_180 : memref<1x128xi32, #tpu.memory_space<vmem>> -> memref<128xi32, #tpu.memory_space<vmem>>
      %dma_wait3A_182 = arith.constant 0 : i32
      %dma_wait3A_183 = arith.constant 0 : i32
      %dma_wait3A_184 = tpu.memref_slice %arg2[%dma_wait3A_182, %dma_wait3A_183] : memref<17680x16xf32, #tpu.memory_space<hbm>> -> memref<17680x16xf32, #tpu.memory_space<hbm>>
      %dma_wait3A_185 = tpu.memref_slice %arg11[%dma_wait3A_174] : memref<8x!tpu.dma_semaphore, #tpu.memory_space<semaphore_mem>> -> memref<1x!tpu.dma_semaphore, #tpu.memory_space<semaphore_mem>>
      %dma_wait3A_186 = tpu.memref_squeeze %dma_wait3A_185 : memref<1x!tpu.dma_semaphore, #tpu.memory_space<semaphore_mem>> -> memref<!tpu.dma_semaphore, #tpu.memory_space<semaphore_mem>>
      tpu.wait_indirect_dma semaphore(%dma_wait3A_186 : memref<!tpu.dma_semaphore, #tpu.memory_space<semaphore_mem>>) src(%dma_wait3A_184 : memref<17680x16xf32, #tpu.memory_space<hbm>>) dst(%dma_wait3A_178 : memref<128x16xf32, #tpu.memory_space<vmem>>)
      %add3A_187 = arith.constant 1 : i32
      %add3A_188 = arith.addi %mul3A_139, %add3A_187 : i32
      %dma_start3A_189 = arith.constant 1 : i32
      %dma_start3A_190 = arith.constant 1 : i32
      %dma_start3A_191 = arith.constant 0 : i32
      %dma_start3A_192 = arith.constant 0 : i32
      %dma_start3A_193 = tpu.memref_slice %arg9[%dma_start3A_189, %dma_start3A_191, %dma_start3A_192] : memref<8x128x16xf32, #tpu.memory_space<vmem>> -> memref<1x128x16xf32, #tpu.memory_space<vmem>>
      %dma_start3A_194 = tpu.memref_squeeze %dma_start3A_193 : memref<1x128x16xf32, #tpu.memory_space<vmem>> -> memref<128x16xf32, #tpu.memory_space<vmem>>
      %dma_start3A_195 = arith.constant 0 : i32
      %dma_start3A_196 = tpu.memref_slice %arg8[%add3A_188, %dma_start3A_195] : memref<80x128xi32, #tpu.memory_space<vmem>> -> memref<1x128xi32, #tpu.memory_space<vmem>>
      %dma_start3A_197 = tpu.memref_squeeze %dma_start3A_196 : memref<1x128xi32, #tpu.memory_space<vmem>> -> memref<128xi32, #tpu.memory_space<vmem>>
      %dma_start3A_198 = arith.constant 0 : i32
      %dma_start3A_199 = arith.constant 0 : i32
      %dma_start3A_200 = tpu.memref_slice %arg10[%dma_start3A_198, %dma_start3A_199] : memref<10240x16xf32, #tpu.memory_space<vmem_shared>> -> memref<10240x16xf32, #tpu.memory_space<vmem_shared>>
      %dma_start3A_201 = tpu.memref_slice %arg12[%dma_start3A_190] : memref<8x!tpu.dma_semaphore, #tpu.memory_space<semaphore_mem>> -> memref<1x!tpu.dma_semaphore, #tpu.memory_space<semaphore_mem>>
      %dma_start3A_202 = tpu.memref_squeeze %dma_start3A_201 : memref<1x!tpu.dma_semaphore, #tpu.memory_space<semaphore_mem>> -> memref<!tpu.dma_semaphore, #tpu.memory_space<semaphore_mem>>
      tpu.enqueue_indirect_dma source(%dma_start3A_194 : memref<128x16xf32, #tpu.memory_space<vmem>>) target(%dma_start3A_200 : memref<10240x16xf32, #tpu.memory_space<vmem_shared>>) offsets(%dma_start3A_197 : memref<128xi32, #tpu.memory_space<vmem>>) semaphore(%dma_start3A_202 : memref<!tpu.dma_semaphore, #tpu.memory_space<semaphore_mem>>) {add = true}
      %add3A_203 = arith.constant 2 : i32
      %add3A_204 = arith.addi %mul3A_139, %add3A_203 : i32
      %dma_wait3A_205 = arith.constant 2 : i32
      %dma_wait3A_206 = arith.constant 2 : i32
      %dma_wait3A_207 = arith.constant 0 : i32
      %dma_wait3A_208 = arith.constant 0 : i32
      %dma_wait3A_209 = tpu.memref_slice %arg9[%dma_wait3A_205, %dma_wait3A_207, %dma_wait3A_208] : memref<8x128x16xf32, #tpu.memory_space<vmem>> -> memref<1x128x16xf32, #tpu.memory_space<vmem>>
      %dma_wait3A_210 = tpu.memref_squeeze %dma_wait3A_209 : memref<1x128x16xf32, #tpu.memory_space<vmem>> -> memref<128x16xf32, #tpu.memory_space<vmem>>
      %dma_wait3A_211 = arith.constant 0 : i32
      %dma_wait3A_212 = tpu.memref_slice %arg7[%add3A_204, %dma_wait3A_211] : memref<80x128xi32, #tpu.memory_space<vmem>> -> memref<1x128xi32, #tpu.memory_space<vmem>>
      %dma_wait3A_213 = tpu.memref_squeeze %dma_wait3A_212 : memref<1x128xi32, #tpu.memory_space<vmem>> -> memref<128xi32, #tpu.memory_space<vmem>>
      %dma_wait3A_214 = arith.constant 0 : i32
      %dma_wait3A_215 = arith.constant 0 : i32
      %dma_wait3A_216 = tpu.memref_slice %arg2[%dma_wait3A_214, %dma_wait3A_215] : memref<17680x16xf32, #tpu.memory_space<hbm>> -> memref<17680x16xf32, #tpu.memory_space<hbm>>
      %dma_wait3A_217 = tpu.memref_slice %arg11[%dma_wait3A_206] : memref<8x!tpu.dma_semaphore, #tpu.memory_space<semaphore_mem>> -> memref<1x!tpu.dma_semaphore, #tpu.memory_space<semaphore_mem>>
      %dma_wait3A_218 = tpu.memref_squeeze %dma_wait3A_217 : memref<1x!tpu.dma_semaphore, #tpu.memory_space<semaphore_mem>> -> memref<!tpu.dma_semaphore, #tpu.memory_space<semaphore_mem>>
      tpu.wait_indirect_dma semaphore(%dma_wait3A_218 : memref<!tpu.dma_semaphore, #tpu.memory_space<semaphore_mem>>) src(%dma_wait3A_216 : memref<17680x16xf32, #tpu.memory_space<hbm>>) dst(%dma_wait3A_210 : memref<128x16xf32, #tpu.memory_space<vmem>>)
      %add3A_219 = arith.constant 2 : i32
      %add3A_220 = arith.addi %mul3A_139, %add3A_219 : i32
      %dma_start3A_221 = arith.constant 2 : i32
      %dma_start3A_222 = arith.constant 2 : i32
      %dma_start3A_223 = arith.constant 0 : i32
      %dma_start3A_224 = arith.constant 0 : i32
      %dma_start3A_225 = tpu.memref_slice %arg9[%dma_start3A_221, %dma_start3A_223, %dma_start3A_224] : memref<8x128x16xf32, #tpu.memory_space<vmem>> -> memref<1x128x16xf32, #tpu.memory_space<vmem>>
      %dma_start3A_226 = tpu.memref_squeeze %dma_start3A_225 : memref<1x128x16xf32, #tpu.memory_space<vmem>> -> memref<128x16xf32, #tpu.memory_space<vmem>>
      %dma_start3A_227 = arith.constant 0 : i32
      %dma_start3A_228 = tpu.memref_slice %arg8[%add3A_220, %dma_start3A_227] : memref<80x128xi32, #tpu.memory_space<vmem>> -> memref<1x128xi32, #tpu.memory_space<vmem>>
      %dma_start3A_229 = tpu.memref_squeeze %dma_start3A_228 : memref<1x128xi32, #tpu.memory_space<vmem>> -> memref<128xi32, #tpu.memory_space<vmem>>
      %dma_start3A_230 = arith.constant 0 : i32
      %dma_start3A_231 = arith.constant 0 : i32
      %dma_start3A_232 = tpu.memref_slice %arg10[%dma_start3A_230, %dma_start3A_231] : memref<10240x16xf32, #tpu.memory_space<vmem_shared>> -> memref<10240x16xf32, #tpu.memory_space<vmem_shared>>
      %dma_start3A_233 = tpu.memref_slice %arg12[%dma_start3A_222] : memref<8x!tpu.dma_semaphore, #tpu.memory_space<semaphore_mem>> -> memref<1x!tpu.dma_semaphore, #tpu.memory_space<semaphore_mem>>
      %dma_start3A_234 = tpu.memref_squeeze %dma_start3A_233 : memref<1x!tpu.dma_semaphore, #tpu.memory_space<semaphore_mem>> -> memref<!tpu.dma_semaphore, #tpu.memory_space<semaphore_mem>>
      tpu.enqueue_indirect_dma source(%dma_start3A_226 : memref<128x16xf32, #tpu.memory_space<vmem>>) target(%dma_start3A_232 : memref<10240x16xf32, #tpu.memory_space<vmem_shared>>) offsets(%dma_start3A_229 : memref<128xi32, #tpu.memory_space<vmem>>) semaphore(%dma_start3A_234 : memref<!tpu.dma_semaphore, #tpu.memory_space<semaphore_mem>>) {add = true}
      %add3A_235 = arith.constant 3 : i32
      %add3A_236 = arith.addi %mul3A_139, %add3A_235 : i32
      %dma_wait3A_237 = arith.constant 3 : i32
      %dma_wait3A_238 = arith.constant 3 : i32
      %dma_wait3A_239 = arith.constant 0 : i32
      %dma_wait3A_240 = arith.constant 0 : i32
      %dma_wait3A_241 = tpu.memref_slice %arg9[%dma_wait3A_237, %dma_wait3A_239, %dma_wait3A_240] : memref<8x128x16xf32, #tpu.memory_space<vmem>> -> memref<1x128x16xf32, #tpu.memory_space<vmem>>
      %dma_wait3A_242 = tpu.memref_squeeze %dma_wait3A_241 : memref<1x128x16xf32, #tpu.memory_space<vmem>> -> memref<128x16xf32, #tpu.memory_space<vmem>>
      %dma_wait3A_243 = arith.constant 0 : i32
      %dma_wait3A_244 = tpu.memref_slice %arg7[%add3A_236, %dma_wait3A_243] : memref<80x128xi32, #tpu.memory_space<vmem>> -> memref<1x128xi32, #tpu.memory_space<vmem>>
      %dma_wait3A_245 = tpu.memref_squeeze %dma_wait3A_244 : memref<1x128xi32, #tpu.memory_space<vmem>> -> memref<128xi32, #tpu.memory_space<vmem>>
      %dma_wait3A_246 = arith.constant 0 : i32
      %dma_wait3A_247 = arith.constant 0 : i32
      %dma_wait3A_248 = tpu.memref_slice %arg2[%dma_wait3A_246, %dma_wait3A_247] : memref<17680x16xf32, #tpu.memory_space<hbm>> -> memref<17680x16xf32, #tpu.memory_space<hbm>>
      %dma_wait3A_249 = tpu.memref_slice %arg11[%dma_wait3A_238] : memref<8x!tpu.dma_semaphore, #tpu.memory_space<semaphore_mem>> -> memref<1x!tpu.dma_semaphore, #tpu.memory_space<semaphore_mem>>
      %dma_wait3A_250 = tpu.memref_squeeze %dma_wait3A_249 : memref<1x!tpu.dma_semaphore, #tpu.memory_space<semaphore_mem>> -> memref<!tpu.dma_semaphore, #tpu.memory_space<semaphore_mem>>
      tpu.wait_indirect_dma semaphore(%dma_wait3A_250 : memref<!tpu.dma_semaphore, #tpu.memory_space<semaphore_mem>>) src(%dma_wait3A_248 : memref<17680x16xf32, #tpu.memory_space<hbm>>) dst(%dma_wait3A_242 : memref<128x16xf32, #tpu.memory_space<vmem>>)
      %add3A_251 = arith.constant 3 : i32
      %add3A_252 = arith.addi %mul3A_139, %add3A_251 : i32
      %dma_start3A_253 = arith.constant 3 : i32
      %dma_start3A_254 = arith.constant 3 : i32
      %dma_start3A_255 = arith.constant 0 : i32
      %dma_start3A_256 = arith.constant 0 : i32
      %dma_start3A_257 = tpu.memref_slice %arg9[%dma_start3A_253, %dma_start3A_255, %dma_start3A_256] : memref<8x128x16xf32, #tpu.memory_space<vmem>> -> memref<1x128x16xf32, #tpu.memory_space<vmem>>
      %dma_start3A_258 = tpu.memref_squeeze %dma_start3A_257 : memref<1x128x16xf32, #tpu.memory_space<vmem>> -> memref<128x16xf32, #tpu.memory_space<vmem>>
      %dma_start3A_259 = arith.constant 0 : i32
      %dma_start3A_260 = tpu.memref_slice %arg8[%add3A_252, %dma_start3A_259] : memref<80x128xi32, #tpu.memory_space<vmem>> -> memref<1x128xi32, #tpu.memory_space<vmem>>
      %dma_start3A_261 = tpu.memref_squeeze %dma_start3A_260 : memref<1x128xi32, #tpu.memory_space<vmem>> -> memref<128xi32, #tpu.memory_space<vmem>>
      %dma_start3A_262 = arith.constant 0 : i32
      %dma_start3A_263 = arith.constant 0 : i32
      %dma_start3A_264 = tpu.memref_slice %arg10[%dma_start3A_262, %dma_start3A_263] : memref<10240x16xf32, #tpu.memory_space<vmem_shared>> -> memref<10240x16xf32, #tpu.memory_space<vmem_shared>>
      %dma_start3A_265 = tpu.memref_slice %arg12[%dma_start3A_254] : memref<8x!tpu.dma_semaphore, #tpu.memory_space<semaphore_mem>> -> memref<1x!tpu.dma_semaphore, #tpu.memory_space<semaphore_mem>>
      %dma_start3A_266 = tpu.memref_squeeze %dma_start3A_265 : memref<1x!tpu.dma_semaphore, #tpu.memory_space<semaphore_mem>> -> memref<!tpu.dma_semaphore, #tpu.memory_space<semaphore_mem>>
      tpu.enqueue_indirect_dma source(%dma_start3A_258 : memref<128x16xf32, #tpu.memory_space<vmem>>) target(%dma_start3A_264 : memref<10240x16xf32, #tpu.memory_space<vmem_shared>>) offsets(%dma_start3A_261 : memref<128xi32, #tpu.memory_space<vmem>>) semaphore(%dma_start3A_266 : memref<!tpu.dma_semaphore, #tpu.memory_space<semaphore_mem>>) {add = true}
      %add3A_267 = arith.constant 4 : i32
      %add3A_268 = arith.addi %mul3A_139, %add3A_267 : i32
      %dma_wait3A_269 = arith.constant 4 : i32
      %dma_wait3A_270 = arith.constant 4 : i32
      %dma_wait3A_271 = arith.constant 0 : i32
      %dma_wait3A_272 = arith.constant 0 : i32
      %dma_wait3A_273 = tpu.memref_slice %arg9[%dma_wait3A_269, %dma_wait3A_271, %dma_wait3A_272] : memref<8x128x16xf32, #tpu.memory_space<vmem>> -> memref<1x128x16xf32, #tpu.memory_space<vmem>>
      %dma_wait3A_274 = tpu.memref_squeeze %dma_wait3A_273 : memref<1x128x16xf32, #tpu.memory_space<vmem>> -> memref<128x16xf32, #tpu.memory_space<vmem>>
      %dma_wait3A_275 = arith.constant 0 : i32
      %dma_wait3A_276 = tpu.memref_slice %arg7[%add3A_268, %dma_wait3A_275] : memref<80x128xi32, #tpu.memory_space<vmem>> -> memref<1x128xi32, #tpu.memory_space<vmem>>
      %dma_wait3A_277 = tpu.memref_squeeze %dma_wait3A_276 : memref<1x128xi32, #tpu.memory_space<vmem>> -> memref<128xi32, #tpu.memory_space<vmem>>
      %dma_wait3A_278 = arith.constant 0 : i32
      %dma_wait3A_279 = arith.constant 0 : i32
      %dma_wait3A_280 = tpu.memref_slice %arg2[%dma_wait3A_278, %dma_wait3A_279] : memref<17680x16xf32, #tpu.memory_space<hbm>> -> memref<17680x16xf32, #tpu.memory_space<hbm>>
      %dma_wait3A_281 = tpu.memref_slice %arg11[%dma_wait3A_270] : memref<8x!tpu.dma_semaphore, #tpu.memory_space<semaphore_mem>> -> memref<1x!tpu.dma_semaphore, #tpu.memory_space<semaphore_mem>>
      %dma_wait3A_282 = tpu.memref_squeeze %dma_wait3A_281 : memref<1x!tpu.dma_semaphore, #tpu.memory_space<semaphore_mem>> -> memref<!tpu.dma_semaphore, #tpu.memory_space<semaphore_mem>>
      tpu.wait_indirect_dma semaphore(%dma_wait3A_282 : memref<!tpu.dma_semaphore, #tpu.memory_space<semaphore_mem>>) src(%dma_wait3A_280 : memref<17680x16xf32, #tpu.memory_space<hbm>>) dst(%dma_wait3A_274 : memref<128x16xf32, #tpu.memory_space<vmem>>)
      %add3A_283 = arith.constant 4 : i32
      %add3A_284 = arith.addi %mul3A_139, %add3A_283 : i32
      %dma_start3A_285 = arith.constant 4 : i32
      %dma_start3A_286 = arith.constant 4 : i32
      %dma_start3A_287 = arith.constant 0 : i32
      %dma_start3A_288 = arith.constant 0 : i32
      %dma_start3A_289 = tpu.memref_slice %arg9[%dma_start3A_285, %dma_start3A_287, %dma_start3A_288] : memref<8x128x16xf32, #tpu.memory_space<vmem>> -> memref<1x128x16xf32, #tpu.memory_space<vmem>>
      %dma_start3A_290 = tpu.memref_squeeze %dma_start3A_289 : memref<1x128x16xf32, #tpu.memory_space<vmem>> -> memref<128x16xf32, #tpu.memory_space<vmem>>
      %dma_start3A_291 = arith.constant 0 : i32
      %dma_start3A_292 = tpu.memref_slice %arg8[%add3A_284, %dma_start3A_291] : memref<80x128xi32, #tpu.memory_space<vmem>> -> memref<1x128xi32, #tpu.memory_space<vmem>>
      %dma_start3A_293 = tpu.memref_squeeze %dma_start3A_292 : memref<1x128xi32, #tpu.memory_space<vmem>> -> memref<128xi32, #tpu.memory_space<vmem>>
      %dma_start3A_294 = arith.constant 0 : i32
      %dma_start3A_295 = arith.constant 0 : i32
      %dma_start3A_296 = tpu.memref_slice %arg10[%dma_start3A_294, %dma_start3A_295] : memref<10240x16xf32, #tpu.memory_space<vmem_shared>> -> memref<10240x16xf32, #tpu.memory_space<vmem_shared>>
      %dma_start3A_297 = tpu.memref_slice %arg12[%dma_start3A_286] : memref<8x!tpu.dma_semaphore, #tpu.memory_space<semaphore_mem>> -> memref<1x!tpu.dma_semaphore, #tpu.memory_space<semaphore_mem>>
      %dma_start3A_298 = tpu.memref_squeeze %dma_start3A_297 : memref<1x!tpu.dma_semaphore, #tpu.memory_space<semaphore_mem>> -> memref<!tpu.dma_semaphore, #tpu.memory_space<semaphore_mem>>
      tpu.enqueue_indirect_dma source(%dma_start3A_290 : memref<128x16xf32, #tpu.memory_space<vmem>>) target(%dma_start3A_296 : memref<10240x16xf32, #tpu.memory_space<vmem_shared>>) offsets(%dma_start3A_293 : memref<128xi32, #tpu.memory_space<vmem>>) semaphore(%dma_start3A_298 : memref<!tpu.dma_semaphore, #tpu.memory_space<semaphore_mem>>) {add = true}
      %add3A_299 = arith.constant 5 : i32
      %add3A_300 = arith.addi %mul3A_139, %add3A_299 : i32
      %dma_wait3A_301 = arith.constant 5 : i32
      %dma_wait3A_302 = arith.constant 5 : i32
      %dma_wait3A_303 = arith.constant 0 : i32
      %dma_wait3A_304 = arith.constant 0 : i32
      %dma_wait3A_305 = tpu.memref_slice %arg9[%dma_wait3A_301, %dma_wait3A_303, %dma_wait3A_304] : memref<8x128x16xf32, #tpu.memory_space<vmem>> -> memref<1x128x16xf32, #tpu.memory_space<vmem>>
      %dma_wait3A_306 = tpu.memref_squeeze %dma_wait3A_305 : memref<1x128x16xf32, #tpu.memory_space<vmem>> -> memref<128x16xf32, #tpu.memory_space<vmem>>
      %dma_wait3A_307 = arith.constant 0 : i32
      %dma_wait3A_308 = tpu.memref_slice %arg7[%add3A_300, %dma_wait3A_307] : memref<80x128xi32, #tpu.memory_space<vmem>> -> memref<1x128xi32, #tpu.memory_space<vmem>>
      %dma_wait3A_309 = tpu.memref_squeeze %dma_wait3A_308 : memref<1x128xi32, #tpu.memory_space<vmem>> -> memref<128xi32, #tpu.memory_space<vmem>>
      %dma_wait3A_310 = arith.constant 0 : i32
      %dma_wait3A_311 = arith.constant 0 : i32
      %dma_wait3A_312 = tpu.memref_slice %arg2[%dma_wait3A_310, %dma_wait3A_311] : memref<17680x16xf32, #tpu.memory_space<hbm>> -> memref<17680x16xf32, #tpu.memory_space<hbm>>
      %dma_wait3A_313 = tpu.memref_slice %arg11[%dma_wait3A_302] : memref<8x!tpu.dma_semaphore, #tpu.memory_space<semaphore_mem>> -> memref<1x!tpu.dma_semaphore, #tpu.memory_space<semaphore_mem>>
      %dma_wait3A_314 = tpu.memref_squeeze %dma_wait3A_313 : memref<1x!tpu.dma_semaphore, #tpu.memory_space<semaphore_mem>> -> memref<!tpu.dma_semaphore, #tpu.memory_space<semaphore_mem>>
      tpu.wait_indirect_dma semaphore(%dma_wait3A_314 : memref<!tpu.dma_semaphore, #tpu.memory_space<semaphore_mem>>) src(%dma_wait3A_312 : memref<17680x16xf32, #tpu.memory_space<hbm>>) dst(%dma_wait3A_306 : memref<128x16xf32, #tpu.memory_space<vmem>>)
      %add3A_315 = arith.constant 5 : i32
      %add3A_316 = arith.addi %mul3A_139, %add3A_315 : i32
      %dma_start3A_317 = arith.constant 5 : i32
      %dma_start3A_318 = arith.constant 5 : i32
      %dma_start3A_319 = arith.constant 0 : i32
      %dma_start3A_320 = arith.constant 0 : i32
      %dma_start3A_321 = tpu.memref_slice %arg9[%dma_start3A_317, %dma_start3A_319, %dma_start3A_320] : memref<8x128x16xf32, #tpu.memory_space<vmem>> -> memref<1x128x16xf32, #tpu.memory_space<vmem>>
      %dma_start3A_322 = tpu.memref_squeeze %dma_start3A_321 : memref<1x128x16xf32, #tpu.memory_space<vmem>> -> memref<128x16xf32, #tpu.memory_space<vmem>>
      %dma_start3A_323 = arith.constant 0 : i32
      %dma_start3A_324 = tpu.memref_slice %arg8[%add3A_316, %dma_start3A_323] : memref<80x128xi32, #tpu.memory_space<vmem>> -> memref<1x128xi32, #tpu.memory_space<vmem>>
      %dma_start3A_325 = tpu.memref_squeeze %dma_start3A_324 : memref<1x128xi32, #tpu.memory_space<vmem>> -> memref<128xi32, #tpu.memory_space<vmem>>
      %dma_start3A_326 = arith.constant 0 : i32
      %dma_start3A_327 = arith.constant 0 : i32
      %dma_start3A_328 = tpu.memref_slice %arg10[%dma_start3A_326, %dma_start3A_327] : memref<10240x16xf32, #tpu.memory_space<vmem_shared>> -> memref<10240x16xf32, #tpu.memory_space<vmem_shared>>
      %dma_start3A_329 = tpu.memref_slice %arg12[%dma_start3A_318] : memref<8x!tpu.dma_semaphore, #tpu.memory_space<semaphore_mem>> -> memref<1x!tpu.dma_semaphore, #tpu.memory_space<semaphore_mem>>
      %dma_start3A_330 = tpu.memref_squeeze %dma_start3A_329 : memref<1x!tpu.dma_semaphore, #tpu.memory_space<semaphore_mem>> -> memref<!tpu.dma_semaphore, #tpu.memory_space<semaphore_mem>>
      tpu.enqueue_indirect_dma source(%dma_start3A_322 : memref<128x16xf32, #tpu.memory_space<vmem>>) target(%dma_start3A_328 : memref<10240x16xf32, #tpu.memory_space<vmem_shared>>) offsets(%dma_start3A_325 : memref<128xi32, #tpu.memory_space<vmem>>) semaphore(%dma_start3A_330 : memref<!tpu.dma_semaphore, #tpu.memory_space<semaphore_mem>>) {add = true}
      %add3A_331 = arith.constant 6 : i32
      %add3A_332 = arith.addi %mul3A_139, %add3A_331 : i32
      %dma_wait3A_333 = arith.constant 6 : i32
      %dma_wait3A_334 = arith.constant 6 : i32
      %dma_wait3A_335 = arith.constant 0 : i32
      %dma_wait3A_336 = arith.constant 0 : i32
      %dma_wait3A_337 = tpu.memref_slice %arg9[%dma_wait3A_333, %dma_wait3A_335, %dma_wait3A_336] : memref<8x128x16xf32, #tpu.memory_space<vmem>> -> memref<1x128x16xf32, #tpu.memory_space<vmem>>
      %dma_wait3A_338 = tpu.memref_squeeze %dma_wait3A_337 : memref<1x128x16xf32, #tpu.memory_space<vmem>> -> memref<128x16xf32, #tpu.memory_space<vmem>>
      %dma_wait3A_339 = arith.constant 0 : i32
      %dma_wait3A_340 = tpu.memref_slice %arg7[%add3A_332, %dma_wait3A_339] : memref<80x128xi32, #tpu.memory_space<vmem>> -> memref<1x128xi32, #tpu.memory_space<vmem>>
      %dma_wait3A_341 = tpu.memref_squeeze %dma_wait3A_340 : memref<1x128xi32, #tpu.memory_space<vmem>> -> memref<128xi32, #tpu.memory_space<vmem>>
      %dma_wait3A_342 = arith.constant 0 : i32
      %dma_wait3A_343 = arith.constant 0 : i32
      %dma_wait3A_344 = tpu.memref_slice %arg2[%dma_wait3A_342, %dma_wait3A_343] : memref<17680x16xf32, #tpu.memory_space<hbm>> -> memref<17680x16xf32, #tpu.memory_space<hbm>>
      %dma_wait3A_345 = tpu.memref_slice %arg11[%dma_wait3A_334] : memref<8x!tpu.dma_semaphore, #tpu.memory_space<semaphore_mem>> -> memref<1x!tpu.dma_semaphore, #tpu.memory_space<semaphore_mem>>
      %dma_wait3A_346 = tpu.memref_squeeze %dma_wait3A_345 : memref<1x!tpu.dma_semaphore, #tpu.memory_space<semaphore_mem>> -> memref<!tpu.dma_semaphore, #tpu.memory_space<semaphore_mem>>
      tpu.wait_indirect_dma semaphore(%dma_wait3A_346 : memref<!tpu.dma_semaphore, #tpu.memory_space<semaphore_mem>>) src(%dma_wait3A_344 : memref<17680x16xf32, #tpu.memory_space<hbm>>) dst(%dma_wait3A_338 : memref<128x16xf32, #tpu.memory_space<vmem>>)
      %add3A_347 = arith.constant 6 : i32
      %add3A_348 = arith.addi %mul3A_139, %add3A_347 : i32
      %dma_start3A_349 = arith.constant 6 : i32
      %dma_start3A_350 = arith.constant 6 : i32
      %dma_start3A_351 = arith.constant 0 : i32
      %dma_start3A_352 = arith.constant 0 : i32
      %dma_start3A_353 = tpu.memref_slice %arg9[%dma_start3A_349, %dma_start3A_351, %dma_start3A_352] : memref<8x128x16xf32, #tpu.memory_space<vmem>> -> memref<1x128x16xf32, #tpu.memory_space<vmem>>
      %dma_start3A_354 = tpu.memref_squeeze %dma_start3A_353 : memref<1x128x16xf32, #tpu.memory_space<vmem>> -> memref<128x16xf32, #tpu.memory_space<vmem>>
      %dma_start3A_355 = arith.constant 0 : i32
      %dma_start3A_356 = tpu.memref_slice %arg8[%add3A_348, %dma_start3A_355] : memref<80x128xi32, #tpu.memory_space<vmem>> -> memref<1x128xi32, #tpu.memory_space<vmem>>
      %dma_start3A_357 = tpu.memref_squeeze %dma_start3A_356 : memref<1x128xi32, #tpu.memory_space<vmem>> -> memref<128xi32, #tpu.memory_space<vmem>>
      %dma_start3A_358 = arith.constant 0 : i32
      %dma_start3A_359 = arith.constant 0 : i32
      %dma_start3A_360 = tpu.memref_slice %arg10[%dma_start3A_358, %dma_start3A_359] : memref<10240x16xf32, #tpu.memory_space<vmem_shared>> -> memref<10240x16xf32, #tpu.memory_space<vmem_shared>>
      %dma_start3A_361 = tpu.memref_slice %arg12[%dma_start3A_350] : memref<8x!tpu.dma_semaphore, #tpu.memory_space<semaphore_mem>> -> memref<1x!tpu.dma_semaphore, #tpu.memory_space<semaphore_mem>>
      %dma_start3A_362 = tpu.memref_squeeze %dma_start3A_361 : memref<1x!tpu.dma_semaphore, #tpu.memory_space<semaphore_mem>> -> memref<!tpu.dma_semaphore, #tpu.memory_space<semaphore_mem>>
      tpu.enqueue_indirect_dma source(%dma_start3A_354 : memref<128x16xf32, #tpu.memory_space<vmem>>) target(%dma_start3A_360 : memref<10240x16xf32, #tpu.memory_space<vmem_shared>>) offsets(%dma_start3A_357 : memref<128xi32, #tpu.memory_space<vmem>>) semaphore(%dma_start3A_362 : memref<!tpu.dma_semaphore, #tpu.memory_space<semaphore_mem>>) {add = true}
      %add3A_363 = arith.constant 7 : i32
      %add3A_364 = arith.addi %mul3A_139, %add3A_363 : i32
      %dma_wait3A_365 = arith.constant 7 : i32
      %dma_wait3A_366 = arith.constant 7 : i32
      %dma_wait3A_367 = arith.constant 0 : i32
      %dma_wait3A_368 = arith.constant 0 : i32
      %dma_wait3A_369 = tpu.memref_slice %arg9[%dma_wait3A_365, %dma_wait3A_367, %dma_wait3A_368] : memref<8x128x16xf32, #tpu.memory_space<vmem>> -> memref<1x128x16xf32, #tpu.memory_space<vmem>>
      %dma_wait3A_370 = tpu.memref_squeeze %dma_wait3A_369 : memref<1x128x16xf32, #tpu.memory_space<vmem>> -> memref<128x16xf32, #tpu.memory_space<vmem>>
      %dma_wait3A_371 = arith.constant 0 : i32
      %dma_wait3A_372 = tpu.memref_slice %arg7[%add3A_364, %dma_wait3A_371] : memref<80x128xi32, #tpu.memory_space<vmem>> -> memref<1x128xi32, #tpu.memory_space<vmem>>
      %dma_wait3A_373 = tpu.memref_squeeze %dma_wait3A_372 : memref<1x128xi32, #tpu.memory_space<vmem>> -> memref<128xi32, #tpu.memory_space<vmem>>
      %dma_wait3A_374 = arith.constant 0 : i32
      %dma_wait3A_375 = arith.constant 0 : i32
      %dma_wait3A_376 = tpu.memref_slice %arg2[%dma_wait3A_374, %dma_wait3A_375] : memref<17680x16xf32, #tpu.memory_space<hbm>> -> memref<17680x16xf32, #tpu.memory_space<hbm>>
      %dma_wait3A_377 = tpu.memref_slice %arg11[%dma_wait3A_366] : memref<8x!tpu.dma_semaphore, #tpu.memory_space<semaphore_mem>> -> memref<1x!tpu.dma_semaphore, #tpu.memory_space<semaphore_mem>>
      %dma_wait3A_378 = tpu.memref_squeeze %dma_wait3A_377 : memref<1x!tpu.dma_semaphore, #tpu.memory_space<semaphore_mem>> -> memref<!tpu.dma_semaphore, #tpu.memory_space<semaphore_mem>>
      tpu.wait_indirect_dma semaphore(%dma_wait3A_378 : memref<!tpu.dma_semaphore, #tpu.memory_space<semaphore_mem>>) src(%dma_wait3A_376 : memref<17680x16xf32, #tpu.memory_space<hbm>>) dst(%dma_wait3A_370 : memref<128x16xf32, #tpu.memory_space<vmem>>)
      %add3A_379 = arith.constant 7 : i32
      %add3A_380 = arith.addi %mul3A_139, %add3A_379 : i32
      %dma_start3A_381 = arith.constant 7 : i32
      %dma_start3A_382 = arith.constant 7 : i32
      %dma_start3A_383 = arith.constant 0 : i32
      %dma_start3A_384 = arith.constant 0 : i32
      %dma_start3A_385 = tpu.memref_slice %arg9[%dma_start3A_381, %dma_start3A_383, %dma_start3A_384] : memref<8x128x16xf32, #tpu.memory_space<vmem>> -> memref<1x128x16xf32, #tpu.memory_space<vmem>>
      %dma_start3A_386 = tpu.memref_squeeze %dma_start3A_385 : memref<1x128x16xf32, #tpu.memory_space<vmem>> -> memref<128x16xf32, #tpu.memory_space<vmem>>
      %dma_start3A_387 = arith.constant 0 : i32
      %dma_start3A_388 = tpu.memref_slice %arg8[%add3A_380, %dma_start3A_387] : memref<80x128xi32, #tpu.memory_space<vmem>> -> memref<1x128xi32, #tpu.memory_space<vmem>>
      %dma_start3A_389 = tpu.memref_squeeze %dma_start3A_388 : memref<1x128xi32, #tpu.memory_space<vmem>> -> memref<128xi32, #tpu.memory_space<vmem>>
      %dma_start3A_390 = arith.constant 0 : i32
      %dma_start3A_391 = arith.constant 0 : i32
      %dma_start3A_392 = tpu.memref_slice %arg10[%dma_start3A_390, %dma_start3A_391] : memref<10240x16xf32, #tpu.memory_space<vmem_shared>> -> memref<10240x16xf32, #tpu.memory_space<vmem_shared>>
      %dma_start3A_393 = tpu.memref_slice %arg12[%dma_start3A_382] : memref<8x!tpu.dma_semaphore, #tpu.memory_space<semaphore_mem>> -> memref<1x!tpu.dma_semaphore, #tpu.memory_space<semaphore_mem>>
      %dma_start3A_394 = tpu.memref_squeeze %dma_start3A_393 : memref<1x!tpu.dma_semaphore, #tpu.memory_space<semaphore_mem>> -> memref<!tpu.dma_semaphore, #tpu.memory_space<semaphore_mem>>
      tpu.enqueue_indirect_dma source(%dma_start3A_386 : memref<128x16xf32, #tpu.memory_space<vmem>>) target(%dma_start3A_392 : memref<10240x16xf32, #tpu.memory_space<vmem_shared>>) offsets(%dma_start3A_389 : memref<128xi32, #tpu.memory_space<vmem>>) semaphore(%dma_start3A_394 : memref<!tpu.dma_semaphore, #tpu.memory_space<semaphore_mem>>) {add = true}
      %add3A_395 = arith.constant 0 : i32
      %add3A_396 = arith.addi %mul3A_139, %add3A_395 : i32
      %dma_wait3A_397 = arith.constant 0 : i32
      %dma_wait3A_398 = arith.constant 0 : i32
      %dma_wait3A_399 = arith.constant 0 : i32
      %dma_wait3A_400 = arith.constant 0 : i32
      %dma_wait3A_401 = tpu.memref_slice %arg9[%dma_wait3A_397, %dma_wait3A_399, %dma_wait3A_400] : memref<8x128x16xf32, #tpu.memory_space<vmem>> -> memref<1x128x16xf32, #tpu.memory_space<vmem>>
      %dma_wait3A_402 = tpu.memref_squeeze %dma_wait3A_401 : memref<1x128x16xf32, #tpu.memory_space<vmem>> -> memref<128x16xf32, #tpu.memory_space<vmem>>
      %dma_wait3A_403 = arith.constant 0 : i32
      %dma_wait3A_404 = tpu.memref_slice %arg8[%add3A_396, %dma_wait3A_403] : memref<80x128xi32, #tpu.memory_space<vmem>> -> memref<1x128xi32, #tpu.memory_space<vmem>>
      %dma_wait3A_405 = tpu.memref_squeeze %dma_wait3A_404 : memref<1x128xi32, #tpu.memory_space<vmem>> -> memref<128xi32, #tpu.memory_space<vmem>>
      %dma_wait3A_406 = arith.constant 0 : i32
      %dma_wait3A_407 = arith.constant 0 : i32
      %dma_wait3A_408 = tpu.memref_slice %arg10[%dma_wait3A_406, %dma_wait3A_407] : memref<10240x16xf32, #tpu.memory_space<vmem_shared>> -> memref<10240x16xf32, #tpu.memory_space<vmem_shared>>
      %dma_wait3A_409 = tpu.memref_slice %arg12[%dma_wait3A_398] : memref<8x!tpu.dma_semaphore, #tpu.memory_space<semaphore_mem>> -> memref<1x!tpu.dma_semaphore, #tpu.memory_space<semaphore_mem>>
      %dma_wait3A_410 = tpu.memref_squeeze %dma_wait3A_409 : memref<1x!tpu.dma_semaphore, #tpu.memory_space<semaphore_mem>> -> memref<!tpu.dma_semaphore, #tpu.memory_space<semaphore_mem>>
      tpu.wait_indirect_dma semaphore(%dma_wait3A_410 : memref<!tpu.dma_semaphore, #tpu.memory_space<semaphore_mem>>) src(%dma_wait3A_402 : memref<128x16xf32, #tpu.memory_space<vmem>>) dst(%dma_wait3A_408 : memref<10240x16xf32, #tpu.memory_space<vmem_shared>>)
      %lt3A = arith.constant 9 : i32
      %lt3A_411 = arith.cmpi slt, %scan3A_137, %lt3A : i32
      %convert_element_type3A = arith.extui %lt3A_411 : i1 to i32
      %cond3A = arith.constant 0 : i32
      %cond3A_412 = arith.cmpi ne, %convert_element_type3A, %cond3A : i32
      scf.if %cond3A_412 {
        %add3A_560 = arith.constant 8 : i32
        %add3A_561 = arith.addi %mul3A_139, %add3A_560 : i32
        %add3A_562 = arith.constant 0 : i32
        %add3A_563 = arith.addi %add3A_561, %add3A_562 : i32
        %dma_start3A_564 = arith.constant 0 : i32
        %dma_start3A_565 = arith.constant 0 : i32
        %dma_start3A_566 = arith.constant 0 : i32
        %dma_start3A_567 = arith.constant 0 : i32
        %dma_start3A_568 = tpu.memref_slice %arg9[%dma_start3A_564, %dma_start3A_566, %dma_start3A_567] : memref<8x128x16xf32, #tpu.memory_space<vmem>> -> memref<1x128x16xf32, #tpu.memory_space<vmem>>
        %dma_start3A_569 = tpu.memref_squeeze %dma_start3A_568 : memref<1x128x16xf32, #tpu.memory_space<vmem>> -> memref<128x16xf32, #tpu.memory_space<vmem>>
        %dma_start3A_570 = arith.constant 0 : i32
        %dma_start3A_571 = tpu.memref_slice %arg7[%add3A_563, %dma_start3A_570] : memref<80x128xi32, #tpu.memory_space<vmem>> -> memref<1x128xi32, #tpu.memory_space<vmem>>
        %dma_start3A_572 = tpu.memref_squeeze %dma_start3A_571 : memref<1x128xi32, #tpu.memory_space<vmem>> -> memref<128xi32, #tpu.memory_space<vmem>>
        %dma_start3A_573 = arith.constant 0 : i32
        %dma_start3A_574 = arith.constant 0 : i32
        %dma_start3A_575 = tpu.memref_slice %arg2[%dma_start3A_573, %dma_start3A_574] : memref<17680x16xf32, #tpu.memory_space<hbm>> -> memref<17680x16xf32, #tpu.memory_space<hbm>>
        %dma_start3A_576 = tpu.memref_slice %arg11[%dma_start3A_565] : memref<8x!tpu.dma_semaphore, #tpu.memory_space<semaphore_mem>> -> memref<1x!tpu.dma_semaphore, #tpu.memory_space<semaphore_mem>>
        %dma_start3A_577 = tpu.memref_squeeze %dma_start3A_576 : memref<1x!tpu.dma_semaphore, #tpu.memory_space<semaphore_mem>> -> memref<!tpu.dma_semaphore, #tpu.memory_space<semaphore_mem>>
        tpu.enqueue_indirect_dma source(%dma_start3A_575 : memref<17680x16xf32, #tpu.memory_space<hbm>>) target(%dma_start3A_569 : memref<128x16xf32, #tpu.memory_space<vmem>>) offsets(%dma_start3A_572 : memref<128xi32, #tpu.memory_space<vmem>>) semaphore(%dma_start3A_577 : memref<!tpu.dma_semaphore, #tpu.memory_space<semaphore_mem>>)
      } else {
      }
      %add3A_413 = arith.constant 1 : i32
      %add3A_414 = arith.addi %mul3A_139, %add3A_413 : i32
      %dma_wait3A_415 = arith.constant 1 : i32
      %dma_wait3A_416 = arith.constant 1 : i32
      %dma_wait3A_417 = arith.constant 0 : i32
      %dma_wait3A_418 = arith.constant 0 : i32
      %dma_wait3A_419 = tpu.memref_slice %arg9[%dma_wait3A_415, %dma_wait3A_417, %dma_wait3A_418] : memref<8x128x16xf32, #tpu.memory_space<vmem>> -> memref<1x128x16xf32, #tpu.memory_space<vmem>>
      %dma_wait3A_420 = tpu.memref_squeeze %dma_wait3A_419 : memref<1x128x16xf32, #tpu.memory_space<vmem>> -> memref<128x16xf32, #tpu.memory_space<vmem>>
      %dma_wait3A_421 = arith.constant 0 : i32
      %dma_wait3A_422 = tpu.memref_slice %arg8[%add3A_414, %dma_wait3A_421] : memref<80x128xi32, #tpu.memory_space<vmem>> -> memref<1x128xi32, #tpu.memory_space<vmem>>
      %dma_wait3A_423 = tpu.memref_squeeze %dma_wait3A_422 : memref<1x128xi32, #tpu.memory_space<vmem>> -> memref<128xi32, #tpu.memory_space<vmem>>
      %dma_wait3A_424 = arith.constant 0 : i32
      %dma_wait3A_425 = arith.constant 0 : i32
      %dma_wait3A_426 = tpu.memref_slice %arg10[%dma_wait3A_424, %dma_wait3A_425] : memref<10240x16xf32, #tpu.memory_space<vmem_shared>> -> memref<10240x16xf32, #tpu.memory_space<vmem_shared>>
      %dma_wait3A_427 = tpu.memref_slice %arg12[%dma_wait3A_416] : memref<8x!tpu.dma_semaphore, #tpu.memory_space<semaphore_mem>> -> memref<1x!tpu.dma_semaphore, #tpu.memory_space<semaphore_mem>>
      %dma_wait3A_428 = tpu.memref_squeeze %dma_wait3A_427 : memref<1x!tpu.dma_semaphore, #tpu.memory_space<semaphore_mem>> -> memref<!tpu.dma_semaphore, #tpu.memory_space<semaphore_mem>>
      tpu.wait_indirect_dma semaphore(%dma_wait3A_428 : memref<!tpu.dma_semaphore, #tpu.memory_space<semaphore_mem>>) src(%dma_wait3A_420 : memref<128x16xf32, #tpu.memory_space<vmem>>) dst(%dma_wait3A_426 : memref<10240x16xf32, #tpu.memory_space<vmem_shared>>)
      %lt3A_429 = arith.constant 9 : i32
      %lt3A_430 = arith.cmpi slt, %scan3A_137, %lt3A_429 : i32
      %convert_element_type3A_431 = arith.extui %lt3A_430 : i1 to i32
      %cond3A_432 = arith.constant 0 : i32
      %cond3A_433 = arith.cmpi ne, %convert_element_type3A_431, %cond3A_432 : i32
      scf.if %cond3A_433 {
        %add3A_560 = arith.constant 8 : i32
        %add3A_561 = arith.addi %mul3A_139, %add3A_560 : i32
        %add3A_562 = arith.constant 1 : i32
        %add3A_563 = arith.addi %add3A_561, %add3A_562 : i32
        %dma_start3A_564 = arith.constant 1 : i32
        %dma_start3A_565 = arith.constant 1 : i32
        %dma_start3A_566 = arith.constant 0 : i32
        %dma_start3A_567 = arith.constant 0 : i32
        %dma_start3A_568 = tpu.memref_slice %arg9[%dma_start3A_564, %dma_start3A_566, %dma_start3A_567] : memref<8x128x16xf32, #tpu.memory_space<vmem>> -> memref<1x128x16xf32, #tpu.memory_space<vmem>>
        %dma_start3A_569 = tpu.memref_squeeze %dma_start3A_568 : memref<1x128x16xf32, #tpu.memory_space<vmem>> -> memref<128x16xf32, #tpu.memory_space<vmem>>
        %dma_start3A_570 = arith.constant 0 : i32
        %dma_start3A_571 = tpu.memref_slice %arg7[%add3A_563, %dma_start3A_570] : memref<80x128xi32, #tpu.memory_space<vmem>> -> memref<1x128xi32, #tpu.memory_space<vmem>>
        %dma_start3A_572 = tpu.memref_squeeze %dma_start3A_571 : memref<1x128xi32, #tpu.memory_space<vmem>> -> memref<128xi32, #tpu.memory_space<vmem>>
        %dma_start3A_573 = arith.constant 0 : i32
        %dma_start3A_574 = arith.constant 0 : i32
        %dma_start3A_575 = tpu.memref_slice %arg2[%dma_start3A_573, %dma_start3A_574] : memref<17680x16xf32, #tpu.memory_space<hbm>> -> memref<17680x16xf32, #tpu.memory_space<hbm>>
        %dma_start3A_576 = tpu.memref_slice %arg11[%dma_start3A_565] : memref<8x!tpu.dma_semaphore, #tpu.memory_space<semaphore_mem>> -> memref<1x!tpu.dma_semaphore, #tpu.memory_space<semaphore_mem>>
        %dma_start3A_577 = tpu.memref_squeeze %dma_start3A_576 : memref<1x!tpu.dma_semaphore, #tpu.memory_space<semaphore_mem>> -> memref<!tpu.dma_semaphore, #tpu.memory_space<semaphore_mem>>
        tpu.enqueue_indirect_dma source(%dma_start3A_575 : memref<17680x16xf32, #tpu.memory_space<hbm>>) target(%dma_start3A_569 : memref<128x16xf32, #tpu.memory_space<vmem>>) offsets(%dma_start3A_572 : memref<128xi32, #tpu.memory_space<vmem>>) semaphore(%dma_start3A_577 : memref<!tpu.dma_semaphore, #tpu.memory_space<semaphore_mem>>)
      } else {
      }
      %add3A_434 = arith.constant 2 : i32
      %add3A_435 = arith.addi %mul3A_139, %add3A_434 : i32
      %dma_wait3A_436 = arith.constant 2 : i32
      %dma_wait3A_437 = arith.constant 2 : i32
      %dma_wait3A_438 = arith.constant 0 : i32
      %dma_wait3A_439 = arith.constant 0 : i32
      %dma_wait3A_440 = tpu.memref_slice %arg9[%dma_wait3A_436, %dma_wait3A_438, %dma_wait3A_439] : memref<8x128x16xf32, #tpu.memory_space<vmem>> -> memref<1x128x16xf32, #tpu.memory_space<vmem>>
      %dma_wait3A_441 = tpu.memref_squeeze %dma_wait3A_440 : memref<1x128x16xf32, #tpu.memory_space<vmem>> -> memref<128x16xf32, #tpu.memory_space<vmem>>
      %dma_wait3A_442 = arith.constant 0 : i32
      %dma_wait3A_443 = tpu.memref_slice %arg8[%add3A_435, %dma_wait3A_442] : memref<80x128xi32, #tpu.memory_space<vmem>> -> memref<1x128xi32, #tpu.memory_space<vmem>>
      %dma_wait3A_444 = tpu.memref_squeeze %dma_wait3A_443 : memref<1x128xi32, #tpu.memory_space<vmem>> -> memref<128xi32, #tpu.memory_space<vmem>>
      %dma_wait3A_445 = arith.constant 0 : i32
      %dma_wait3A_446 = arith.constant 0 : i32
      %dma_wait3A_447 = tpu.memref_slice %arg10[%dma_wait3A_445, %dma_wait3A_446] : memref<10240x16xf32, #tpu.memory_space<vmem_shared>> -> memref<10240x16xf32, #tpu.memory_space<vmem_shared>>
      %dma_wait3A_448 = tpu.memref_slice %arg12[%dma_wait3A_437] : memref<8x!tpu.dma_semaphore, #tpu.memory_space<semaphore_mem>> -> memref<1x!tpu.dma_semaphore, #tpu.memory_space<semaphore_mem>>
      %dma_wait3A_449 = tpu.memref_squeeze %dma_wait3A_448 : memref<1x!tpu.dma_semaphore, #tpu.memory_space<semaphore_mem>> -> memref<!tpu.dma_semaphore, #tpu.memory_space<semaphore_mem>>
      tpu.wait_indirect_dma semaphore(%dma_wait3A_449 : memref<!tpu.dma_semaphore, #tpu.memory_space<semaphore_mem>>) src(%dma_wait3A_441 : memref<128x16xf32, #tpu.memory_space<vmem>>) dst(%dma_wait3A_447 : memref<10240x16xf32, #tpu.memory_space<vmem_shared>>)
      %lt3A_450 = arith.constant 9 : i32
      %lt3A_451 = arith.cmpi slt, %scan3A_137, %lt3A_450 : i32
      %convert_element_type3A_452 = arith.extui %lt3A_451 : i1 to i32
      %cond3A_453 = arith.constant 0 : i32
      %cond3A_454 = arith.cmpi ne, %convert_element_type3A_452, %cond3A_453 : i32
      scf.if %cond3A_454 {
        %add3A_560 = arith.constant 8 : i32
        %add3A_561 = arith.addi %mul3A_139, %add3A_560 : i32
        %add3A_562 = arith.constant 2 : i32
        %add3A_563 = arith.addi %add3A_561, %add3A_562 : i32
        %dma_start3A_564 = arith.constant 2 : i32
        %dma_start3A_565 = arith.constant 2 : i32
        %dma_start3A_566 = arith.constant 0 : i32
        %dma_start3A_567 = arith.constant 0 : i32
        %dma_start3A_568 = tpu.memref_slice %arg9[%dma_start3A_564, %dma_start3A_566, %dma_start3A_567] : memref<8x128x16xf32, #tpu.memory_space<vmem>> -> memref<1x128x16xf32, #tpu.memory_space<vmem>>
        %dma_start3A_569 = tpu.memref_squeeze %dma_start3A_568 : memref<1x128x16xf32, #tpu.memory_space<vmem>> -> memref<128x16xf32, #tpu.memory_space<vmem>>
        %dma_start3A_570 = arith.constant 0 : i32
        %dma_start3A_571 = tpu.memref_slice %arg7[%add3A_563, %dma_start3A_570] : memref<80x128xi32, #tpu.memory_space<vmem>> -> memref<1x128xi32, #tpu.memory_space<vmem>>
        %dma_start3A_572 = tpu.memref_squeeze %dma_start3A_571 : memref<1x128xi32, #tpu.memory_space<vmem>> -> memref<128xi32, #tpu.memory_space<vmem>>
        %dma_start3A_573 = arith.constant 0 : i32
        %dma_start3A_574 = arith.constant 0 : i32
        %dma_start3A_575 = tpu.memref_slice %arg2[%dma_start3A_573, %dma_start3A_574] : memref<17680x16xf32, #tpu.memory_space<hbm>> -> memref<17680x16xf32, #tpu.memory_space<hbm>>
        %dma_start3A_576 = tpu.memref_slice %arg11[%dma_start3A_565] : memref<8x!tpu.dma_semaphore, #tpu.memory_space<semaphore_mem>> -> memref<1x!tpu.dma_semaphore, #tpu.memory_space<semaphore_mem>>
        %dma_start3A_577 = tpu.memref_squeeze %dma_start3A_576 : memref<1x!tpu.dma_semaphore, #tpu.memory_space<semaphore_mem>> -> memref<!tpu.dma_semaphore, #tpu.memory_space<semaphore_mem>>
        tpu.enqueue_indirect_dma source(%dma_start3A_575 : memref<17680x16xf32, #tpu.memory_space<hbm>>) target(%dma_start3A_569 : memref<128x16xf32, #tpu.memory_space<vmem>>) offsets(%dma_start3A_572 : memref<128xi32, #tpu.memory_space<vmem>>) semaphore(%dma_start3A_577 : memref<!tpu.dma_semaphore, #tpu.memory_space<semaphore_mem>>)
      } else {
      }
      %add3A_455 = arith.constant 3 : i32
      %add3A_456 = arith.addi %mul3A_139, %add3A_455 : i32
      %dma_wait3A_457 = arith.constant 3 : i32
      %dma_wait3A_458 = arith.constant 3 : i32
      %dma_wait3A_459 = arith.constant 0 : i32
      %dma_wait3A_460 = arith.constant 0 : i32
      %dma_wait3A_461 = tpu.memref_slice %arg9[%dma_wait3A_457, %dma_wait3A_459, %dma_wait3A_460] : memref<8x128x16xf32, #tpu.memory_space<vmem>> -> memref<1x128x16xf32, #tpu.memory_space<vmem>>
      %dma_wait3A_462 = tpu.memref_squeeze %dma_wait3A_461 : memref<1x128x16xf32, #tpu.memory_space<vmem>> -> memref<128x16xf32, #tpu.memory_space<vmem>>
      %dma_wait3A_463 = arith.constant 0 : i32
      %dma_wait3A_464 = tpu.memref_slice %arg8[%add3A_456, %dma_wait3A_463] : memref<80x128xi32, #tpu.memory_space<vmem>> -> memref<1x128xi32, #tpu.memory_space<vmem>>
      %dma_wait3A_465 = tpu.memref_squeeze %dma_wait3A_464 : memref<1x128xi32, #tpu.memory_space<vmem>> -> memref<128xi32, #tpu.memory_space<vmem>>
      %dma_wait3A_466 = arith.constant 0 : i32
      %dma_wait3A_467 = arith.constant 0 : i32
      %dma_wait3A_468 = tpu.memref_slice %arg10[%dma_wait3A_466, %dma_wait3A_467] : memref<10240x16xf32, #tpu.memory_space<vmem_shared>> -> memref<10240x16xf32, #tpu.memory_space<vmem_shared>>
      %dma_wait3A_469 = tpu.memref_slice %arg12[%dma_wait3A_458] : memref<8x!tpu.dma_semaphore, #tpu.memory_space<semaphore_mem>> -> memref<1x!tpu.dma_semaphore, #tpu.memory_space<semaphore_mem>>
      %dma_wait3A_470 = tpu.memref_squeeze %dma_wait3A_469 : memref<1x!tpu.dma_semaphore, #tpu.memory_space<semaphore_mem>> -> memref<!tpu.dma_semaphore, #tpu.memory_space<semaphore_mem>>
      tpu.wait_indirect_dma semaphore(%dma_wait3A_470 : memref<!tpu.dma_semaphore, #tpu.memory_space<semaphore_mem>>) src(%dma_wait3A_462 : memref<128x16xf32, #tpu.memory_space<vmem>>) dst(%dma_wait3A_468 : memref<10240x16xf32, #tpu.memory_space<vmem_shared>>)
      %lt3A_471 = arith.constant 9 : i32
      %lt3A_472 = arith.cmpi slt, %scan3A_137, %lt3A_471 : i32
      %convert_element_type3A_473 = arith.extui %lt3A_472 : i1 to i32
      %cond3A_474 = arith.constant 0 : i32
      %cond3A_475 = arith.cmpi ne, %convert_element_type3A_473, %cond3A_474 : i32
      scf.if %cond3A_475 {
        %add3A_560 = arith.constant 8 : i32
        %add3A_561 = arith.addi %mul3A_139, %add3A_560 : i32
        %add3A_562 = arith.constant 3 : i32
        %add3A_563 = arith.addi %add3A_561, %add3A_562 : i32
        %dma_start3A_564 = arith.constant 3 : i32
        %dma_start3A_565 = arith.constant 3 : i32
        %dma_start3A_566 = arith.constant 0 : i32
        %dma_start3A_567 = arith.constant 0 : i32
        %dma_start3A_568 = tpu.memref_slice %arg9[%dma_start3A_564, %dma_start3A_566, %dma_start3A_567] : memref<8x128x16xf32, #tpu.memory_space<vmem>> -> memref<1x128x16xf32, #tpu.memory_space<vmem>>
        %dma_start3A_569 = tpu.memref_squeeze %dma_start3A_568 : memref<1x128x16xf32, #tpu.memory_space<vmem>> -> memref<128x16xf32, #tpu.memory_space<vmem>>
        %dma_start3A_570 = arith.constant 0 : i32
        %dma_start3A_571 = tpu.memref_slice %arg7[%add3A_563, %dma_start3A_570] : memref<80x128xi32, #tpu.memory_space<vmem>> -> memref<1x128xi32, #tpu.memory_space<vmem>>
        %dma_start3A_572 = tpu.memref_squeeze %dma_start3A_571 : memref<1x128xi32, #tpu.memory_space<vmem>> -> memref<128xi32, #tpu.memory_space<vmem>>
        %dma_start3A_573 = arith.constant 0 : i32
        %dma_start3A_574 = arith.constant 0 : i32
        %dma_start3A_575 = tpu.memref_slice %arg2[%dma_start3A_573, %dma_start3A_574] : memref<17680x16xf32, #tpu.memory_space<hbm>> -> memref<17680x16xf32, #tpu.memory_space<hbm>>
        %dma_start3A_576 = tpu.memref_slice %arg11[%dma_start3A_565] : memref<8x!tpu.dma_semaphore, #tpu.memory_space<semaphore_mem>> -> memref<1x!tpu.dma_semaphore, #tpu.memory_space<semaphore_mem>>
        %dma_start3A_577 = tpu.memref_squeeze %dma_start3A_576 : memref<1x!tpu.dma_semaphore, #tpu.memory_space<semaphore_mem>> -> memref<!tpu.dma_semaphore, #tpu.memory_space<semaphore_mem>>
        tpu.enqueue_indirect_dma source(%dma_start3A_575 : memref<17680x16xf32, #tpu.memory_space<hbm>>) target(%dma_start3A_569 : memref<128x16xf32, #tpu.memory_space<vmem>>) offsets(%dma_start3A_572 : memref<128xi32, #tpu.memory_space<vmem>>) semaphore(%dma_start3A_577 : memref<!tpu.dma_semaphore, #tpu.memory_space<semaphore_mem>>)
      } else {
      }
      %add3A_476 = arith.constant 4 : i32
      %add3A_477 = arith.addi %mul3A_139, %add3A_476 : i32
      %dma_wait3A_478 = arith.constant 4 : i32
      %dma_wait3A_479 = arith.constant 4 : i32
      %dma_wait3A_480 = arith.constant 0 : i32
      %dma_wait3A_481 = arith.constant 0 : i32
      %dma_wait3A_482 = tpu.memref_slice %arg9[%dma_wait3A_478, %dma_wait3A_480, %dma_wait3A_481] : memref<8x128x16xf32, #tpu.memory_space<vmem>> -> memref<1x128x16xf32, #tpu.memory_space<vmem>>
      %dma_wait3A_483 = tpu.memref_squeeze %dma_wait3A_482 : memref<1x128x16xf32, #tpu.memory_space<vmem>> -> memref<128x16xf32, #tpu.memory_space<vmem>>
      %dma_wait3A_484 = arith.constant 0 : i32
      %dma_wait3A_485 = tpu.memref_slice %arg8[%add3A_477, %dma_wait3A_484] : memref<80x128xi32, #tpu.memory_space<vmem>> -> memref<1x128xi32, #tpu.memory_space<vmem>>
      %dma_wait3A_486 = tpu.memref_squeeze %dma_wait3A_485 : memref<1x128xi32, #tpu.memory_space<vmem>> -> memref<128xi32, #tpu.memory_space<vmem>>
      %dma_wait3A_487 = arith.constant 0 : i32
      %dma_wait3A_488 = arith.constant 0 : i32
      %dma_wait3A_489 = tpu.memref_slice %arg10[%dma_wait3A_487, %dma_wait3A_488] : memref<10240x16xf32, #tpu.memory_space<vmem_shared>> -> memref<10240x16xf32, #tpu.memory_space<vmem_shared>>
      %dma_wait3A_490 = tpu.memref_slice %arg12[%dma_wait3A_479] : memref<8x!tpu.dma_semaphore, #tpu.memory_space<semaphore_mem>> -> memref<1x!tpu.dma_semaphore, #tpu.memory_space<semaphore_mem>>
      %dma_wait3A_491 = tpu.memref_squeeze %dma_wait3A_490 : memref<1x!tpu.dma_semaphore, #tpu.memory_space<semaphore_mem>> -> memref<!tpu.dma_semaphore, #tpu.memory_space<semaphore_mem>>
      tpu.wait_indirect_dma semaphore(%dma_wait3A_491 : memref<!tpu.dma_semaphore, #tpu.memory_space<semaphore_mem>>) src(%dma_wait3A_483 : memref<128x16xf32, #tpu.memory_space<vmem>>) dst(%dma_wait3A_489 : memref<10240x16xf32, #tpu.memory_space<vmem_shared>>)
      %lt3A_492 = arith.constant 9 : i32
      %lt3A_493 = arith.cmpi slt, %scan3A_137, %lt3A_492 : i32
      %convert_element_type3A_494 = arith.extui %lt3A_493 : i1 to i32
      %cond3A_495 = arith.constant 0 : i32
      %cond3A_496 = arith.cmpi ne, %convert_element_type3A_494, %cond3A_495 : i32
      scf.if %cond3A_496 {
        %add3A_560 = arith.constant 8 : i32
        %add3A_561 = arith.addi %mul3A_139, %add3A_560 : i32
        %add3A_562 = arith.constant 4 : i32
        %add3A_563 = arith.addi %add3A_561, %add3A_562 : i32
        %dma_start3A_564 = arith.constant 4 : i32
        %dma_start3A_565 = arith.constant 4 : i32
        %dma_start3A_566 = arith.constant 0 : i32
        %dma_start3A_567 = arith.constant 0 : i32
        %dma_start3A_568 = tpu.memref_slice %arg9[%dma_start3A_564, %dma_start3A_566, %dma_start3A_567] : memref<8x128x16xf32, #tpu.memory_space<vmem>> -> memref<1x128x16xf32, #tpu.memory_space<vmem>>
        %dma_start3A_569 = tpu.memref_squeeze %dma_start3A_568 : memref<1x128x16xf32, #tpu.memory_space<vmem>> -> memref<128x16xf32, #tpu.memory_space<vmem>>
        %dma_start3A_570 = arith.constant 0 : i32
        %dma_start3A_571 = tpu.memref_slice %arg7[%add3A_563, %dma_start3A_570] : memref<80x128xi32, #tpu.memory_space<vmem>> -> memref<1x128xi32, #tpu.memory_space<vmem>>
        %dma_start3A_572 = tpu.memref_squeeze %dma_start3A_571 : memref<1x128xi32, #tpu.memory_space<vmem>> -> memref<128xi32, #tpu.memory_space<vmem>>
        %dma_start3A_573 = arith.constant 0 : i32
        %dma_start3A_574 = arith.constant 0 : i32
        %dma_start3A_575 = tpu.memref_slice %arg2[%dma_start3A_573, %dma_start3A_574] : memref<17680x16xf32, #tpu.memory_space<hbm>> -> memref<17680x16xf32, #tpu.memory_space<hbm>>
        %dma_start3A_576 = tpu.memref_slice %arg11[%dma_start3A_565] : memref<8x!tpu.dma_semaphore, #tpu.memory_space<semaphore_mem>> -> memref<1x!tpu.dma_semaphore, #tpu.memory_space<semaphore_mem>>
        %dma_start3A_577 = tpu.memref_squeeze %dma_start3A_576 : memref<1x!tpu.dma_semaphore, #tpu.memory_space<semaphore_mem>> -> memref<!tpu.dma_semaphore, #tpu.memory_space<semaphore_mem>>
        tpu.enqueue_indirect_dma source(%dma_start3A_575 : memref<17680x16xf32, #tpu.memory_space<hbm>>) target(%dma_start3A_569 : memref<128x16xf32, #tpu.memory_space<vmem>>) offsets(%dma_start3A_572 : memref<128xi32, #tpu.memory_space<vmem>>) semaphore(%dma_start3A_577 : memref<!tpu.dma_semaphore, #tpu.memory_space<semaphore_mem>>)
      } else {
      }
      %add3A_497 = arith.constant 5 : i32
      %add3A_498 = arith.addi %mul3A_139, %add3A_497 : i32
      %dma_wait3A_499 = arith.constant 5 : i32
      %dma_wait3A_500 = arith.constant 5 : i32
      %dma_wait3A_501 = arith.constant 0 : i32
      %dma_wait3A_502 = arith.constant 0 : i32
      %dma_wait3A_503 = tpu.memref_slice %arg9[%dma_wait3A_499, %dma_wait3A_501, %dma_wait3A_502] : memref<8x128x16xf32, #tpu.memory_space<vmem>> -> memref<1x128x16xf32, #tpu.memory_space<vmem>>
      %dma_wait3A_504 = tpu.memref_squeeze %dma_wait3A_503 : memref<1x128x16xf32, #tpu.memory_space<vmem>> -> memref<128x16xf32, #tpu.memory_space<vmem>>
      %dma_wait3A_505 = arith.constant 0 : i32
      %dma_wait3A_506 = tpu.memref_slice %arg8[%add3A_498, %dma_wait3A_505] : memref<80x128xi32, #tpu.memory_space<vmem>> -> memref<1x128xi32, #tpu.memory_space<vmem>>
      %dma_wait3A_507 = tpu.memref_squeeze %dma_wait3A_506 : memref<1x128xi32, #tpu.memory_space<vmem>> -> memref<128xi32, #tpu.memory_space<vmem>>
      %dma_wait3A_508 = arith.constant 0 : i32
      %dma_wait3A_509 = arith.constant 0 : i32
      %dma_wait3A_510 = tpu.memref_slice %arg10[%dma_wait3A_508, %dma_wait3A_509] : memref<10240x16xf32, #tpu.memory_space<vmem_shared>> -> memref<10240x16xf32, #tpu.memory_space<vmem_shared>>
      %dma_wait3A_511 = tpu.memref_slice %arg12[%dma_wait3A_500] : memref<8x!tpu.dma_semaphore, #tpu.memory_space<semaphore_mem>> -> memref<1x!tpu.dma_semaphore, #tpu.memory_space<semaphore_mem>>
      %dma_wait3A_512 = tpu.memref_squeeze %dma_wait3A_511 : memref<1x!tpu.dma_semaphore, #tpu.memory_space<semaphore_mem>> -> memref<!tpu.dma_semaphore, #tpu.memory_space<semaphore_mem>>
      tpu.wait_indirect_dma semaphore(%dma_wait3A_512 : memref<!tpu.dma_semaphore, #tpu.memory_space<semaphore_mem>>) src(%dma_wait3A_504 : memref<128x16xf32, #tpu.memory_space<vmem>>) dst(%dma_wait3A_510 : memref<10240x16xf32, #tpu.memory_space<vmem_shared>>)
      %lt3A_513 = arith.constant 9 : i32
      %lt3A_514 = arith.cmpi slt, %scan3A_137, %lt3A_513 : i32
      %convert_element_type3A_515 = arith.extui %lt3A_514 : i1 to i32
      %cond3A_516 = arith.constant 0 : i32
      %cond3A_517 = arith.cmpi ne, %convert_element_type3A_515, %cond3A_516 : i32
      scf.if %cond3A_517 {
        %add3A_560 = arith.constant 8 : i32
        %add3A_561 = arith.addi %mul3A_139, %add3A_560 : i32
        %add3A_562 = arith.constant 5 : i32
        %add3A_563 = arith.addi %add3A_561, %add3A_562 : i32
        %dma_start3A_564 = arith.constant 5 : i32
        %dma_start3A_565 = arith.constant 5 : i32
        %dma_start3A_566 = arith.constant 0 : i32
        %dma_start3A_567 = arith.constant 0 : i32
        %dma_start3A_568 = tpu.memref_slice %arg9[%dma_start3A_564, %dma_start3A_566, %dma_start3A_567] : memref<8x128x16xf32, #tpu.memory_space<vmem>> -> memref<1x128x16xf32, #tpu.memory_space<vmem>>
        %dma_start3A_569 = tpu.memref_squeeze %dma_start3A_568 : memref<1x128x16xf32, #tpu.memory_space<vmem>> -> memref<128x16xf32, #tpu.memory_space<vmem>>
        %dma_start3A_570 = arith.constant 0 : i32
        %dma_start3A_571 = tpu.memref_slice %arg7[%add3A_563, %dma_start3A_570] : memref<80x128xi32, #tpu.memory_space<vmem>> -> memref<1x128xi32, #tpu.memory_space<vmem>>
        %dma_start3A_572 = tpu.memref_squeeze %dma_start3A_571 : memref<1x128xi32, #tpu.memory_space<vmem>> -> memref<128xi32, #tpu.memory_space<vmem>>
        %dma_start3A_573 = arith.constant 0 : i32
        %dma_start3A_574 = arith.constant 0 : i32
        %dma_start3A_575 = tpu.memref_slice %arg2[%dma_start3A_573, %dma_start3A_574] : memref<17680x16xf32, #tpu.memory_space<hbm>> -> memref<17680x16xf32, #tpu.memory_space<hbm>>
        %dma_start3A_576 = tpu.memref_slice %arg11[%dma_start3A_565] : memref<8x!tpu.dma_semaphore, #tpu.memory_space<semaphore_mem>> -> memref<1x!tpu.dma_semaphore, #tpu.memory_space<semaphore_mem>>
        %dma_start3A_577 = tpu.memref_squeeze %dma_start3A_576 : memref<1x!tpu.dma_semaphore, #tpu.memory_space<semaphore_mem>> -> memref<!tpu.dma_semaphore, #tpu.memory_space<semaphore_mem>>
        tpu.enqueue_indirect_dma source(%dma_start3A_575 : memref<17680x16xf32, #tpu.memory_space<hbm>>) target(%dma_start3A_569 : memref<128x16xf32, #tpu.memory_space<vmem>>) offsets(%dma_start3A_572 : memref<128xi32, #tpu.memory_space<vmem>>) semaphore(%dma_start3A_577 : memref<!tpu.dma_semaphore, #tpu.memory_space<semaphore_mem>>)
      } else {
      }
      %add3A_518 = arith.constant 6 : i32
      %add3A_519 = arith.addi %mul3A_139, %add3A_518 : i32
      %dma_wait3A_520 = arith.constant 6 : i32
      %dma_wait3A_521 = arith.constant 6 : i32
      %dma_wait3A_522 = arith.constant 0 : i32
      %dma_wait3A_523 = arith.constant 0 : i32
      %dma_wait3A_524 = tpu.memref_slice %arg9[%dma_wait3A_520, %dma_wait3A_522, %dma_wait3A_523] : memref<8x128x16xf32, #tpu.memory_space<vmem>> -> memref<1x128x16xf32, #tpu.memory_space<vmem>>
      %dma_wait3A_525 = tpu.memref_squeeze %dma_wait3A_524 : memref<1x128x16xf32, #tpu.memory_space<vmem>> -> memref<128x16xf32, #tpu.memory_space<vmem>>
      %dma_wait3A_526 = arith.constant 0 : i32
      %dma_wait3A_527 = tpu.memref_slice %arg8[%add3A_519, %dma_wait3A_526] : memref<80x128xi32, #tpu.memory_space<vmem>> -> memref<1x128xi32, #tpu.memory_space<vmem>>
      %dma_wait3A_528 = tpu.memref_squeeze %dma_wait3A_527 : memref<1x128xi32, #tpu.memory_space<vmem>> -> memref<128xi32, #tpu.memory_space<vmem>>
      %dma_wait3A_529 = arith.constant 0 : i32
      %dma_wait3A_530 = arith.constant 0 : i32
      %dma_wait3A_531 = tpu.memref_slice %arg10[%dma_wait3A_529, %dma_wait3A_530] : memref<10240x16xf32, #tpu.memory_space<vmem_shared>> -> memref<10240x16xf32, #tpu.memory_space<vmem_shared>>
      %dma_wait3A_532 = tpu.memref_slice %arg12[%dma_wait3A_521] : memref<8x!tpu.dma_semaphore, #tpu.memory_space<semaphore_mem>> -> memref<1x!tpu.dma_semaphore, #tpu.memory_space<semaphore_mem>>
      %dma_wait3A_533 = tpu.memref_squeeze %dma_wait3A_532 : memref<1x!tpu.dma_semaphore, #tpu.memory_space<semaphore_mem>> -> memref<!tpu.dma_semaphore, #tpu.memory_space<semaphore_mem>>
      tpu.wait_indirect_dma semaphore(%dma_wait3A_533 : memref<!tpu.dma_semaphore, #tpu.memory_space<semaphore_mem>>) src(%dma_wait3A_525 : memref<128x16xf32, #tpu.memory_space<vmem>>) dst(%dma_wait3A_531 : memref<10240x16xf32, #tpu.memory_space<vmem_shared>>)
      %lt3A_534 = arith.constant 9 : i32
      %lt3A_535 = arith.cmpi slt, %scan3A_137, %lt3A_534 : i32
      %convert_element_type3A_536 = arith.extui %lt3A_535 : i1 to i32
      %cond3A_537 = arith.constant 0 : i32
      %cond3A_538 = arith.cmpi ne, %convert_element_type3A_536, %cond3A_537 : i32
      scf.if %cond3A_538 {
        %add3A_560 = arith.constant 8 : i32
        %add3A_561 = arith.addi %mul3A_139, %add3A_560 : i32
        %add3A_562 = arith.constant 6 : i32
        %add3A_563 = arith.addi %add3A_561, %add3A_562 : i32
        %dma_start3A_564 = arith.constant 6 : i32
        %dma_start3A_565 = arith.constant 6 : i32
        %dma_start3A_566 = arith.constant 0 : i32
        %dma_start3A_567 = arith.constant 0 : i32
        %dma_start3A_568 = tpu.memref_slice %arg9[%dma_start3A_564, %dma_start3A_566, %dma_start3A_567] : memref<8x128x16xf32, #tpu.memory_space<vmem>> -> memref<1x128x16xf32, #tpu.memory_space<vmem>>
        %dma_start3A_569 = tpu.memref_squeeze %dma_start3A_568 : memref<1x128x16xf32, #tpu.memory_space<vmem>> -> memref<128x16xf32, #tpu.memory_space<vmem>>
        %dma_start3A_570 = arith.constant 0 : i32
        %dma_start3A_571 = tpu.memref_slice %arg7[%add3A_563, %dma_start3A_570] : memref<80x128xi32, #tpu.memory_space<vmem>> -> memref<1x128xi32, #tpu.memory_space<vmem>>
        %dma_start3A_572 = tpu.memref_squeeze %dma_start3A_571 : memref<1x128xi32, #tpu.memory_space<vmem>> -> memref<128xi32, #tpu.memory_space<vmem>>
        %dma_start3A_573 = arith.constant 0 : i32
        %dma_start3A_574 = arith.constant 0 : i32
        %dma_start3A_575 = tpu.memref_slice %arg2[%dma_start3A_573, %dma_start3A_574] : memref<17680x16xf32, #tpu.memory_space<hbm>> -> memref<17680x16xf32, #tpu.memory_space<hbm>>
        %dma_start3A_576 = tpu.memref_slice %arg11[%dma_start3A_565] : memref<8x!tpu.dma_semaphore, #tpu.memory_space<semaphore_mem>> -> memref<1x!tpu.dma_semaphore, #tpu.memory_space<semaphore_mem>>
        %dma_start3A_577 = tpu.memref_squeeze %dma_start3A_576 : memref<1x!tpu.dma_semaphore, #tpu.memory_space<semaphore_mem>> -> memref<!tpu.dma_semaphore, #tpu.memory_space<semaphore_mem>>
        tpu.enqueue_indirect_dma source(%dma_start3A_575 : memref<17680x16xf32, #tpu.memory_space<hbm>>) target(%dma_start3A_569 : memref<128x16xf32, #tpu.memory_space<vmem>>) offsets(%dma_start3A_572 : memref<128xi32, #tpu.memory_space<vmem>>) semaphore(%dma_start3A_577 : memref<!tpu.dma_semaphore, #tpu.memory_space<semaphore_mem>>)
      } else {
      }
      %add3A_539 = arith.constant 7 : i32
      %add3A_540 = arith.addi %mul3A_139, %add3A_539 : i32
      %dma_wait3A_541 = arith.constant 7 : i32
      %dma_wait3A_542 = arith.constant 7 : i32
      %dma_wait3A_543 = arith.constant 0 : i32
      %dma_wait3A_544 = arith.constant 0 : i32
      %dma_wait3A_545 = tpu.memref_slice %arg9[%dma_wait3A_541, %dma_wait3A_543, %dma_wait3A_544] : memref<8x128x16xf32, #tpu.memory_space<vmem>> -> memref<1x128x16xf32, #tpu.memory_space<vmem>>
      %dma_wait3A_546 = tpu.memref_squeeze %dma_wait3A_545 : memref<1x128x16xf32, #tpu.memory_space<vmem>> -> memref<128x16xf32, #tpu.memory_space<vmem>>
      %dma_wait3A_547 = arith.constant 0 : i32
      %dma_wait3A_548 = tpu.memref_slice %arg8[%add3A_540, %dma_wait3A_547] : memref<80x128xi32, #tpu.memory_space<vmem>> -> memref<1x128xi32, #tpu.memory_space<vmem>>
      %dma_wait3A_549 = tpu.memref_squeeze %dma_wait3A_548 : memref<1x128xi32, #tpu.memory_space<vmem>> -> memref<128xi32, #tpu.memory_space<vmem>>
      %dma_wait3A_550 = arith.constant 0 : i32
      %dma_wait3A_551 = arith.constant 0 : i32
      %dma_wait3A_552 = tpu.memref_slice %arg10[%dma_wait3A_550, %dma_wait3A_551] : memref<10240x16xf32, #tpu.memory_space<vmem_shared>> -> memref<10240x16xf32, #tpu.memory_space<vmem_shared>>
      %dma_wait3A_553 = tpu.memref_slice %arg12[%dma_wait3A_542] : memref<8x!tpu.dma_semaphore, #tpu.memory_space<semaphore_mem>> -> memref<1x!tpu.dma_semaphore, #tpu.memory_space<semaphore_mem>>
      %dma_wait3A_554 = tpu.memref_squeeze %dma_wait3A_553 : memref<1x!tpu.dma_semaphore, #tpu.memory_space<semaphore_mem>> -> memref<!tpu.dma_semaphore, #tpu.memory_space<semaphore_mem>>
      tpu.wait_indirect_dma semaphore(%dma_wait3A_554 : memref<!tpu.dma_semaphore, #tpu.memory_space<semaphore_mem>>) src(%dma_wait3A_546 : memref<128x16xf32, #tpu.memory_space<vmem>>) dst(%dma_wait3A_552 : memref<10240x16xf32, #tpu.memory_space<vmem_shared>>)
      %lt3A_555 = arith.constant 9 : i32
      %lt3A_556 = arith.cmpi slt, %scan3A_137, %lt3A_555 : i32
      %convert_element_type3A_557 = arith.extui %lt3A_556 : i1 to i32
      %cond3A_558 = arith.constant 0 : i32
      %cond3A_559 = arith.cmpi ne, %convert_element_type3A_557, %cond3A_558 : i32
      scf.if %cond3A_559 {
        %add3A_560 = arith.constant 8 : i32
        %add3A_561 = arith.addi %mul3A_139, %add3A_560 : i32
        %add3A_562 = arith.constant 7 : i32
        %add3A_563 = arith.addi %add3A_561, %add3A_562 : i32
        %dma_start3A_564 = arith.constant 7 : i32
        %dma_start3A_565 = arith.constant 7 : i32
        %dma_start3A_566 = arith.constant 0 : i32
        %dma_start3A_567 = arith.constant 0 : i32
        %dma_start3A_568 = tpu.memref_slice %arg9[%dma_start3A_564, %dma_start3A_566, %dma_start3A_567] : memref<8x128x16xf32, #tpu.memory_space<vmem>> -> memref<1x128x16xf32, #tpu.memory_space<vmem>>
        %dma_start3A_569 = tpu.memref_squeeze %dma_start3A_568 : memref<1x128x16xf32, #tpu.memory_space<vmem>> -> memref<128x16xf32, #tpu.memory_space<vmem>>
        %dma_start3A_570 = arith.constant 0 : i32
        %dma_start3A_571 = tpu.memref_slice %arg7[%add3A_563, %dma_start3A_570] : memref<80x128xi32, #tpu.memory_space<vmem>> -> memref<1x128xi32, #tpu.memory_space<vmem>>
        %dma_start3A_572 = tpu.memref_squeeze %dma_start3A_571 : memref<1x128xi32, #tpu.memory_space<vmem>> -> memref<128xi32, #tpu.memory_space<vmem>>
        %dma_start3A_573 = arith.constant 0 : i32
        %dma_start3A_574 = arith.constant 0 : i32
        %dma_start3A_575 = tpu.memref_slice %arg2[%dma_start3A_573, %dma_start3A_574] : memref<17680x16xf32, #tpu.memory_space<hbm>> -> memref<17680x16xf32, #tpu.memory_space<hbm>>
        %dma_start3A_576 = tpu.memref_slice %arg11[%dma_start3A_565] : memref<8x!tpu.dma_semaphore, #tpu.memory_space<semaphore_mem>> -> memref<1x!tpu.dma_semaphore, #tpu.memory_space<semaphore_mem>>
        %dma_start3A_577 = tpu.memref_squeeze %dma_start3A_576 : memref<1x!tpu.dma_semaphore, #tpu.memory_space<semaphore_mem>> -> memref<!tpu.dma_semaphore, #tpu.memory_space<semaphore_mem>>
        tpu.enqueue_indirect_dma source(%dma_start3A_575 : memref<17680x16xf32, #tpu.memory_space<hbm>>) target(%dma_start3A_569 : memref<128x16xf32, #tpu.memory_space<vmem>>) offsets(%dma_start3A_572 : memref<128xi32, #tpu.memory_space<vmem>>) semaphore(%dma_start3A_577 : memref<!tpu.dma_semaphore, #tpu.memory_space<semaphore_mem>>)
      } else {
      }
    }
    %scan3A_128 = arith.constant 10 : i32
    %barrier3A_129 = arith.constant 0 : index
    tpu.barrier barrier_id(%barrier3A_129)
    %mul3A_130 = arith.constant 640 : i32
    %mul3A_131 = arith.muli %arg1, %mul3A_130 : i32
    %mul3A_132 = arith.constant 10240 : i32
    %mul3A_133 = arith.muli %arg0, %mul3A_132 : i32
    %mul3A_134 = arith.constant 640 : i32
    %mul3A_135 = arith.muli %arg1, %mul3A_134 : i32
    %add3A_136 = arith.addi %mul3A_133, %mul3A_135 : i32
    "tpu.region"() ({
      %run_scoped3A = tpu.sem_alloc : memref<!tpu.dma_semaphore, #tpu.memory_space<semaphore_mem>>
      %dma_start3A_137 = arith.constant 0 : i32
      %dma_start3A_138 = tpu.memref_slice %arg6[%add3A_136, %dma_start3A_137] : memref<20480x16xf32, #tpu.memory_space<hbm>> -> memref<640x16xf32, #tpu.memory_space<hbm>>
      %dma_start3A_139 = arith.constant 0 : i32
      %dma_start3A_140 = tpu.memref_slice %arg10[%mul3A_131, %dma_start3A_139] : memref<10240x16xf32, #tpu.memory_space<vmem_shared>> -> memref<640x16xf32, #tpu.memory_space<vmem_shared>>
      tpu.enqueue_dma source(%dma_start3A_140 : memref<640x16xf32, #tpu.memory_space<vmem_shared>>) target(%dma_start3A_138 : memref<640x16xf32, #tpu.memory_space<hbm>>) target_semaphore(%run_scoped3A : memref<!tpu.dma_semaphore, #tpu.memory_space<semaphore_mem>>)
      %dma_wait3A = arith.constant 0 : i32
      %dma_wait3A_141 = tpu.memref_slice %arg6[%add3A_136, %dma_wait3A] : memref<20480x16xf32, #tpu.memory_space<hbm>> -> memref<640x16xf32, #tpu.memory_space<hbm>>
      %dma_wait3A_142 = arith.constant 0 : i32
      %dma_wait3A_143 = tpu.memref_slice %arg10[%mul3A_131, %dma_wait3A_142] : memref<10240x16xf32, #tpu.memory_space<vmem_shared>> -> memref<640x16xf32, #tpu.memory_space<vmem_shared>>
      tpu.wait_dma2 semaphore(%run_scoped3A : memref<!tpu.dma_semaphore, #tpu.memory_space<semaphore_mem>>) src(%dma_wait3A_143 : memref<640x16xf32, #tpu.memory_space<vmem_shared>>) dst(%dma_wait3A_141 : memref<640x16xf32, #tpu.memory_space<hbm>>)
      tpu.yield
    }) : () -> ()
    return
  }
}

module attributes {stable_mosaic.version = 14 : i64} {
  func.func @body(%arg0: memref<10000x128xf32, #tpu.memory_space<vmem>>, %arg1: memref<128x16xf32, #tpu.memory_space<vmem>>, %arg2: memref<10000x2xf32, #tpu.memory_space<vmem>>, %arg3: memref<17680x16xf32, #tpu.memory_space<vmem>>) attributes {dimension_semantics = [], scalar_prefetch = 0 : i64, scratch_operands = 0 : i64, tpu.core_type = #tpu.core_type<tc>} {
    %get3A = arith.constant 0 : index
    %get3A_0 = arith.constant 0 : index
    %get3A_1 = vector.load %arg2[%get3A, %get3A_0] : memref<10000x2xf32, #tpu.memory_space<vmem>>, vector<10000x2xf32>
    %reduce_sum3A = arith.constant dense<0.000000e+00> : vector<10000xf32>
    %reduce_sum3A_2 = vector.multi_reduction <add>, %get3A_1, %reduce_sum3A [1] : vector<10000x2xf32> to vector<10000xf32>
    %broadcast_in_dim3A = vector.shape_cast %reduce_sum3A_2 : vector<10000xf32> to vector<10000x1xf32>
    %add3A = arith.constant 1.000000e+00 : f32
    %add3A_3 = vector.broadcast %add3A : f32 to vector<10000x1xf32>
    %add3A_4 = arith.addf %broadcast_in_dim3A, %add3A_3 : vector<10000x1xf32>
    %iota3A = tpu.iota {dimensions = array<i32: 0>} : vector<10000x1xi32>
    %lt3A = arith.constant 7680 : i32
    %lt3A_5 = vector.broadcast %lt3A : i32 to vector<10000x1xi32>
    %lt3A_6 = arith.cmpi slt, %iota3A, %lt3A_5 : vector<10000x1xi32>
    %jit3A = arith.constant 1.000000e+00 : f32
    %jit3A_7 = arith.constant 0.000000e+00 : f32
    %broadcast_in_dim3A_8 = vector.broadcast %jit3A : f32 to vector<10000x1xf32>
    %broadcast_in_dim3A_9 = vector.broadcast %jit3A_7 : f32 to vector<10000x1xf32>
    %select_n3A = arith.select %lt3A_6, %broadcast_in_dim3A_8, %broadcast_in_dim3A_9 : vector<10000x1xi1>, vector<10000x1xf32>
    %sub3A = arith.subf %add3A_4, %select_n3A : vector<10000x1xf32>
    %rsqrt3A = math.rsqrt %sub3A : vector<10000x1xf32>
    %get3A_10 = arith.constant 0 : index
    %get3A_11 = arith.constant 0 : index
    %get3A_12 = vector.load %arg0[%get3A_10, %get3A_11] : memref<10000x128xf32, #tpu.memory_space<vmem>>, vector<10000x128xf32>
    %get3A_13 = arith.constant 0 : index
    %get3A_14 = arith.constant 0 : index
    %get3A_15 = vector.load %arg1[%get3A_13, %get3A_14] : memref<128x16xf32, #tpu.memory_space<vmem>>, vector<128x16xf32>
    %dot_general3A = arith.constant dense<0.000000e+00> : vector<10000x16xf32>
    %dot_general3A_16 = tpu.matmul %get3A_12, %get3A_15, %dot_general3A {dimension_numbers = #tpu.dot_dimension_numbers<[1], [0], [0], [1], [0, 0, 1, 1], [], []>, transpose_lhs_hint = false} : vector<10000x128xf32>, vector<128x16xf32>, vector<10000x16xf32> -> vector<10000x16xf32>
    %mul3A = vector.broadcast %rsqrt3A : vector<10000x1xf32> to vector<10000x16xf32>
    %mul3A_17 = arith.mulf %dot_general3A_16, %mul3A : vector<10000x16xf32>
    %swap3A = arith.constant 0 : index
    %swap3A_18 = arith.constant 0 : index
    %swap3A_19 = vector.load %arg3[%swap3A, %swap3A_18] : memref<17680x16xf32, #tpu.memory_space<vmem>>, vector<10000x16xf32>
    tpu.vector_store %arg3[%swap3A, %swap3A_18], %mul3A_17 {strides = array<i32>} : memref<17680x16xf32, #tpu.memory_space<vmem>>, vector<10000x16xf32>,
    %broadcast_in_dim3A_20 = arith.constant 0.000000e+00 : f32
    %broadcast_in_dim3A_21 = vector.broadcast %broadcast_in_dim3A_20 : f32 to vector<7680x16xf32>
    %swap3A_22 = arith.constant 10000 : index
    %swap3A_23 = arith.constant 0 : index
    %swap3A_24 = vector.load %arg3[%swap3A_22, %swap3A_23] : memref<17680x16xf32, #tpu.memory_space<vmem>>, vector<7680x16xf32>
    tpu.vector_store %arg3[%swap3A_22, %swap3A_23], %broadcast_in_dim3A_21 {strides = array<i32>} : memref<17680x16xf32, #tpu.memory_space<vmem>>, vector<7680x16xf32>,
    return
  }
}

module attributes {stable_mosaic.version = 14 : i64} {
  func.func @body(%arg0: memref<10000x2xf32, #tpu.memory_space<vmem>>, %arg1: memref<17680x16xf32, #tpu.memory_space<vmem>>, %arg2: memref<10000x16xf32, #tpu.memory_space<vmem>>, %arg3: memref<10000x16xf32, #tpu.memory_space<vmem>>, %arg4: memref<16xf32, #tpu.memory_space<vmem>>, %arg5: memref<16x16xf32, #tpu.memory_space<vmem>>, %arg6: memref<17680x16xf32, #tpu.memory_space<vmem>>) attributes {dimension_semantics = [], scalar_prefetch = 0 : i64, scratch_operands = 0 : i64, tpu.core_type = #tpu.core_type<tc>} {
    %get3A = arith.constant 0 : index
    %get3A_0 = arith.constant 0 : index
    %get3A_1 = vector.load %arg0[%get3A, %get3A_0] : memref<10000x2xf32, #tpu.memory_space<vmem>>, vector<10000x2xf32>
    %reduce_sum3A = arith.constant dense<0.000000e+00> : vector<10000xf32>
    %reduce_sum3A_2 = vector.multi_reduction <add>, %get3A_1, %reduce_sum3A [1] : vector<10000x2xf32> to vector<10000xf32>
    %broadcast_in_dim3A = vector.shape_cast %reduce_sum3A_2 : vector<10000xf32> to vector<10000x1xf32>
    %add3A = arith.constant 1.000000e+00 : f32
    %add3A_3 = vector.broadcast %add3A : f32 to vector<10000x1xf32>
    %add3A_4 = arith.addf %broadcast_in_dim3A, %add3A_3 : vector<10000x1xf32>
    %iota3A = tpu.iota {dimensions = array<i32: 0>} : vector<10000x1xi32>
    %lt3A = arith.constant 7680 : i32
    %lt3A_5 = vector.broadcast %lt3A : i32 to vector<10000x1xi32>
    %lt3A_6 = arith.cmpi slt, %iota3A, %lt3A_5 : vector<10000x1xi32>
    %jit3A = arith.constant 1.000000e+00 : f32
    %jit3A_7 = arith.constant 0.000000e+00 : f32
    %broadcast_in_dim3A_8 = vector.broadcast %jit3A : f32 to vector<10000x1xf32>
    %broadcast_in_dim3A_9 = vector.broadcast %jit3A_7 : f32 to vector<10000x1xf32>
    %select_n3A = arith.select %lt3A_6, %broadcast_in_dim3A_8, %broadcast_in_dim3A_9 : vector<10000x1xi1>, vector<10000x1xf32>
    %sub3A = arith.subf %add3A_4, %select_n3A : vector<10000x1xf32>
    %rsqrt3A = math.rsqrt %sub3A : vector<10000x1xf32>
    %get3A_10 = arith.constant 0 : index
    %get3A_11 = arith.constant 0 : index
    %get3A_12 = vector.load %arg2[%get3A_10, %get3A_11] : memref<10000x16xf32, #tpu.memory_space<vmem>>, vector<10000x16xf32>
    %get3A_13 = arith.constant 0 : index
    %get3A_14 = arith.constant 0 : index
    %get3A_15 = vector.load %arg3[%get3A_13, %get3A_14] : memref<10000x16xf32, #tpu.memory_space<vmem>>, vector<10000x16xf32>
    %add3A_16 = arith.addf %get3A_12, %get3A_15 : vector<10000x16xf32>
    %get3A_17 = arith.constant 0 : index
    %get3A_18 = arith.constant 0 : index
    %get3A_19 = vector.load %arg1[%get3A_17, %get3A_18] : memref<17680x16xf32, #tpu.memory_space<vmem>>, vector<10000x16xf32>
    %add3A_20 = arith.addf %add3A_16, %get3A_19 : vector<10000x16xf32>
    %mul3A = vector.broadcast %rsqrt3A : vector<10000x1xf32> to vector<10000x16xf32>
    %mul3A_21 = arith.mulf %add3A_20, %mul3A : vector<10000x16xf32>
    %get3A_22 = arith.constant 0 : index
    %get3A_23 = vector.load %arg4[%get3A_22] : memref<16xf32, #tpu.memory_space<vmem>>, vector<16xf32>
    %broadcast_in_dim3A_24 = vector.shape_cast %get3A_23 : vector<16xf32> to vector<1x16xf32>
    %add3A_25 = vector.broadcast %broadcast_in_dim3A_24 : vector<1x16xf32> to vector<10000x16xf32>
    %add3A_26 = arith.addf %mul3A_21, %add3A_25 : vector<10000x16xf32>
    %max3A = arith.constant 0.000000e+00 : f32
    %max3A_27 = vector.broadcast %max3A : f32 to vector<10000x16xf32>
    %max3A_28 = arith.maximumf %add3A_26, %max3A_27 : vector<10000x16xf32>
    %get3A_29 = arith.constant 0 : index
    %get3A_30 = arith.constant 0 : index
    %get3A_31 = vector.load %arg5[%get3A_29, %get3A_30] : memref<16x16xf32, #tpu.memory_space<vmem>>, vector<16x16xf32>
    %dot_general3A = arith.constant dense<0.000000e+00> : vector<10000x16xf32>
    %dot_general3A_32 = tpu.matmul %max3A_28, %get3A_31, %dot_general3A {dimension_numbers = #tpu.dot_dimension_numbers<[1], [0], [0], [1], [0, 0, 1, 1], [], []>, transpose_lhs_hint = false} : vector<10000x16xf32>, vector<16x16xf32>, vector<10000x16xf32> -> vector<10000x16xf32>
    %mul3A_33 = vector.broadcast %rsqrt3A : vector<10000x1xf32> to vector<10000x16xf32>
    %mul3A_34 = arith.mulf %dot_general3A_32, %mul3A_33 : vector<10000x16xf32>
    %swap3A = arith.constant 0 : index
    %swap3A_35 = arith.constant 0 : index
    %swap3A_36 = vector.load %arg6[%swap3A, %swap3A_35] : memref<17680x16xf32, #tpu.memory_space<vmem>>, vector<10000x16xf32>
    tpu.vector_store %arg6[%swap3A, %swap3A_35], %mul3A_34 {strides = array<i32>} : memref<17680x16xf32, #tpu.memory_space<vmem>>, vector<10000x16xf32>,
    %broadcast_in_dim3A_37 = arith.constant 0.000000e+00 : f32
    %broadcast_in_dim3A_38 = vector.broadcast %broadcast_in_dim3A_37 : f32 to vector<7680x16xf32>
    %swap3A_39 = arith.constant 10000 : index
    %swap3A_40 = arith.constant 0 : index
    %swap3A_41 = vector.load %arg6[%swap3A_39, %swap3A_40] : memref<17680x16xf32, #tpu.memory_space<vmem>>, vector<7680x16xf32>
    tpu.vector_store %arg6[%swap3A_39, %swap3A_40], %broadcast_in_dim3A_38 {strides = array<i32>} : memref<17680x16xf32, #tpu.memory_space<vmem>>, vector<7680x16xf32>,
    return
  }
}

module attributes {stable_mosaic.version = 14 : i64} {
  func.func @body(%arg0: memref<10000x2xf32, #tpu.memory_space<vmem>>, %arg1: memref<17680x16xf32, #tpu.memory_space<vmem>>, %arg2: memref<10000x16xf32, #tpu.memory_space<vmem>>, %arg3: memref<10000x16xf32, #tpu.memory_space<vmem>>, %arg4: memref<16xf32, #tpu.memory_space<vmem>>, %arg5: memref<10000x7xf32, #tpu.memory_space<vmem>>) attributes {dimension_semantics = [], scalar_prefetch = 0 : i64, scratch_operands = 0 : i64, tpu.core_type = #tpu.core_type<tc>} {
    %get3A = arith.constant 0 : index
    %get3A_0 = arith.constant 0 : index
    %get3A_1 = vector.load %arg0[%get3A, %get3A_0] : memref<10000x2xf32, #tpu.memory_space<vmem>>, vector<10000x2xf32>
    %reduce_sum3A = arith.constant dense<0.000000e+00> : vector<10000xf32>
    %reduce_sum3A_2 = vector.multi_reduction <add>, %get3A_1, %reduce_sum3A [1] : vector<10000x2xf32> to vector<10000xf32>
    %broadcast_in_dim3A = vector.shape_cast %reduce_sum3A_2 : vector<10000xf32> to vector<10000x1xf32>
    %add3A = arith.constant 1.000000e+00 : f32
    %add3A_3 = vector.broadcast %add3A : f32 to vector<10000x1xf32>
    %add3A_4 = arith.addf %broadcast_in_dim3A, %add3A_3 : vector<10000x1xf32>
    %iota3A = tpu.iota {dimensions = array<i32: 0>} : vector<10000x1xi32>
    %lt3A = arith.constant 7680 : i32
    %lt3A_5 = vector.broadcast %lt3A : i32 to vector<10000x1xi32>
    %lt3A_6 = arith.cmpi slt, %iota3A, %lt3A_5 : vector<10000x1xi32>
    %jit3A = arith.constant 1.000000e+00 : f32
    %jit3A_7 = arith.constant 0.000000e+00 : f32
    %broadcast_in_dim3A_8 = vector.broadcast %jit3A : f32 to vector<10000x1xf32>
    %broadcast_in_dim3A_9 = vector.broadcast %jit3A_7 : f32 to vector<10000x1xf32>
    %select_n3A = arith.select %lt3A_6, %broadcast_in_dim3A_8, %broadcast_in_dim3A_9 : vector<10000x1xi1>, vector<10000x1xf32>
    %sub3A = arith.subf %add3A_4, %select_n3A : vector<10000x1xf32>
    %rsqrt3A = math.rsqrt %sub3A : vector<10000x1xf32>
    %get3A_10 = arith.constant 0 : index
    %get3A_11 = arith.constant 0 : index
    %get3A_12 = vector.load %arg2[%get3A_10, %get3A_11] : memref<10000x16xf32, #tpu.memory_space<vmem>>, vector<10000x16xf32>
    %get3A_13 = arith.constant 0 : index
    %get3A_14 = arith.constant 0 : index
    %get3A_15 = vector.load %arg3[%get3A_13, %get3A_14] : memref<10000x16xf32, #tpu.memory_space<vmem>>, vector<10000x16xf32>
    %add3A_16 = arith.addf %get3A_12, %get3A_15 : vector<10000x16xf32>
    %get3A_17 = arith.constant 0 : index
    %get3A_18 = arith.constant 0 : index
    %get3A_19 = vector.load %arg1[%get3A_17, %get3A_18] : memref<17680x16xf32, #tpu.memory_space<vmem>>, vector<10000x16xf32>
    %add3A_20 = arith.addf %add3A_16, %get3A_19 : vector<10000x16xf32>
    %mul3A = vector.broadcast %rsqrt3A : vector<10000x1xf32> to vector<10000x16xf32>
    %mul3A_21 = arith.mulf %add3A_20, %mul3A : vector<10000x16xf32>
    %get3A_22 = arith.constant 0 : index
    %get3A_23 = vector.load %arg4[%get3A_22] : memref<16xf32, #tpu.memory_space<vmem>>, vector<16xf32>
    %broadcast_in_dim3A_24 = vector.shape_cast %get3A_23 : vector<16xf32> to vector<1x16xf32>
    %add3A_25 = vector.broadcast %broadcast_in_dim3A_24 : vector<1x16xf32> to vector<10000x16xf32>
    %add3A_26 = arith.addf %mul3A_21, %add3A_25 : vector<10000x16xf32>
    %iota3A_27 = tpu.iota {dimensions = array<i32: 1>} : vector<10000x16xi32>
    %lt3A_28 = arith.constant 7 : i32
    %lt3A_29 = vector.broadcast %lt3A_28 : i32 to vector<10000x16xi32>
    %lt3A_30 = arith.cmpi slt, %iota3A_27, %lt3A_29 : vector<10000x16xi32>
    %jit3A_31 = arith.constant -1.000000e+30 : f32
    %broadcast_in_dim3A_32 = vector.broadcast %jit3A_31 : f32 to vector<10000x16xf32>
    %select_n3A_33 = arith.select %lt3A_30, %add3A_26, %broadcast_in_dim3A_32 : vector<10000x16xi1>, vector<10000x16xf32>
    %reduce_max3A = arith.constant dense<0xFF800000> : vector<10000xf32>
    %reduce_max3A_34 = vector.multi_reduction <maximumf>, %select_n3A_33, %reduce_max3A [1] : vector<10000x16xf32> to vector<10000xf32>
    %broadcast_in_dim3A_35 = vector.shape_cast %reduce_max3A_34 : vector<10000xf32> to vector<10000x1xf32>
    %sub3A_36 = vector.broadcast %broadcast_in_dim3A_35 : vector<10000x1xf32> to vector<10000x16xf32>
    %sub3A_37 = arith.subf %select_n3A_33, %sub3A_36 : vector<10000x16xf32>
    %exp3A = math.exp %sub3A_37 : vector<10000x16xf32>
    %reduce_sum3A_38 = arith.constant dense<0.000000e+00> : vector<10000xf32>
    %reduce_sum3A_39 = vector.multi_reduction <add>, %exp3A, %reduce_sum3A_38 [1] : vector<10000x16xf32> to vector<10000xf32>
    %broadcast_in_dim3A_40 = vector.shape_cast %reduce_sum3A_39 : vector<10000xf32> to vector<10000x1xf32>
    %log3A = math.log %broadcast_in_dim3A_40 : vector<10000x1xf32>
    %add3A_41 = arith.addf %broadcast_in_dim3A_35, %log3A : vector<10000x1xf32>
    %sub3A_42 = vector.broadcast %add3A_41 : vector<10000x1xf32> to vector<10000x16xf32>
    %sub3A_43 = arith.subf %add3A_26, %sub3A_42 : vector<10000x16xf32>
    %slice3A = vector.extract_strided_slice %sub3A_43 {offsets = [0, 0], sizes = [10000, 7], strides = [1, 1]} : vector<10000x16xf32> to vector<10000x7xf32>
    %swap3A = arith.constant 0 : index
    %swap3A_44 = arith.constant 0 : index
    %swap3A_45 = vector.load %arg5[%swap3A, %swap3A_44] : memref<10000x7xf32, #tpu.memory_space<vmem>>, vector<10000x7xf32>
    tpu.vector_store %arg5[%swap3A, %swap3A_44], %slice3A {strides = array<i32>} : memref<10000x7xf32, #tpu.memory_space<vmem>>, vector<10000x7xf32>,
    return
  }
}

</mosaic_0001>

<sc_bundles>
// kernel: kernel.11.cloned.1.call-start
scs
__scs_entry_jumppad:
0x0: {  	(pc) =	sbr.rel $0x88, $3  }
0x1: {  	(tag) =	ssettag $0x0;
	lr =	simm.s32 $0x1  }
0x2: {  	[smem:$0x3F9B] =	sst lr;
	_ =	strace $0xD0000000  }
0x3: {  	_ = 	snop  }
0x4: {  	_ = 	snop  }
0x5: {  	_ = 	snop  }
0x6: {  	_ = 	snop  }
0x7: {  	_ = 	snop  }
__scs_overlays_trampoline_lowered:
0x8: {  	[smem:$0x3FAA] =	sst s0  }
0x9: {  	[smem:$0x3FAB] =	sst s1  }
0xa: {  	[smem:$0x3FAC] =	sst s2  }
0xb: {  	[smem:$0x3FAD] =	sst s3  }
0xc: {  	[smem:$0x3FAE] =	sst s4  }
0xd: {  	[smem:$0x3FAF] =	sst s5  }
0xe: {  	[smem:$0x3FB0] =	sst s6  }
0xf: {  	[smem:$0x3FB1] =	sst s7  }
0x10: {  	[smem:$0x3FB2] =	sst s8  }
0x11: {  	[smem:$0x3FB3] =	sst s9;
	s0 =	simm.s32 @!p0 $0x0  }
0x12: {  	s1 =	sld [smem:$0x3F99];
	s0 =	simm.s32 @p0 $0x1  }
0x13: {  	[smem:$0x3FB4] =	sst s0;
	s0 =	simm.s32 @!p1 $0x0  }
0x14: {  	s2 =	sld [smem:$0x3F98];
	s0 =	simm.s32 @p1 $0x1  }
0x15: {  	[smem:$0x3FB5] =	sst s0;
	s0 =	simm.s32 @!p2 $0x0  }
0x16: {  	s3 =	sld [smem:$0x3FDB];
	s0 =	simm.s32 @p2 $0x1  }
0x17: {  	s4 =	simm.s32 $0x1BF5;
	[smem:$0x3FB7] =	sst s0  }
0x18: {  	s0 =	sld [smem:$0x3F9A];
	_ =	swait.ge [sflag:s4], $0x0  }
0x19: {  	s7 =	sld [smem:$0x3F9B]  }
0x1a: {  	s8 =	sadd.s32 $0xFFFFE003, lr  }
0x1b: {  	s9 =	sadd.s32 $0xFFFFFEF7, lr;
	s5 =	simm.s32 $0xFFFFFFFF;
	p2 =	slt.u32 s8, $0xFFFFF086  }
0x1c: {  	p1 =	slt.u32 s9, $0xF7A;
	s5 =	simm.s32 @!p2 $0x0  }
0x1d: {  	s5 =	simm.s32 @p1 $0x1;
	p0 =	seq.s32 s7, s2  }
0x1e: {  	s7 =	smul.u32 @!p0 $0xF7A, s2;
	p2 =	seq.s32 @!p0 s5, $0x0  }
0x1f: {  	s9 =	smul.u32 $0xF7A, s1;
	s8 =	simm.s32 @!p0 $0x1BF5;
	p2 =	por !p2, p0  }
0x20: {  	[sflag:s8] =	ssyncset.s32 @!p0 $0xFFFFF086;
	s6 =	sadd.s32 @!p0 s3, s7;
	s7 =	simm.s32 @!p0 $0x108  }
0x21: {  	s3 =	sadd.s32 s3, s9;
	s6 =	sadd.s32 @!p0 $0x88, s6;
	s7 =	simm.s32 @p2 $0x1082  }
0x22: {  	[simem:s7], [sflag:s8] =	dma.local @!p0 [hbm:s6], $0xF7A  }
0x23: {  	s9 =	sor.u32 $0xD0000000, s2;
	s6 =	simm.s32 $0x108;
	_ =	swait.ge @!p0 [sflag:s8], $0x0  }
0x24: {  	s3 =	sadd.s32 $0x88, s3;
	s6 =	simm.s32 @!p1 $0x1082;
	[sflag:s4] =	ssyncset.s32 $0xFFFFF086  }
0x25: {  	[simem:s6], [sflag:s4] =	dma.local [hbm:s3], $0xF7A  }
0x26: {  	[smem:$0x3F9B] =	sst s1;
	(tag) =	ssettag s2;
	_ =	strace s9  }
0x27: {  	s1 =	sld [smem:$0x3FAB]  }
0x28: {  	s2 =	sld [smem:$0x3FAC]  }
0x29: {  	s4 =	sld [smem:$0x3FAE]  }
0x2a: {  	p0 =	seq.s32 s5, $0x0;
	s5 =	sld [smem:$0x3FAF]  }
0x2b: {  	s6 =	sld [smem:$0x3FB0]  }
0x2c: {  	s7 =	sld [smem:$0x3FB1]  }
0x2d: {  	s3 =	simm.s32 $0x108;
	s8 =	sld [smem:$0x3FB2]  }
0x2e: {  	s3 =	simm.s32 @!p0 $0x1082;
	s9 =	sld [smem:$0x3FB3]  }
0x2f: {  	lr =	sadd.s32 s0, s3;
	s0 =	sld [smem:$0x3FAA]  }
0x30: {  	s3 =	sld [smem:$0x3FAD]  }
0x31: {  	[smem:$0x3FB6] =	sst s10  }
0x32: {  	s10 =	sld [smem:$0x3FB4];
	_ =	sdelay $0x3  }
0x33: {  	p0 =	seq.s32 s10, $0x1;
	s10 =	sld [smem:$0x3FB6];
	_ =	sdelay $0x3  }
0x34: {  	[smem:$0x3FB6] =	sst s10  }
0x35: {  	s10 =	sld [smem:$0x3FB5];
	_ =	sdelay $0x3  }
0x36: {  	p1 =	seq.s32 s10, $0x1;
	s10 =	sld [smem:$0x3FB6];
	_ =	sdelay $0x3  }
0x37: {  	[smem:$0x3FB6] =	sst s10  }
0x38: {  	s10 =	sld [smem:$0x3FB7]  }
0x39: {  	_ = 	snop;
	(pc) =	sbr.ind lr, $3  }
0x3a: {  	_ = 	snop  }
0x3b: {  	_ = 	snop  }
0x3c: {  	p2 =	seq.s32 s10, $0x1;
	s10 =	sld [smem:$0x3FB6]  }
0x3d: {  	_ =	shalt  }
0x3e: {  	_ =	shalt  }
0x3f: {  	_ =	shalt  }
0x40: {  	_ =	shalt  }
0x41: {  	_ =	shalt  }
0x42: {  	_ =	shalt  }
0x43: {  	_ =	shalt  }
0x44: {  	_ =	shalt  }
0x45: {  	_ =	shalt  }
0x46: {  	_ =	shalt  }
0x47: {  	_ =	shalt  }
0x48: {  	_ =	shalt  }
0x49: {  	_ =	shalt  }
0x4a: {  	_ =	shalt  }
0x4b: {  	_ =	shalt  }
0x4c: {  	_ =	shalt  }
0x4d: {  	_ =	shalt  }
0x4e: {  	_ =	shalt  }
0x4f: {  	_ =	shalt  }
0x50: {  	_ =	shalt  }
0x51: {  	_ =	shalt  }
0x52: {  	_ =	shalt  }
0x53: {  	_ =	shalt  }
0x54: {  	_ =	shalt  }
0x55: {  	_ =	shalt  }
0x56: {  	_ =	shalt  }
0x57: {  	_ =	shalt  }
0x58: {  	_ =	shalt  }
0x59: {  	_ =	shalt  }
0x5a: {  	_ =	shalt  }
0x5b: {  	_ =	shalt  }
0x5c: {  	_ =	shalt  }
0x5d: {  	_ =	shalt  }
0x5e: {  	_ =	shalt  }
0x5f: {  	_ =	shalt  }
0x60: {  	_ =	shalt  }
0x61: {  	_ =	shalt  }
0x62: {  	_ =	shalt  }
0x63: {  	_ =	shalt  }
0x64: {  	_ =	shalt  }
0x65: {  	_ =	shalt  }
0x66: {  	_ =	shalt  }
0x67: {  	_ =	shalt  }
0x68: {  	_ =	shalt  }
0x69: {  	_ =	shalt  }
0x6a: {  	_ =	shalt  }
0x6b: {  	_ =	shalt  }
0x6c: {  	_ =	shalt  }
0x6d: {  	_ =	shalt  }
0x6e: {  	_ =	shalt  }
0x6f: {  	_ =	shalt  }
0x70: {  	_ =	shalt  }
0x71: {  	_ =	shalt  }
0x72: {  	_ =	shalt  }
0x73: {  	_ =	shalt  }
0x74: {  	_ =	shalt  }
0x75: {  	_ =	shalt  }
0x76: {  	_ =	shalt  }
0x77: {  	_ =	shalt  }
0x78: {  	_ =	shalt  }
0x79: {  	_ =	shalt  }
0x7a: {  	_ =	shalt  }
0x7b: {  	_ =	shalt  }
0x7c: {  	_ =	shalt  }
0x7d: {  	_ =	shalt  }
0x7e: {  	_ =	shalt  }
0x7f: {  	_ =	shalt  }
0x80: {  	_ =	shalt  }
0x81: {  	_ =	shalt  }
0x82: {  	_ =	shalt  }
0x83: {  	_ =	shalt  }
0x84: {  	_ =	shalt  }
0x85: {  	_ =	shalt  }
0x86: {  	_ =	shalt  }
0x87: {  	_ =	shalt  }
.Lfunc_end0:
.L_simem_size_0:
called_computation.1_lowered:
.L_overlay_start_0:
0x88: {  	s2 =	sld [smem:$0x3FD9]  }
0x89: {  	s3 =	sld [smem:$0x3FFE];
	_ =	sdelay $0x1  }
0x8a: {  	s1 =	srdreg.scid  }
0x8b: {  	s0 =	sand.u32 $0x1, s1  }
0x8c: {  	s16 =	sshll.u32 s0, $0xA;
	s2 =	sadd.s32 s3, s2  }
0x8d: {  	s2 =	sadd.s32 s2, s16  }
0x8e: {  	[smem:$0x3FC2] =	sst s2  }
0x8f: {  	_ = 	snop  }
0x90: {  	(tm) =	ssettm $0x1  }
0x91: {  	s17 =	sld [smem:$0x3FFB];
	_ =	sdelay $0x3  }
0x92: {  	_ =	strace s17  }
0x93: {  	s2 =	sld [smem:$0x3FFC];
	_ =	sdelay $0x3  }
0x94: {  	_ =	strace s2  }
0x95: {  	s2 =	sld [smem:$0x3FFD];
	_ =	sdelay $0x3  }
0x96: {  	_ =	strace s2  }
0x97: {  	_ =	strace $0x8FFFFFFF  }
0x98: {  	s18 =	sld [smem:$0x3FDB];
	_ =	sdelay $0x1  }
0x99: {  	s19 =	simm.s32 $_scs_section_size  }
0x9a: {  	s4 =	simm.s32 $_size__tile_overlayer_lowered;
	s5 =	simm.s32 $_tile_overlayer_lowered  }
0x9b: {  	s22 =	simm.s32 $0x1BFF;
	s21 =	sshll.u32 s5, $0x1;
	s2 =	sadd.s32 s19, s18  }
0x9c: {  	s6 =	simm.s32 $0x0;
	s20 =	sshll.u32 s4, $0x1;
	s4 =	sadd.s32 s21, s2  }
0x9d: {  	[timem:s6], [sflag:s22] =	dma.local [hbm:s4], s20  }
0x9e: {  	_ =	swait.ge [sflag:s22], s20  }
0x9f: {  	s3 =	ssub.s32 $0x0, s20;
	[sflag:s22] =	ssyncset.done $0x0  }
0xa0: {  	[sflag:s22] =	ssyncadd.s32 s3;
	_ =	sdelay $0x1  }
0xa1: {  	s23 =	simm.s32 $0x1B8B  }
0xa2: {  	_ =	swait.ge [sflag:s23], $0x1  }
0xa3: {  	[sflag:s23] =	ssyncset.done $0x0  }
0xa4: {  	s25 =	simm.s32 $0x1B8E;
	s24 =	sld [smem:$0x3FFE];
	[sflag:s23] =	ssyncadd.s32 $0xFFFFFFFF  }
0xa5: {  	s26 =	simm.s32 $execute0_lowered;
	[smem:$0x3FD2] =	sst s25  }
0xa6: {  	s4 =	sshll.u32 s26, $0x1;
	_ =	strace $0x80000049;
	[dreg:$0x1] =	wrdreg $0xFFFFFFFF  }
0xa7: {  	s28 =	simm.s32 $_size_execute0_lowered;
	s2 =	sadd.s32 s2, s4;
	[dreg:$0x0] =	wrdreg $0x0  }
0xa8: {  	s4 =	sshll.u32 s28, $0x1;
	[dreg:$0x2] =	wrdreg s2  }
0xa9: {  	[dreg:$0x3] =	wrdreg s4  }
0xaa: {  	[dreg:$0x4] =	wrdreg $0xC0  }
0xab: {  	_ =	task [dreg:s6], $0x5FFFF  }
0xac: {  	[dreg:$0x1] =	wrdreg $0xFFFFFFFF  }
0xad: {  	[dreg:$0x0] =	wrdreg $0x60  }
0xae: {  	[dreg:$0x2] =	wrdreg s24  }
0xaf: {  	[dreg:$0x3] =	wrdreg $0x90000  }
0xb0: {  	[dreg:$0x4] =	wrdreg $0x9  }
0xb1: {  	_ =	task.clear_ibuf [dreg:s6], $0x5FFFF;
	_ =	strace $0x90000049  }
0xb2: {  	s29 =	simm.s32 $0x9;
	_ =	strace $0x8000004B  }
0xb3: {  	_ =	swait.ge [sflag:s29], $0x1  }
0xb4: {  	[sflag:s29] =	ssyncadd.s32 $0xFFFFFFFF  }
0xb5: {  	_ =	strace $0x9000004B  }
0xb6: {  	_ =	sfence  }
0xb7: {  	s30 =	sld [smem:$0x0];
	_ =	sdelay $0x2  }
0xb8: {  	s31 =	sshll.u32 s1, $0xD;
	s1 =	sshrl.u32 s1, $0x2  }
0xb9: {  	s3 =	sand.u32 $0x4000, s31;
	s1 =	sadd.s32 s1, s30  }
0xba: {  	s0 =	sor.u32 s3, s0;
	s1 =	sshll.u32 s1, $0x11  }
0xbb: {  	s0 =	sor.u32 s1, s0  }
0xbc: {  	s0 =	sadd.s32 $0x8F2B, s0  }
0xbd: {  	[sflag:s0] =	ssyncadd.remote.s32 $0x1  }
0xbe: {  	_ =	sfence.sel $0xFFFF  }
0xbf: {  	[dreg:$0x0] =	wrdreg $0xFFFFFFFF;
	(pc) =	sbr.abs _section_cstart, $3  }
0xc0: {  	[dreg:$0x1] =	wrdreg $0xFFFFFFFF  }
0xc1: {  	_ =	task.clear_ibuf [dreg:s6], $0x2FFFF;
	_ =	strace $0x9FFFFFFF  }
0xc2: {  	(tm) =	ssettm $0x7FFFFFFF  }
0xc3: {  	_ =	shalt  }
tec
execute0_lowered:
.L_overlay_start_1:
0x0: {  	(tag) =	ssettag $0x1  }
0x1: {  	s0 =	srdreg.scid;
	s3 =	rddreg [dreg:$0x0]  }
0x2: {  	s9 =	stileid.u32;
	s2 =	rddreg [dreg:$0x1]  }
0x3: {  	s4 =	simm.s32 $0x0;
	s14 =	simm.s32 $0x80;
	s15 =	simm.s32 $0x5000  }
0x4: {  	s16 =	simm.s32 $0x5800;
	s18 =	simm.s32 $0x6000;
	s20 =	simm.s32 $0x6800  }
0x5: {  	s22 =	simm.s32 $0x7000;
	s29 =	simm.s32 $0x8800;
	s30 =	simm.s32 $0x1  }
0x6: {  	s31 =	simm.s32 $0x2;
	s13 =	simm.s32 $0x5;
	s17 =	simm.s32 $0x6  }
0x7: {  	s19 =	simm.s32 $0x7;
	s21 =	simm.s32 $0x8;
	s28 =	simm.s32 $0xB  }
0x8: {  	s10 =	simm.s32 $0x10;
	s0 =	sand.u32 $0x1, s0;
	s5 =	smul.u32 $0x2800, s9  }
0x9: {  	[smem:$0x7FF] =	sst s4;
	s6 =	smul.u32 $0x500, s9;
	s4 =	sadd.s32 $0x5A800, s3  }
0xa: {  	s24 =	sshll.u32 s9, $0x6;
	s1 =	sshll.u32 s0, $0x4;
	_ =	strace $0x8000004A  }
0xb: {  	s7 =	smul.u32 $0x5000, s0;
	s0 =	ssub.s32 $0x2, s0;
	s11 =	sor.u32 $0x1C11, s24  }
0xc: {  	s24 =	simm.s32 $0x7800;
	s1 =	sor.u32 s9, s1;
	s8 =	sshrl.u32 s5, $0x3  }
0xd: {  	s23 =	sshrl.u32 s0, $0x1;
	s5 =	sadd.s32 s5, s2;
	s9 =	simm.s32 $0xF  }
0xe: {  	[dreg:$0x4] =	wrdreg s11;
	s1 =	smul.u32 $0x500, s1;
	s8 =	sadd.s32 s8, s3  }
0xf: {  	s6 =	sadd.s32 s6, s7;
	s0 =	ssub.s32 s0, s23;
	s12 =	sshrl.u32 s5, $0x3  }
0x10: {  	s23 =	simm.s32 $0x9;
	s5 =	simm.s32 $0xC;
	s7 =	simm.s32 $0xD  }
0x11: {  	s25 =	sadd.s32 $0x63400, s8;
	s0 =	smax.u32 s0, $0x1;
	[dreg:$0x9] =	wrdreg s12  }
0x12: {  	s1 =	sadd.s32 s1, s3;
	s3 =	sadd.s32 s6, s3;
	[dreg:$0x3] =	wrdreg s25  }
.Ltmp0:
0x13: {  	[dreg:$0x8] =	wrdreg s0;
	s6 =	simm.s32 $0x0;
	(pc) =	sbr.rel .LBB2_1-.Ltmp0, $4  }
0x14: {  	s8 =	simm.s32 $0xE;
	s26 =	sadd.s32 $0xB600, s1;
	[dreg:$0xa] =	wrdreg s6  }
0x15: {  	s0 =	simm.s32 $0x4;
	s1 =	sadd.s32 $0x1600, s1;
	[dreg:$0x5] =	wrdreg s26  }
0x16: {  	s25 =	simm.s32 $0xA;
	s3 =	sadd.s32 $0x68400, s3;
	[dreg:$0x6] =	wrdreg s1  }
0x17: {  	[dreg:$0x7] =	wrdreg s3;
	s26 =	simm.s32 $0x8000;
	s1 =	simm.s32 $0x3  }
.LBB2_4:
0x18: {  	_ =	swait.ge [sflag:s25], $0x800  }
0x19: {  	[sflag:s25] =	ssyncset.done $0x0  }
0x1a: {  	[sflag:s25] =	ssyncadd.s32 $0xFFFFF800  }
0x1b: {  	_ =	swait.ge [sflag:s28], $0x800  }
0x1c: {  	[sflag:s28] =	ssyncset.done $0x0  }
0x1d: {  	[sflag:s28] =	ssyncadd.s32 $0xFFFFF800  }
0x1e: {  	_ =	swait.ge [sflag:s5], $0x800  }
0x1f: {  	[sflag:s5] =	ssyncset.done $0x0  }
0x20: {  	[sflag:s5] =	ssyncadd.s32 $0xFFFFF800  }
0x21: {  	_ =	swait.ge [sflag:s7], $0x800  }
0x22: {  	[sflag:s7] =	ssyncset.done $0x0  }
0x23: {  	[sflag:s7] =	ssyncadd.s32 $0xFFFFF800  }
0x24: {  	_ =	swait.ge [sflag:s8], $0x800  }
0x25: {  	[sflag:s8] =	ssyncset.done $0x0  }
0x26: {  	[sflag:s8] =	ssyncadd.s32 $0xFFFFF800  }
0x27: {  	_ =	swait.ge [sflag:s9], $0x800  }
0x28: {  	[sflag:s9] =	ssyncset.done $0x0  }
0x29: {  	[sflag:s9] =	ssyncadd.s32 $0xFFFFF800  }
0x2a: {  	_ =	swait.ge [sflag:s10], $0x800  }
0x2b: {  	[sflag:s10] =	ssyncset.done $0x0  }
0x2c: {  	[sflag:s10] =	ssyncadd.s32 $0xFFFFF800  }
0x2d: {  	[bflag:$0x0] =	sbarrier.arrive $0xFFFF  }
0x2e: {  	s11 =	rddreg [dreg:$0x4]  }
0x2f: {  	s6 =	rddreg [dreg:$0x7]  }
0x30: {  	s12 =	rddreg [dreg:$0x9]  }
0x31: {  	[hbm:s6], [sflag:s11] =	dma.local [spmem:s12], $0x500  }
0x32: {  	s6 =	simm.s32 $0x11  }
0x33: {  	_ =	swait.ge [sflag:s6], $0x500  }
0x34: {  	s3 =	rddreg [dreg:$0xa]  }
0x35: {  	[sflag:s6] =	ssyncset.done $0x0;
	s6 =	rddreg [dreg:$0x8];
	s3 =	sadd.s32 $0x1, s3  }
0x36: {  	p0 =	sne.s32 s3, s6  }
.Ltmp1:
0x37: {  	_ = 	snop;
	(pc) =	sbr.rel @!p0 .LBB2_5-.Ltmp1, $3  }
0x38: {  	_ =	sdelay $0x1  }
0x39: {  	s6 =	simm.s32 $0x11  }
0x3a: {  	[dreg:$0xa] =	wrdreg s3;
	[sflag:s6] =	ssyncadd.s32 $0xFFFFFB00  }
.LBB2_1:
0x3b: {  	s3 =	simm.s32 $0x11;
	s6 =	rddreg [dreg:$0x3]  }
0x3c: {  	[spmem:s12], [sflag:s11] =	dma.local [hbm:s6], $0x500  }
0x3d: {  	_ =	swait.ge [sflag:s3], $0x500  }
0x3e: {  	[sflag:s3] =	ssyncset.done $0x0  }
0x3f: {  	s6 =	simm.s32 $0x0;
	s12 =	rddreg [dreg:$0x5];
	[sflag:s3] =	ssyncadd.s32 $0xFFFFFB00  }
0x40: {  	[tilespmem:s6], [sflag:$0x11] =	stream.linear.gather [hbm4b:s12+s6], $0x2800, $0x38;
	[tilespmem:$0xB800] =	vst v63  }
0x41: {  	_ =	swait.ge [sflag:s3], $0x2800  }
0x42: {  	[sflag:s3] =	ssyncset.done $0x0  }
0x43: {  	s12 =	simm.s32 $0x2800;
	s11 =	rddreg [dreg:$0x6];
	[sflag:s3] =	ssyncadd.s32 $0xFFFFD800  }
0x44: {  	[tilespmem:s12], [sflag:$0x11] =	stream.linear.gather [hbm4b:s11+s6], $0x2800, $0x38;
	[tilespmem:$0xB800] =	vst v63  }
0x45: {  	_ =	swait.ge [sflag:s3], $0x2800  }
0x46: {  	[sflag:s3] =	ssyncset.done $0x0  }
0x47: {  	[sflag:s3] =	ssyncadd.s32 $0xFFFFD800  }
0x48: {  	[bflag:$0x0] =	sbarrier.arrive $0xFFFF  }
0x49: {  	[tilespmem:s15], [sflag:$0x1] =	stream.indirect.gather [hbm4b:s4+s14], $0x10, s6, s14, $0xb8;
	[tilespmem:$0xB800] =	vst v63  }
0x4a: {  	_ = 	snop  }
0x4b: {  	[tilespmem:s16], [sflag:$0x2] =	stream.indirect.gather [hbm4b:s4+s14], $0x10, s14, s14, $0xb8;
	[tilespmem:$0xB800] =	vst v63  }
0x4c: {  	s6 =	simm.s32 $0x100  }
0x4d: {  	[tilespmem:s18], [sflag:$0x3] =	stream.indirect.gather [hbm4b:s4+s14], $0x10, s6, s14, $0xb8;
	[tilespmem:$0xB800] =	vst v63  }
0x4e: {  	s11 =	simm.s32 $0x180  }
0x4f: {  	[tilespmem:s20], [sflag:$0x4] =	stream.indirect.gather [hbm4b:s4+s14], $0x10, s11, s14, $0xb8;
	[tilespmem:$0xB800] =	vst v63  }
0x50: {  	s12 =	simm.s32 $0x200  }
0x51: {  	[tilespmem:s22], [sflag:$0x5] =	stream.indirect.gather [hbm4b:s4+s14], $0x10, s12, s14, $0xb8;
	[tilespmem:$0xB800] =	vst v63  }
0x52: {  	s6 =	simm.s32 $0x280  }
0x53: {  	[tilespmem:s24], [sflag:$0x6] =	stream.indirect.gather [hbm4b:s4+s14], $0x10, s6, s14, $0xb8;
	[tilespmem:$0xB800] =	vst v63  }
0x54: {  	s11 =	simm.s32 $0x300  }
0x55: {  	[tilespmem:s26], [sflag:$0x7] =	stream.indirect.gather [hbm4b:s4+s14], $0x10, s11, s14, $0xb8;
	[tilespmem:$0xB800] =	vst v63  }
0x56: {  	s12 =	simm.s32 $0x380;
	s6 =	simm.s32 $0x0  }
0x57: {  	[tilespmem:s29], [sflag:$0x8] =	stream.indirect.gather [hbm4b:s4+s14], $0x10, s12, s14, $0xb8;
	[tilespmem:$0xB800] =	vst v63  }
.LBB2_2:
0x58: {  	_ =	swait.ge [sflag:s30], $0x800  }
0x59: {  	s11 =	sshra.s32 s6, $0x2;
	[sflag:s30] =	ssyncset.done $0x0  }
0x5a: {  	s12 =	sadd.s32 $0x2800, s11;
	[sflag:s30] =	ssyncadd.s32 $0xFFFFF800  }
0x5b: {  	[spmem:s2] =	stream.indirect.scatter.add.f32 [tilespmem:s15], [sflag:$0x9], $0x10, s12, s14, $0xb8;
	[tilespmem:$0xB800] =	vst v63  }
0x5c: {  	_ =	swait.ge [sflag:s31], $0x800  }
0x5d: {  	[sflag:s31] =	ssyncset.done $0x0  }
0x5e: {  	s3 =	sadd.s32 $0x2880, s11;
	[sflag:s31] =	ssyncadd.s32 $0xFFFFF800  }
0x5f: {  	[spmem:s2] =	stream.indirect.scatter.add.f32 [tilespmem:s16], [sflag:$0xA], $0x10, s3, s14, $0xb8;
	[tilespmem:$0xB800] =	vst v63  }
0x60: {  	_ =	swait.ge [sflag:s1], $0x800  }
0x61: {  	[sflag:s1] =	ssyncset.done $0x0  }
0x62: {  	s3 =	sadd.s32 $0x2900, s11;
	[sflag:s1] =	ssyncadd.s32 $0xFFFFF800  }
0x63: {  	[spmem:s2] =	stream.indirect.scatter.add.f32 [tilespmem:s18], [sflag:$0xB], $0x10, s3, s14, $0xb8;
	[tilespmem:$0xB800] =	vst v63  }
0x64: {  	_ =	swait.ge [sflag:s0], $0x800  }
0x65: {  	[sflag:s0] =	ssyncset.done $0x0  }
0x66: {  	s3 =	sadd.s32 $0x2980, s11;
	[sflag:s0] =	ssyncadd.s32 $0xFFFFF800  }
0x67: {  	[spmem:s2] =	stream.indirect.scatter.add.f32 [tilespmem:s20], [sflag:$0xC], $0x10, s3, s14, $0xb8;
	[tilespmem:$0xB800] =	vst v63  }
0x68: {  	_ =	swait.ge [sflag:s13], $0x800  }
0x69: {  	[sflag:s13] =	ssyncset.done $0x0  }
0x6a: {  	s3 =	sadd.s32 $0x2A00, s11;
	[sflag:s13] =	ssyncadd.s32 $0xFFFFF800  }
0x6b: {  	[spmem:s2] =	stream.indirect.scatter.add.f32 [tilespmem:s22], [sflag:$0xD], $0x10, s3, s14, $0xb8;
	[tilespmem:$0xB800] =	vst v63  }
0x6c: {  	_ =	swait.ge [sflag:s17], $0x800  }
0x6d: {  	[sflag:s17] =	ssyncset.done $0x0  }
0x6e: {  	s3 =	sadd.s32 $0x2A80, s11;
	[sflag:s17] =	ssyncadd.s32 $0xFFFFF800  }
0x6f: {  	[spmem:s2] =	stream.indirect.scatter.add.f32 [tilespmem:s24], [sflag:$0xE], $0x10, s3, s14, $0xb8;
	[tilespmem:$0xB800] =	vst v63  }
0x70: {  	_ =	swait.ge [sflag:s19], $0x800  }
0x71: {  	[sflag:s19] =	ssyncset.done $0x0  }
0x72: {  	s3 =	sadd.s32 $0x2B00, s11;
	[sflag:s19] =	ssyncadd.s32 $0xFFFFF800  }
0x73: {  	[spmem:s2] =	stream.indirect.scatter.add.f32 [tilespmem:s26], [sflag:$0xF], $0x10, s3, s14, $0xb8;
	[tilespmem:$0xB800] =	vst v63  }
0x74: {  	_ =	swait.ge [sflag:s21], $0x800  }
0x75: {  	p0 =	seq.s32 s6, $0x9000;
	[sflag:s21] =	ssyncset.done $0x0  }
.Ltmp2:
0x76: {  	s3 =	sadd.s32 $0x2B80, s11;
	[sflag:s21] =	ssyncadd.s32 $0xFFFFF800;
	(pc) =	sbr.rel @p0 .LBB2_4-.Ltmp2, $4  }
0x77: {  	[spmem:s2] =	stream.indirect.scatter.add.f32 [tilespmem:s29], [sflag:$0x10], $0x10, s3, s14, $0xb8;
	[tilespmem:$0xB800] =	vst v63  }
0x78: {  	_ =	swait.ge [sflag:s23], $0x800  }
0x79: {  	[sflag:s23] =	ssyncset.done $0x0  }
0x7a: {  	[sflag:s23] =	ssyncadd.s32 $0xFFFFF800  }
0x7b: {  	s12 =	sadd.s32 $0x400, s11  }
0x7c: {  	[tilespmem:s15], [sflag:$0x1] =	stream.indirect.gather [hbm4b:s4+s14], $0x10, s12, s14, $0xb8;
	[tilespmem:$0xB800] =	vst v63  }
0x7d: {  	_ =	swait.ge [sflag:s25], $0x800  }
0x7e: {  	[sflag:s25] =	ssyncset.done $0x0  }
0x7f: {  	s3 =	sadd.s32 $0x480, s11;
	[sflag:s25] =	ssyncadd.s32 $0xFFFFF800  }
0x80: {  	[tilespmem:s16], [sflag:$0x2] =	stream.indirect.gather [hbm4b:s4+s14], $0x10, s3, s14, $0xb8;
	[tilespmem:$0xB800] =	vst v63  }
0x81: {  	_ =	swait.ge [sflag:s28], $0x800  }
0x82: {  	[sflag:s28] =	ssyncset.done $0x0  }
0x83: {  	s3 =	sadd.s32 $0x500, s11;
	[sflag:s28] =	ssyncadd.s32 $0xFFFFF800  }
0x84: {  	[tilespmem:s18], [sflag:$0x3] =	stream.indirect.gather [hbm4b:s4+s14], $0x10, s3, s14, $0xb8;
	[tilespmem:$0xB800] =	vst v63  }
0x85: {  	_ =	swait.ge [sflag:s5], $0x800  }
0x86: {  	[sflag:s5] =	ssyncset.done $0x0  }
0x87: {  	s3 =	sadd.s32 $0x580, s11;
	[sflag:s5] =	ssyncadd.s32 $0xFFFFF800  }
0x88: {  	[tilespmem:s20], [sflag:$0x4] =	stream.indirect.gather [hbm4b:s4+s14], $0x10, s3, s14, $0xb8;
	[tilespmem:$0xB800] =	vst v63  }
0x89: {  	_ =	swait.ge [sflag:s7], $0x800  }
0x8a: {  	[sflag:s7] =	ssyncset.done $0x0  }
0x8b: {  	s3 =	sadd.s32 $0x600, s11;
	[sflag:s7] =	ssyncadd.s32 $0xFFFFF800  }
0x8c: {  	[tilespmem:s22], [sflag:$0x5] =	stream.indirect.gather [hbm4b:s4+s14], $0x10, s3, s14, $0xb8;
	[tilespmem:$0xB800] =	vst v63  }
0x8d: {  	_ =	swait.ge [sflag:s8], $0x800  }
0x8e: {  	[sflag:s8] =	ssyncset.done $0x0  }
0x8f: {  	s3 =	sadd.s32 $0x680, s11;
	[sflag:s8] =	ssyncadd.s32 $0xFFFFF800  }
0x90: {  	[tilespmem:s24], [sflag:$0x6] =	stream.indirect.gather [hbm4b:s4+s14], $0x10, s3, s14, $0xb8;
	[tilespmem:$0xB800] =	vst v63  }
0x91: {  	_ =	swait.ge [sflag:s9], $0x800  }
0x92: {  	[sflag:s9] =	ssyncset.done $0x0  }
0x93: {  	s3 =	sadd.s32 $0x700, s11;
	[sflag:s9] =	ssyncadd.s32 $0xFFFFF800  }
0x94: {  	[tilespmem:s26], [sflag:$0x7] =	stream.indirect.gather [hbm4b:s4+s14], $0x10, s3, s14, $0xb8;
	[tilespmem:$0xB800] =	vst v63  }
.Ltmp3:
0x95: {  	_ = 	snop;
	(pc) =	sbr.rel .LBB2_2-.Ltmp3, $4  }
0x96: {  	_ =	swait.ge [sflag:s10], $0x800  }
0x97: {  	[sflag:s10] =	ssyncset.done $0x0  }
0x98: {  	s6 =	sadd.s32 $0x1000, s6;
	s12 =	sadd.s32 $0x780, s11;
	[sflag:s10] =	ssyncadd.s32 $0xFFFFF800  }
0x99: {  	[tilespmem:s29], [sflag:$0x8] =	stream.indirect.gather [hbm4b:s4+s14], $0x10, s12, s14, $0xb8;
	[tilespmem:$0xB800] =	vst v63  }
.LBB2_5:
0x9a: {  	_ =	sfence.sel $0x180000  }
0x9b: {  	[bflag:$0x0] =	sbarrier.arrive $0xFFFF  }
0x9c: {  	_ =	strace $0x9000004A  }
0x9d: {  	s0 =	stileid.u32;
	[bflag:$0x2] =	sbarrier.arrive $0xFFFF  }
0x9e: {  	p0 =	sne.s32 s0, $0x0;
	s0 =	rddreg [dreg:$0x2]  }
0x9f: {  	s0 =	sadd.s32 @!p0 $0x100000, s0  }
0xa0: {  	[sflag:s0] =	ssyncadd.tile.s32 @!p0 $0x1;
	_ =	shalt  }
.Lfunc_end2:
_tile_overlayer_lowered:
.L_overlay_start_2:
0xa1: {  	(tag) =	ssettag $0x2  }
0xa2: {  	s0 =	rddreg [dreg:$0x0];
	s2 =	stileid.u32  }
0xa3: {  	s1 =	rddreg [dreg:$0x1];
	p0 =	sne.s32 s2, $0x0  }
0xa4: {  	s3 =	rddreg [dreg:$0x2];
	[bflag:$0x3] =	sbarrier.arrive $0xFFFF;
	s2 =	simm.s32 @!p0 $0x1C11  }
0xa5: {  	[timem:s3], [sflag:s2] =	dma.local @!p0 [hbm:s0], s1  }
0xa6: {  	s0 =	simm.s32 @!p0 $0x11  }
0xa7: {  	_ =	swait.ge @!p0 [sflag:s0], s1  }
0xa8: {  	s1 =	ssub.s32 @!p0 $0x0, s1;
	[sflag:s0] =	ssyncset.done @!p0 $0x0  }
0xa9: {  	[sflag:s0] =	ssyncadd.s32 @!p0 s1  }
0xaa: {  	[bflag:$0x3] =	sbarrier.arrive $0xFFFF  }
0xab: {  	_ =	shalt  }

// kernel: kernel.14.cloned.1.call-start
scs
__scs_entry_jumppad:
0x0: {  	(pc) =	sbr.rel $0x88, $3  }
0x1: {  	(tag) =	ssettag $0x0;
	lr =	simm.s32 $0x1  }
0x2: {  	[smem:$0x3F9B] =	sst lr;
	_ =	strace $0xD0000000  }
0x3: {  	_ = 	snop  }
0x4: {  	_ = 	snop  }
0x5: {  	_ = 	snop  }
0x6: {  	_ = 	snop  }
0x7: {  	_ = 	snop  }
__scs_overlays_trampoline_lowered:
0x8: {  	[smem:$0x3FAA] =	sst s0  }
0x9: {  	[smem:$0x3FAB] =	sst s1  }
0xa: {  	[smem:$0x3FAC] =	sst s2  }
0xb: {  	[smem:$0x3FAD] =	sst s3  }
0xc: {  	[smem:$0x3FAE] =	sst s4  }
0xd: {  	[smem:$0x3FAF] =	sst s5  }
0xe: {  	[smem:$0x3FB0] =	sst s6  }
0xf: {  	[smem:$0x3FB1] =	sst s7  }
0x10: {  	[smem:$0x3FB2] =	sst s8  }
0x11: {  	[smem:$0x3FB3] =	sst s9;
	s0 =	simm.s32 @!p0 $0x0  }
0x12: {  	s1 =	sld [smem:$0x3F99];
	s0 =	simm.s32 @p0 $0x1  }
0x13: {  	[smem:$0x3FB4] =	sst s0;
	s0 =	simm.s32 @!p1 $0x0  }
0x14: {  	s2 =	sld [smem:$0x3F98];
	s0 =	simm.s32 @p1 $0x1  }
0x15: {  	[smem:$0x3FB5] =	sst s0;
	s0 =	simm.s32 @!p2 $0x0  }
0x16: {  	s3 =	sld [smem:$0x3FDB];
	s0 =	simm.s32 @p2 $0x1  }
0x17: {  	s4 =	simm.s32 $0x1BF5;
	[smem:$0x3FB7] =	sst s0  }
0x18: {  	s0 =	sld [smem:$0x3F9A];
	_ =	swait.ge [sflag:s4], $0x0  }
0x19: {  	s7 =	sld [smem:$0x3F9B]  }
0x1a: {  	s8 =	sadd.s32 $0xFFFFE003, lr  }
0x1b: {  	s9 =	sadd.s32 $0xFFFFFEF7, lr;
	s5 =	simm.s32 $0xFFFFFFFF;
	p2 =	slt.u32 s8, $0xFFFFF086  }
0x1c: {  	p1 =	slt.u32 s9, $0xF7A;
	s5 =	simm.s32 @!p2 $0x0  }
0x1d: {  	s5 =	simm.s32 @p1 $0x1;
	p0 =	seq.s32 s7, s2  }
0x1e: {  	s7 =	smul.u32 @!p0 $0xF7A, s2;
	p2 =	seq.s32 @!p0 s5, $0x0  }
0x1f: {  	s9 =	smul.u32 $0xF7A, s1;
	s8 =	simm.s32 @!p0 $0x1BF5;
	p2 =	por !p2, p0  }
0x20: {  	[sflag:s8] =	ssyncset.s32 @!p0 $0xFFFFF086;
	s6 =	sadd.s32 @!p0 s3, s7;
	s7 =	simm.s32 @!p0 $0x108  }
0x21: {  	s3 =	sadd.s32 s3, s9;
	s6 =	sadd.s32 @!p0 $0x88, s6;
	s7 =	simm.s32 @p2 $0x1082  }
0x22: {  	[simem:s7], [sflag:s8] =	dma.local @!p0 [hbm:s6], $0xF7A  }
0x23: {  	s9 =	sor.u32 $0xD0000000, s2;
	s6 =	simm.s32 $0x108;
	_ =	swait.ge @!p0 [sflag:s8], $0x0  }
0x24: {  	s3 =	sadd.s32 $0x88, s3;
	s6 =	simm.s32 @!p1 $0x1082;
	[sflag:s4] =	ssyncset.s32 $0xFFFFF086  }
0x25: {  	[simem:s6], [sflag:s4] =	dma.local [hbm:s3], $0xF7A  }
0x26: {  	[smem:$0x3F9B] =	sst s1;
	(tag) =	ssettag s2;
	_ =	strace s9  }
0x27: {  	s1 =	sld [smem:$0x3FAB]  }
0x28: {  	s2 =	sld [smem:$0x3FAC]  }
0x29: {  	s4 =	sld [smem:$0x3FAE]  }
0x2a: {  	p0 =	seq.s32 s5, $0x0;
	s5 =	sld [smem:$0x3FAF]  }
0x2b: {  	s6 =	sld [smem:$0x3FB0]  }
0x2c: {  	s7 =	sld [smem:$0x3FB1]  }
0x2d: {  	s3 =	simm.s32 $0x108;
	s8 =	sld [smem:$0x3FB2]  }
0x2e: {  	s3 =	simm.s32 @!p0 $0x1082;
	s9 =	sld [smem:$0x3FB3]  }
0x2f: {  	lr =	sadd.s32 s0, s3;
	s0 =	sld [smem:$0x3FAA]  }
0x30: {  	s3 =	sld [smem:$0x3FAD]  }
0x31: {  	[smem:$0x3FB6] =	sst s10  }
0x32: {  	s10 =	sld [smem:$0x3FB4];
	_ =	sdelay $0x3  }
0x33: {  	p0 =	seq.s32 s10, $0x1;
	s10 =	sld [smem:$0x3FB6];
	_ =	sdelay $0x3  }
0x34: {  	[smem:$0x3FB6] =	sst s10  }
0x35: {  	s10 =	sld [smem:$0x3FB5];
	_ =	sdelay $0x3  }
0x36: {  	p1 =	seq.s32 s10, $0x1;
	s10 =	sld [smem:$0x3FB6];
	_ =	sdelay $0x3  }
0x37: {  	[smem:$0x3FB6] =	sst s10  }
0x38: {  	s10 =	sld [smem:$0x3FB7]  }
0x39: {  	_ = 	snop;
	(pc) =	sbr.ind lr, $3  }
0x3a: {  	_ = 	snop  }
0x3b: {  	_ = 	snop  }
0x3c: {  	p2 =	seq.s32 s10, $0x1;
	s10 =	sld [smem:$0x3FB6]  }
0x3d: {  	_ =	shalt  }
0x3e: {  	_ =	shalt  }
0x3f: {  	_ =	shalt  }
0x40: {  	_ =	shalt  }
0x41: {  	_ =	shalt  }
0x42: {  	_ =	shalt  }
0x43: {  	_ =	shalt  }
0x44: {  	_ =	shalt  }
0x45: {  	_ =	shalt  }
0x46: {  	_ =	shalt  }
0x47: {  	_ =	shalt  }
0x48: {  	_ =	shalt  }
0x49: {  	_ =	shalt  }
0x4a: {  	_ =	shalt  }
0x4b: {  	_ =	shalt  }
0x4c: {  	_ =	shalt  }
0x4d: {  	_ =	shalt  }
0x4e: {  	_ =	shalt  }
0x4f: {  	_ =	shalt  }
0x50: {  	_ =	shalt  }
0x51: {  	_ =	shalt  }
0x52: {  	_ =	shalt  }
0x53: {  	_ =	shalt  }
0x54: {  	_ =	shalt  }
0x55: {  	_ =	shalt  }
0x56: {  	_ =	shalt  }
0x57: {  	_ =	shalt  }
0x58: {  	_ =	shalt  }
0x59: {  	_ =	shalt  }
0x5a: {  	_ =	shalt  }
0x5b: {  	_ =	shalt  }
0x5c: {  	_ =	shalt  }
0x5d: {  	_ =	shalt  }
0x5e: {  	_ =	shalt  }
0x5f: {  	_ =	shalt  }
0x60: {  	_ =	shalt  }
0x61: {  	_ =	shalt  }
0x62: {  	_ =	shalt  }
0x63: {  	_ =	shalt  }
0x64: {  	_ =	shalt  }
0x65: {  	_ =	shalt  }
0x66: {  	_ =	shalt  }
0x67: {  	_ =	shalt  }
0x68: {  	_ =	shalt  }
0x69: {  	_ =	shalt  }
0x6a: {  	_ =	shalt  }
0x6b: {  	_ =	shalt  }
0x6c: {  	_ =	shalt  }
0x6d: {  	_ =	shalt  }
0x6e: {  	_ =	shalt  }
0x6f: {  	_ =	shalt  }
0x70: {  	_ =	shalt  }
0x71: {  	_ =	shalt  }
0x72: {  	_ =	shalt  }
0x73: {  	_ =	shalt  }
0x74: {  	_ =	shalt  }
0x75: {  	_ =	shalt  }
0x76: {  	_ =	shalt  }
0x77: {  	_ =	shalt  }
0x78: {  	_ =	shalt  }
0x79: {  	_ =	shalt  }
0x7a: {  	_ =	shalt  }
0x7b: {  	_ =	shalt  }
0x7c: {  	_ =	shalt  }
0x7d: {  	_ =	shalt  }
0x7e: {  	_ =	shalt  }
0x7f: {  	_ =	shalt  }
0x80: {  	_ =	shalt  }
0x81: {  	_ =	shalt  }
0x82: {  	_ =	shalt  }
0x83: {  	_ =	shalt  }
0x84: {  	_ =	shalt  }
0x85: {  	_ =	shalt  }
0x86: {  	_ =	shalt  }
0x87: {  	_ =	shalt  }
.Lfunc_end0:
.L_simem_size_0:
called_computation.2_lowered:
.L_overlay_start_0:
0x88: {  	s2 =	sld [smem:$0x3FD9]  }
0x89: {  	s3 =	sld [smem:$0x3FFE];
	_ =	sdelay $0x1  }
0x8a: {  	s1 =	srdreg.scid  }
0x8b: {  	s0 =	sand.u32 $0x1, s1  }
0x8c: {  	s16 =	sshll.u32 s0, $0xA;
	s2 =	sadd.s32 s3, s2  }
0x8d: {  	s2 =	sadd.s32 s2, s16  }
0x8e: {  	[smem:$0x3FC2] =	sst s2  }
0x8f: {  	_ = 	snop  }
0x90: {  	(tm) =	ssettm $0x1  }
0x91: {  	s17 =	sld [smem:$0x3FFB];
	_ =	sdelay $0x3  }
0x92: {  	_ =	strace s17  }
0x93: {  	s2 =	sld [smem:$0x3FFC];
	_ =	sdelay $0x3  }
0x94: {  	_ =	strace s2  }
0x95: {  	s2 =	sld [smem:$0x3FFD];
	_ =	sdelay $0x3  }
0x96: {  	_ =	strace s2  }
0x97: {  	_ =	strace $0x8FFFFFFF  }
0x98: {  	s18 =	sld [smem:$0x3FDB];
	_ =	sdelay $0x1  }
0x99: {  	s19 =	simm.s32 $_scs_section_size  }
0x9a: {  	s4 =	simm.s32 $_size__tile_overlayer_lowered;
	s5 =	simm.s32 $_tile_overlayer_lowered  }
0x9b: {  	s22 =	simm.s32 $0x1BFF;
	s21 =	sshll.u32 s5, $0x1;
	s2 =	sadd.s32 s19, s18  }
0x9c: {  	s6 =	simm.s32 $0x0;
	s20 =	sshll.u32 s4, $0x1;
	s4 =	sadd.s32 s21, s2  }
0x9d: {  	[timem:s6], [sflag:s22] =	dma.local [hbm:s4], s20  }
0x9e: {  	_ =	swait.ge [sflag:s22], s20  }
0x9f: {  	s3 =	ssub.s32 $0x0, s20;
	[sflag:s22] =	ssyncset.done $0x0  }
0xa0: {  	[sflag:s22] =	ssyncadd.s32 s3;
	_ =	sdelay $0x1  }
0xa1: {  	s23 =	simm.s32 $0x1B8B  }
0xa2: {  	_ =	swait.ge [sflag:s23], $0x1  }
0xa3: {  	[sflag:s23] =	ssyncset.done $0x0  }
0xa4: {  	s25 =	simm.s32 $0x1B8E;
	s24 =	sld [smem:$0x3FFE];
	[sflag:s23] =	ssyncadd.s32 $0xFFFFFFFF  }
0xa5: {  	s26 =	simm.s32 $execute0_lowered;
	[smem:$0x3FD2] =	sst s25  }
0xa6: {  	s4 =	sshll.u32 s26, $0x1;
	_ =	strace $0x8000004C;
	[dreg:$0x1] =	wrdreg $0xFFFFFFFF  }
0xa7: {  	s28 =	simm.s32 $_size_execute0_lowered;
	s2 =	sadd.s32 s2, s4;
	[dreg:$0x0] =	wrdreg $0x0  }
0xa8: {  	s4 =	sshll.u32 s28, $0x1;
	[dreg:$0x2] =	wrdreg s2  }
0xa9: {  	[dreg:$0x3] =	wrdreg s4  }
0xaa: {  	[dreg:$0x4] =	wrdreg $0xC0  }
0xab: {  	_ =	task [dreg:s6], $0x5FFFF  }
0xac: {  	[dreg:$0x1] =	wrdreg $0xFFFFFFFF  }
0xad: {  	[dreg:$0x0] =	wrdreg $0x60  }
0xae: {  	[dreg:$0x2] =	wrdreg s24  }
0xaf: {  	[dreg:$0x3] =	wrdreg $0x90000  }
0xb0: {  	[dreg:$0x4] =	wrdreg $0x9  }
0xb1: {  	_ =	task.clear_ibuf [dreg:s6], $0x5FFFF;
	_ =	strace $0x9000004C  }
0xb2: {  	s29 =	simm.s32 $0x9;
	_ =	strace $0x8000004E  }
0xb3: {  	_ =	swait.ge [sflag:s29], $0x1  }
0xb4: {  	[sflag:s29] =	ssyncadd.s32 $0xFFFFFFFF  }
0xb5: {  	_ =	strace $0x9000004E  }
0xb6: {  	_ =	sfence  }
0xb7: {  	s30 =	sld [smem:$0x0];
	_ =	sdelay $0x2  }
0xb8: {  	s31 =	sshll.u32 s1, $0xD;
	s1 =	sshrl.u32 s1, $0x2  }
0xb9: {  	s3 =	sand.u32 $0x4000, s31;
	s1 =	sadd.s32 s1, s30  }
0xba: {  	s0 =	sor.u32 s3, s0;
	s1 =	sshll.u32 s1, $0x11  }
0xbb: {  	s0 =	sor.u32 s1, s0  }
0xbc: {  	s0 =	sadd.s32 $0x8F2B, s0  }
0xbd: {  	[sflag:s0] =	ssyncadd.remote.s32 $0x1  }
0xbe: {  	_ =	sfence.sel $0xFFFF  }
0xbf: {  	[dreg:$0x0] =	wrdreg $0xFFFFFFFF;
	(pc) =	sbr.abs _section_cstart, $3  }
0xc0: {  	[dreg:$0x1] =	wrdreg $0xFFFFFFFF  }
0xc1: {  	_ =	task.clear_ibuf [dreg:s6], $0x2FFFF;
	_ =	strace $0x9FFFFFFF  }
0xc2: {  	(tm) =	ssettm $0x7FFFFFFF  }
0xc3: {  	_ =	shalt  }
tec
execute0_lowered:
.L_overlay_start_1:
0x0: {  	(tag) =	ssettag $0x1  }
0x1: {  	s0 =	srdreg.scid;
	s3 =	rddreg [dreg:$0x0]  }
0x2: {  	s9 =	stileid.u32;
	s2 =	rddreg [dreg:$0x1]  }
0x3: {  	s4 =	simm.s32 $0x0;
	s14 =	simm.s32 $0x80;
	s15 =	simm.s32 $0x5000  }
0x4: {  	s16 =	simm.s32 $0x5800;
	s18 =	simm.s32 $0x6000;
	s20 =	simm.s32 $0x6800  }
0x5: {  	s22 =	simm.s32 $0x7000;
	s29 =	simm.s32 $0x8800;
	s30 =	simm.s32 $0x1  }
0x6: {  	s31 =	simm.s32 $0x2;
	s13 =	simm.s32 $0x5;
	s17 =	simm.s32 $0x6  }
0x7: {  	s19 =	simm.s32 $0x7;
	s21 =	simm.s32 $0x8;
	s28 =	simm.s32 $0xB  }
0x8: {  	s10 =	simm.s32 $0x10;
	s0 =	sand.u32 $0x1, s0;
	s5 =	smul.u32 $0x2800, s9  }
0x9: {  	[smem:$0x7FF] =	sst s4;
	s6 =	smul.u32 $0x500, s9;
	s4 =	sadd.s32 $0x15600, s3  }
0xa: {  	s24 =	sshll.u32 s9, $0x6;
	s1 =	sshll.u32 s0, $0x4;
	_ =	strace $0x8000004D  }
0xb: {  	s7 =	smul.u32 $0x5000, s0;
	s0 =	ssub.s32 $0x2, s0;
	s11 =	sor.u32 $0x1C11, s24  }
0xc: {  	s24 =	simm.s32 $0x7800;
	s1 =	sor.u32 s9, s1;
	s8 =	sshrl.u32 s5, $0x3  }
0xd: {  	s23 =	sshrl.u32 s0, $0x1;
	s5 =	sadd.s32 s5, s2;
	s9 =	simm.s32 $0xF  }
0xe: {  	[dreg:$0x4] =	wrdreg s11;
	s1 =	smul.u32 $0x500, s1;
	s8 =	sadd.s32 s8, s3  }
0xf: {  	s6 =	sadd.s32 s6, s7;
	s0 =	ssub.s32 s0, s23;
	s12 =	sshrl.u32 s5, $0x3  }
0x10: {  	s23 =	simm.s32 $0x9;
	s5 =	simm.s32 $0xC;
	s7 =	simm.s32 $0xD  }
0x11: {  	s25 =	sadd.s32 $0x63400, s8;
	s0 =	smax.u32 s0, $0x1;
	[dreg:$0x9] =	wrdreg s12  }
0x12: {  	s1 =	sadd.s32 s1, s3;
	s3 =	sadd.s32 s6, s3;
	[dreg:$0x3] =	wrdreg s25  }
.Ltmp0:
0x13: {  	[dreg:$0x8] =	wrdreg s0;
	s6 =	simm.s32 $0x0;
	(pc) =	sbr.rel .LBB2_1-.Ltmp0, $4  }
0x14: {  	s8 =	simm.s32 $0xE;
	s26 =	sadd.s32 $0xB600, s1;
	[dreg:$0xa] =	wrdreg s6  }
0x15: {  	s0 =	simm.s32 $0x4;
	s1 =	sadd.s32 $0x1600, s1;
	[dreg:$0x5] =	wrdreg s26  }
0x16: {  	s25 =	simm.s32 $0xA;
	s3 =	sadd.s32 $0x1E200, s3;
	[dreg:$0x6] =	wrdreg s1  }
0x17: {  	[dreg:$0x7] =	wrdreg s3;
	s26 =	simm.s32 $0x8000;
	s1 =	simm.s32 $0x3  }
.LBB2_4:
0x18: {  	_ =	swait.ge [sflag:s25], $0x800  }
0x19: {  	[sflag:s25] =	ssyncset.done $0x0  }
0x1a: {  	[sflag:s25] =	ssyncadd.s32 $0xFFFFF800  }
0x1b: {  	_ =	swait.ge [sflag:s28], $0x800  }
0x1c: {  	[sflag:s28] =	ssyncset.done $0x0  }
0x1d: {  	[sflag:s28] =	ssyncadd.s32 $0xFFFFF800  }
0x1e: {  	_ =	swait.ge [sflag:s5], $0x800  }
0x1f: {  	[sflag:s5] =	ssyncset.done $0x0  }
0x20: {  	[sflag:s5] =	ssyncadd.s32 $0xFFFFF800  }
0x21: {  	_ =	swait.ge [sflag:s7], $0x800  }
0x22: {  	[sflag:s7] =	ssyncset.done $0x0  }
0x23: {  	[sflag:s7] =	ssyncadd.s32 $0xFFFFF800  }
0x24: {  	_ =	swait.ge [sflag:s8], $0x800  }
0x25: {  	[sflag:s8] =	ssyncset.done $0x0  }
0x26: {  	[sflag:s8] =	ssyncadd.s32 $0xFFFFF800  }
0x27: {  	_ =	swait.ge [sflag:s9], $0x800  }
0x28: {  	[sflag:s9] =	ssyncset.done $0x0  }
0x29: {  	[sflag:s9] =	ssyncadd.s32 $0xFFFFF800  }
0x2a: {  	_ =	swait.ge [sflag:s10], $0x800  }
0x2b: {  	[sflag:s10] =	ssyncset.done $0x0  }
0x2c: {  	[sflag:s10] =	ssyncadd.s32 $0xFFFFF800  }
0x2d: {  	[bflag:$0x0] =	sbarrier.arrive $0xFFFF  }
0x2e: {  	s11 =	rddreg [dreg:$0x4]  }
0x2f: {  	s6 =	rddreg [dreg:$0x7]  }
0x30: {  	s12 =	rddreg [dreg:$0x9]  }
0x31: {  	[hbm:s6], [sflag:s11] =	dma.local [spmem:s12], $0x500  }
0x32: {  	s6 =	simm.s32 $0x11  }
0x33: {  	_ =	swait.ge [sflag:s6], $0x500  }
0x34: {  	s3 =	rddreg [dreg:$0xa]  }
0x35: {  	[sflag:s6] =	ssyncset.done $0x0;
	s6 =	rddreg [dreg:$0x8];
	s3 =	sadd.s32 $0x1, s3  }
0x36: {  	p0 =	sne.s32 s3, s6  }
.Ltmp1:
0x37: {  	_ = 	snop;
	(pc) =	sbr.rel @!p0 .LBB2_5-.Ltmp1, $3  }
0x38: {  	_ =	sdelay $0x1  }
0x39: {  	s6 =	simm.s32 $0x11  }
0x3a: {  	[dreg:$0xa] =	wrdreg s3;
	[sflag:s6] =	ssyncadd.s32 $0xFFFFFB00  }
.LBB2_1:
0x3b: {  	s3 =	simm.s32 $0x11;
	s6 =	rddreg [dreg:$0x3]  }
0x3c: {  	[spmem:s12], [sflag:s11] =	dma.local [hbm:s6], $0x500  }
0x3d: {  	_ =	swait.ge [sflag:s3], $0x500  }
0x3e: {  	[sflag:s3] =	ssyncset.done $0x0  }
0x3f: {  	s6 =	simm.s32 $0x0;
	s12 =	rddreg [dreg:$0x5];
	[sflag:s3] =	ssyncadd.s32 $0xFFFFFB00  }
0x40: {  	[tilespmem:s6], [sflag:$0x11] =	stream.linear.gather [hbm4b:s12+s6], $0x2800, $0x38;
	[tilespmem:$0xB800] =	vst v63  }
0x41: {  	_ =	swait.ge [sflag:s3], $0x2800  }
0x42: {  	[sflag:s3] =	ssyncset.done $0x0  }
0x43: {  	s12 =	simm.s32 $0x2800;
	s11 =	rddreg [dreg:$0x6];
	[sflag:s3] =	ssyncadd.s32 $0xFFFFD800  }
0x44: {  	[tilespmem:s12], [sflag:$0x11] =	stream.linear.gather [hbm4b:s11+s6], $0x2800, $0x38;
	[tilespmem:$0xB800] =	vst v63  }
0x45: {  	_ =	swait.ge [sflag:s3], $0x2800  }
0x46: {  	[sflag:s3] =	ssyncset.done $0x0  }
0x47: {  	[sflag:s3] =	ssyncadd.s32 $0xFFFFD800  }
0x48: {  	[bflag:$0x0] =	sbarrier.arrive $0xFFFF  }
0x49: {  	[tilespmem:s15], [sflag:$0x1] =	stream.indirect.gather [hbm4b:s4+s14], $0x10, s6, s14, $0xb8;
	[tilespmem:$0xB800] =	vst v63  }
0x4a: {  	_ = 	snop  }
0x4b: {  	[tilespmem:s16], [sflag:$0x2] =	stream.indirect.gather [hbm4b:s4+s14], $0x10, s14, s14, $0xb8;
	[tilespmem:$0xB800] =	vst v63  }
0x4c: {  	s6 =	simm.s32 $0x100  }
0x4d: {  	[tilespmem:s18], [sflag:$0x3] =	stream.indirect.gather [hbm4b:s4+s14], $0x10, s6, s14, $0xb8;
	[tilespmem:$0xB800] =	vst v63  }
0x4e: {  	s11 =	simm.s32 $0x180  }
0x4f: {  	[tilespmem:s20], [sflag:$0x4] =	stream.indirect.gather [hbm4b:s4+s14], $0x10, s11, s14, $0xb8;
	[tilespmem:$0xB800] =	vst v63  }
0x50: {  	s12 =	simm.s32 $0x200  }
0x51: {  	[tilespmem:s22], [sflag:$0x5] =	stream.indirect.gather [hbm4b:s4+s14], $0x10, s12, s14, $0xb8;
	[tilespmem:$0xB800] =	vst v63  }
0x52: {  	s6 =	simm.s32 $0x280  }
0x53: {  	[tilespmem:s24], [sflag:$0x6] =	stream.indirect.gather [hbm4b:s4+s14], $0x10, s6, s14, $0xb8;
	[tilespmem:$0xB800] =	vst v63  }
0x54: {  	s11 =	simm.s32 $0x300  }
0x55: {  	[tilespmem:s26], [sflag:$0x7] =	stream.indirect.gather [hbm4b:s4+s14], $0x10, s11, s14, $0xb8;
	[tilespmem:$0xB800] =	vst v63  }
0x56: {  	s12 =	simm.s32 $0x380;
	s6 =	simm.s32 $0x0  }
0x57: {  	[tilespmem:s29], [sflag:$0x8] =	stream.indirect.gather [hbm4b:s4+s14], $0x10, s12, s14, $0xb8;
	[tilespmem:$0xB800] =	vst v63  }
.LBB2_2:
0x58: {  	_ =	swait.ge [sflag:s30], $0x800  }
0x59: {  	s11 =	sshra.s32 s6, $0x2;
	[sflag:s30] =	ssyncset.done $0x0  }
0x5a: {  	s12 =	sadd.s32 $0x2800, s11;
	[sflag:s30] =	ssyncadd.s32 $0xFFFFF800  }
0x5b: {  	[spmem:s2] =	stream.indirect.scatter.add.f32 [tilespmem:s15], [sflag:$0x9], $0x10, s12, s14, $0xb8;
	[tilespmem:$0xB800] =	vst v63  }
0x5c: {  	_ =	swait.ge [sflag:s31], $0x800  }
0x5d: {  	[sflag:s31] =	ssyncset.done $0x0  }
0x5e: {  	s3 =	sadd.s32 $0x2880, s11;
	[sflag:s31] =	ssyncadd.s32 $0xFFFFF800  }
0x5f: {  	[spmem:s2] =	stream.indirect.scatter.add.f32 [tilespmem:s16], [sflag:$0xA], $0x10, s3, s14, $0xb8;
	[tilespmem:$0xB800] =	vst v63  }
0x60: {  	_ =	swait.ge [sflag:s1], $0x800  }
0x61: {  	[sflag:s1] =	ssyncset.done $0x0  }
0x62: {  	s3 =	sadd.s32 $0x2900, s11;
	[sflag:s1] =	ssyncadd.s32 $0xFFFFF800  }
0x63: {  	[spmem:s2] =	stream.indirect.scatter.add.f32 [tilespmem:s18], [sflag:$0xB], $0x10, s3, s14, $0xb8;
	[tilespmem:$0xB800] =	vst v63  }
0x64: {  	_ =	swait.ge [sflag:s0], $0x800  }
0x65: {  	[sflag:s0] =	ssyncset.done $0x0  }
0x66: {  	s3 =	sadd.s32 $0x2980, s11;
	[sflag:s0] =	ssyncadd.s32 $0xFFFFF800  }
0x67: {  	[spmem:s2] =	stream.indirect.scatter.add.f32 [tilespmem:s20], [sflag:$0xC], $0x10, s3, s14, $0xb8;
	[tilespmem:$0xB800] =	vst v63  }
0x68: {  	_ =	swait.ge [sflag:s13], $0x800  }
0x69: {  	[sflag:s13] =	ssyncset.done $0x0  }
0x6a: {  	s3 =	sadd.s32 $0x2A00, s11;
	[sflag:s13] =	ssyncadd.s32 $0xFFFFF800  }
0x6b: {  	[spmem:s2] =	stream.indirect.scatter.add.f32 [tilespmem:s22], [sflag:$0xD], $0x10, s3, s14, $0xb8;
	[tilespmem:$0xB800] =	vst v63  }
0x6c: {  	_ =	swait.ge [sflag:s17], $0x800  }
0x6d: {  	[sflag:s17] =	ssyncset.done $0x0  }
0x6e: {  	s3 =	sadd.s32 $0x2A80, s11;
	[sflag:s17] =	ssyncadd.s32 $0xFFFFF800  }
0x6f: {  	[spmem:s2] =	stream.indirect.scatter.add.f32 [tilespmem:s24], [sflag:$0xE], $0x10, s3, s14, $0xb8;
	[tilespmem:$0xB800] =	vst v63  }
0x70: {  	_ =	swait.ge [sflag:s19], $0x800  }
0x71: {  	[sflag:s19] =	ssyncset.done $0x0  }
0x72: {  	s3 =	sadd.s32 $0x2B00, s11;
	[sflag:s19] =	ssyncadd.s32 $0xFFFFF800  }
0x73: {  	[spmem:s2] =	stream.indirect.scatter.add.f32 [tilespmem:s26], [sflag:$0xF], $0x10, s3, s14, $0xb8;
	[tilespmem:$0xB800] =	vst v63  }
0x74: {  	_ =	swait.ge [sflag:s21], $0x800  }
0x75: {  	p0 =	seq.s32 s6, $0x9000;
	[sflag:s21] =	ssyncset.done $0x0  }
.Ltmp2:
0x76: {  	s3 =	sadd.s32 $0x2B80, s11;
	[sflag:s21] =	ssyncadd.s32 $0xFFFFF800;
	(pc) =	sbr.rel @p0 .LBB2_4-.Ltmp2, $4  }
0x77: {  	[spmem:s2] =	stream.indirect.scatter.add.f32 [tilespmem:s29], [sflag:$0x10], $0x10, s3, s14, $0xb8;
	[tilespmem:$0xB800] =	vst v63  }
0x78: {  	_ =	swait.ge [sflag:s23], $0x800  }
0x79: {  	[sflag:s23] =	ssyncset.done $0x0  }
0x7a: {  	[sflag:s23] =	ssyncadd.s32 $0xFFFFF800  }
0x7b: {  	s12 =	sadd.s32 $0x400, s11  }
0x7c: {  	[tilespmem:s15], [sflag:$0x1] =	stream.indirect.gather [hbm4b:s4+s14], $0x10, s12, s14, $0xb8;
	[tilespmem:$0xB800] =	vst v63  }
0x7d: {  	_ =	swait.ge [sflag:s25], $0x800  }
0x7e: {  	[sflag:s25] =	ssyncset.done $0x0  }
0x7f: {  	s3 =	sadd.s32 $0x480, s11;
	[sflag:s25] =	ssyncadd.s32 $0xFFFFF800  }
0x80: {  	[tilespmem:s16], [sflag:$0x2] =	stream.indirect.gather [hbm4b:s4+s14], $0x10, s3, s14, $0xb8;
	[tilespmem:$0xB800] =	vst v63  }
0x81: {  	_ =	swait.ge [sflag:s28], $0x800  }
0x82: {  	[sflag:s28] =	ssyncset.done $0x0  }
0x83: {  	s3 =	sadd.s32 $0x500, s11;
	[sflag:s28] =	ssyncadd.s32 $0xFFFFF800  }
0x84: {  	[tilespmem:s18], [sflag:$0x3] =	stream.indirect.gather [hbm4b:s4+s14], $0x10, s3, s14, $0xb8;
	[tilespmem:$0xB800] =	vst v63  }
0x85: {  	_ =	swait.ge [sflag:s5], $0x800  }
0x86: {  	[sflag:s5] =	ssyncset.done $0x0  }
0x87: {  	s3 =	sadd.s32 $0x580, s11;
	[sflag:s5] =	ssyncadd.s32 $0xFFFFF800  }
0x88: {  	[tilespmem:s20], [sflag:$0x4] =	stream.indirect.gather [hbm4b:s4+s14], $0x10, s3, s14, $0xb8;
	[tilespmem:$0xB800] =	vst v63  }
0x89: {  	_ =	swait.ge [sflag:s7], $0x800  }
0x8a: {  	[sflag:s7] =	ssyncset.done $0x0  }
0x8b: {  	s3 =	sadd.s32 $0x600, s11;
	[sflag:s7] =	ssyncadd.s32 $0xFFFFF800  }
0x8c: {  	[tilespmem:s22], [sflag:$0x5] =	stream.indirect.gather [hbm4b:s4+s14], $0x10, s3, s14, $0xb8;
	[tilespmem:$0xB800] =	vst v63  }
0x8d: {  	_ =	swait.ge [sflag:s8], $0x800  }
0x8e: {  	[sflag:s8] =	ssyncset.done $0x0  }
0x8f: {  	s3 =	sadd.s32 $0x680, s11;
	[sflag:s8] =	ssyncadd.s32 $0xFFFFF800  }
0x90: {  	[tilespmem:s24], [sflag:$0x6] =	stream.indirect.gather [hbm4b:s4+s14], $0x10, s3, s14, $0xb8;
	[tilespmem:$0xB800] =	vst v63  }
0x91: {  	_ =	swait.ge [sflag:s9], $0x800  }
0x92: {  	[sflag:s9] =	ssyncset.done $0x0  }
0x93: {  	s3 =	sadd.s32 $0x700, s11;
	[sflag:s9] =	ssyncadd.s32 $0xFFFFF800  }
0x94: {  	[tilespmem:s26], [sflag:$0x7] =	stream.indirect.gather [hbm4b:s4+s14], $0x10, s3, s14, $0xb8;
	[tilespmem:$0xB800] =	vst v63  }
.Ltmp3:
0x95: {  	_ = 	snop;
	(pc) =	sbr.rel .LBB2_2-.Ltmp3, $4  }
0x96: {  	_ =	swait.ge [sflag:s10], $0x800  }
0x97: {  	[sflag:s10] =	ssyncset.done $0x0  }
0x98: {  	s6 =	sadd.s32 $0x1000, s6;
	s12 =	sadd.s32 $0x780, s11;
	[sflag:s10] =	ssyncadd.s32 $0xFFFFF800  }
0x99: {  	[tilespmem:s29], [sflag:$0x8] =	stream.indirect.gather [hbm4b:s4+s14], $0x10, s12, s14, $0xb8;
	[tilespmem:$0xB800] =	vst v63  }
.LBB2_5:
0x9a: {  	_ =	sfence.sel $0x180000  }
0x9b: {  	[bflag:$0x0] =	sbarrier.arrive $0xFFFF  }
0x9c: {  	_ =	strace $0x9000004D  }
0x9d: {  	s0 =	stileid.u32;
	[bflag:$0x2] =	sbarrier.arrive $0xFFFF  }
0x9e: {  	p0 =	sne.s32 s0, $0x0;
	s0 =	rddreg [dreg:$0x2]  }
0x9f: {  	s0 =	sadd.s32 @!p0 $0x100000, s0  }
0xa0: {  	[sflag:s0] =	ssyncadd.tile.s32 @!p0 $0x1;
	_ =	shalt  }
.Lfunc_end2:
_tile_overlayer_lowered:
.L_overlay_start_2:
0xa1: {  	(tag) =	ssettag $0x2  }
0xa2: {  	s0 =	rddreg [dreg:$0x0];
	s2 =	stileid.u32  }
0xa3: {  	s1 =	rddreg [dreg:$0x1];
	p0 =	sne.s32 s2, $0x0  }
0xa4: {  	s3 =	rddreg [dreg:$0x2];
	[bflag:$0x3] =	sbarrier.arrive $0xFFFF;
	s2 =	simm.s32 @!p0 $0x1C11  }
0xa5: {  	[timem:s3], [sflag:s2] =	dma.local @!p0 [hbm:s0], s1  }
0xa6: {  	s0 =	simm.s32 @!p0 $0x11  }
0xa7: {  	_ =	swait.ge @!p0 [sflag:s0], s1  }
0xa8: {  	s1 =	ssub.s32 @!p0 $0x0, s1;
	[sflag:s0] =	ssyncset.done @!p0 $0x0  }
0xa9: {  	[sflag:s0] =	ssyncadd.s32 @!p0 s1  }
0xaa: {  	[bflag:$0x3] =	sbarrier.arrive $0xFFFF  }
0xab: {  	_ =	shalt  }

// kernel: kernel.8.cloned.1.call-start
scs
__scs_entry_jumppad:
0x0: {  	(pc) =	sbr.rel $0x88, $3  }
0x1: {  	(tag) =	ssettag $0x0;
	lr =	simm.s32 $0x1  }
0x2: {  	[smem:$0x3F9B] =	sst lr;
	_ =	strace $0xD0000000  }
0x3: {  	_ = 	snop  }
0x4: {  	_ = 	snop  }
0x5: {  	_ = 	snop  }
0x6: {  	_ = 	snop  }
0x7: {  	_ = 	snop  }
__scs_overlays_trampoline_lowered:
0x8: {  	[smem:$0x3FAA] =	sst s0  }
0x9: {  	[smem:$0x3FAB] =	sst s1  }
0xa: {  	[smem:$0x3FAC] =	sst s2  }
0xb: {  	[smem:$0x3FAD] =	sst s3  }
0xc: {  	[smem:$0x3FAE] =	sst s4  }
0xd: {  	[smem:$0x3FAF] =	sst s5  }
0xe: {  	[smem:$0x3FB0] =	sst s6  }
0xf: {  	[smem:$0x3FB1] =	sst s7  }
0x10: {  	[smem:$0x3FB2] =	sst s8  }
0x11: {  	[smem:$0x3FB3] =	sst s9;
	s0 =	simm.s32 @!p0 $0x0  }
0x12: {  	s1 =	sld [smem:$0x3F99];
	s0 =	simm.s32 @p0 $0x1  }
0x13: {  	[smem:$0x3FB4] =	sst s0;
	s0 =	simm.s32 @!p1 $0x0  }
0x14: {  	s2 =	sld [smem:$0x3F98];
	s0 =	simm.s32 @p1 $0x1  }
0x15: {  	[smem:$0x3FB5] =	sst s0;
	s0 =	simm.s32 @!p2 $0x0  }
0x16: {  	s3 =	sld [smem:$0x3FDB];
	s0 =	simm.s32 @p2 $0x1  }
0x17: {  	s4 =	simm.s32 $0x1BF5;
	[smem:$0x3FB7] =	sst s0  }
0x18: {  	s0 =	sld [smem:$0x3F9A];
	_ =	swait.ge [sflag:s4], $0x0  }
0x19: {  	s7 =	sld [smem:$0x3F9B]  }
0x1a: {  	s8 =	sadd.s32 $0xFFFFE003, lr  }
0x1b: {  	s9 =	sadd.s32 $0xFFFFFEF7, lr;
	s5 =	simm.s32 $0xFFFFFFFF;
	p2 =	slt.u32 s8, $0xFFFFF086  }
0x1c: {  	p1 =	slt.u32 s9, $0xF7A;
	s5 =	simm.s32 @!p2 $0x0  }
0x1d: {  	s5 =	simm.s32 @p1 $0x1;
	p0 =	seq.s32 s7, s2  }
0x1e: {  	s7 =	smul.u32 @!p0 $0xF7A, s2;
	p2 =	seq.s32 @!p0 s5, $0x0  }
0x1f: {  	s9 =	smul.u32 $0xF7A, s1;
	s8 =	simm.s32 @!p0 $0x1BF5;
	p2 =	por !p2, p0  }
0x20: {  	[sflag:s8] =	ssyncset.s32 @!p0 $0xFFFFF086;
	s6 =	sadd.s32 @!p0 s3, s7;
	s7 =	simm.s32 @!p0 $0x108  }
0x21: {  	s3 =	sadd.s32 s3, s9;
	s6 =	sadd.s32 @!p0 $0x88, s6;
	s7 =	simm.s32 @p2 $0x1082  }
0x22: {  	[simem:s7], [sflag:s8] =	dma.local @!p0 [hbm:s6], $0xF7A  }
0x23: {  	s9 =	sor.u32 $0xD0000000, s2;
	s6 =	simm.s32 $0x108;
	_ =	swait.ge @!p0 [sflag:s8], $0x0  }
0x24: {  	s3 =	sadd.s32 $0x88, s3;
	s6 =	simm.s32 @!p1 $0x1082;
	[sflag:s4] =	ssyncset.s32 $0xFFFFF086  }
0x25: {  	[simem:s6], [sflag:s4] =	dma.local [hbm:s3], $0xF7A  }
0x26: {  	[smem:$0x3F9B] =	sst s1;
	(tag) =	ssettag s2;
	_ =	strace s9  }
0x27: {  	s1 =	sld [smem:$0x3FAB]  }
0x28: {  	s2 =	sld [smem:$0x3FAC]  }
0x29: {  	s4 =	sld [smem:$0x3FAE]  }
0x2a: {  	p0 =	seq.s32 s5, $0x0;
	s5 =	sld [smem:$0x3FAF]  }
0x2b: {  	s6 =	sld [smem:$0x3FB0]  }
0x2c: {  	s7 =	sld [smem:$0x3FB1]  }
0x2d: {  	s3 =	simm.s32 $0x108;
	s8 =	sld [smem:$0x3FB2]  }
0x2e: {  	s3 =	simm.s32 @!p0 $0x1082;
	s9 =	sld [smem:$0x3FB3]  }
0x2f: {  	lr =	sadd.s32 s0, s3;
	s0 =	sld [smem:$0x3FAA]  }
0x30: {  	s3 =	sld [smem:$0x3FAD]  }
0x31: {  	[smem:$0x3FB6] =	sst s10  }
0x32: {  	s10 =	sld [smem:$0x3FB4];
	_ =	sdelay $0x3  }
0x33: {  	p0 =	seq.s32 s10, $0x1;
	s10 =	sld [smem:$0x3FB6];
	_ =	sdelay $0x3  }
0x34: {  	[smem:$0x3FB6] =	sst s10  }
0x35: {  	s10 =	sld [smem:$0x3FB5];
	_ =	sdelay $0x3  }
0x36: {  	p1 =	seq.s32 s10, $0x1;
	s10 =	sld [smem:$0x3FB6];
	_ =	sdelay $0x3  }
0x37: {  	[smem:$0x3FB6] =	sst s10  }
0x38: {  	s10 =	sld [smem:$0x3FB7]  }
0x39: {  	_ = 	snop;
	(pc) =	sbr.ind lr, $3  }
0x3a: {  	_ = 	snop  }
0x3b: {  	_ = 	snop  }
0x3c: {  	p2 =	seq.s32 s10, $0x1;
	s10 =	sld [smem:$0x3FB6]  }
0x3d: {  	_ =	shalt  }
0x3e: {  	_ =	shalt  }
0x3f: {  	_ =	shalt  }
0x40: {  	_ =	shalt  }
0x41: {  	_ =	shalt  }
0x42: {  	_ =	shalt  }
0x43: {  	_ =	shalt  }
0x44: {  	_ =	shalt  }
0x45: {  	_ =	shalt  }
0x46: {  	_ =	shalt  }
0x47: {  	_ =	shalt  }
0x48: {  	_ =	shalt  }
0x49: {  	_ =	shalt  }
0x4a: {  	_ =	shalt  }
0x4b: {  	_ =	shalt  }
0x4c: {  	_ =	shalt  }
0x4d: {  	_ =	shalt  }
0x4e: {  	_ =	shalt  }
0x4f: {  	_ =	shalt  }
0x50: {  	_ =	shalt  }
0x51: {  	_ =	shalt  }
0x52: {  	_ =	shalt  }
0x53: {  	_ =	shalt  }
0x54: {  	_ =	shalt  }
0x55: {  	_ =	shalt  }
0x56: {  	_ =	shalt  }
0x57: {  	_ =	shalt  }
0x58: {  	_ =	shalt  }
0x59: {  	_ =	shalt  }
0x5a: {  	_ =	shalt  }
0x5b: {  	_ =	shalt  }
0x5c: {  	_ =	shalt  }
0x5d: {  	_ =	shalt  }
0x5e: {  	_ =	shalt  }
0x5f: {  	_ =	shalt  }
0x60: {  	_ =	shalt  }
0x61: {  	_ =	shalt  }
0x62: {  	_ =	shalt  }
0x63: {  	_ =	shalt  }
0x64: {  	_ =	shalt  }
0x65: {  	_ =	shalt  }
0x66: {  	_ =	shalt  }
0x67: {  	_ =	shalt  }
0x68: {  	_ =	shalt  }
0x69: {  	_ =	shalt  }
0x6a: {  	_ =	shalt  }
0x6b: {  	_ =	shalt  }
0x6c: {  	_ =	shalt  }
0x6d: {  	_ =	shalt  }
0x6e: {  	_ =	shalt  }
0x6f: {  	_ =	shalt  }
0x70: {  	_ =	shalt  }
0x71: {  	_ =	shalt  }
0x72: {  	_ =	shalt  }
0x73: {  	_ =	shalt  }
0x74: {  	_ =	shalt  }
0x75: {  	_ =	shalt  }
0x76: {  	_ =	shalt  }
0x77: {  	_ =	shalt  }
0x78: {  	_ =	shalt  }
0x79: {  	_ =	shalt  }
0x7a: {  	_ =	shalt  }
0x7b: {  	_ =	shalt  }
0x7c: {  	_ =	shalt  }
0x7d: {  	_ =	shalt  }
0x7e: {  	_ =	shalt  }
0x7f: {  	_ =	shalt  }
0x80: {  	_ =	shalt  }
0x81: {  	_ =	shalt  }
0x82: {  	_ =	shalt  }
0x83: {  	_ =	shalt  }
0x84: {  	_ =	shalt  }
0x85: {  	_ =	shalt  }
0x86: {  	_ =	shalt  }
0x87: {  	_ =	shalt  }
.Lfunc_end0:
.L_simem_size_0:
called_computation_lowered:
.L_overlay_start_0:
0x88: {  	s2 =	sld [smem:$0x3FD9]  }
0x89: {  	s3 =	sld [smem:$0x3FFE];
	_ =	sdelay $0x1  }
0x8a: {  	s1 =	srdreg.scid  }
0x8b: {  	s0 =	sand.u32 $0x1, s1  }
0x8c: {  	s17 =	sshll.u32 s0, $0xA;
	s2 =	sadd.s32 s3, s2  }
0x8d: {  	s2 =	sadd.s32 s2, s17  }
0x8e: {  	[smem:$0x3FC2] =	sst s2  }
0x8f: {  	_ = 	snop  }
0x90: {  	s2 =	sld [smem:$0x3FD0];
	(tm) =	ssettm $0x1  }
0x91: {  	s18 =	sld [smem:$0x3FFB];
	_ =	sdelay $0x3  }
0x92: {  	_ =	strace s18  }
0x93: {  	s3 =	sld [smem:$0x3FFC];
	_ =	sdelay $0x3  }
0x94: {  	_ =	strace s3  }
0x95: {  	s3 =	sld [smem:$0x3FFD];
	_ =	sdelay $0x3  }
0x96: {  	_ =	strace s3  }
0x97: {  	_ =	strace $0x8FFFFFFF  }
0x98: {  	s19 =	sld [smem:$0x3FDB];
	_ =	sdelay $0x1  }
0x99: {  	s4 =	simm.s32 $_scs_section_size  }
0x9a: {  	s5 =	simm.s32 $_size__tile_overlayer_lowered;
	s6 =	simm.s32 $_tile_overlayer_lowered  }
0x9b: {  	s22 =	simm.s32 $0x1BFF;
	s21 =	sshll.u32 s6, $0x1;
	s3 =	sadd.s32 s4, s19  }
0x9c: {  	s7 =	simm.s32 $0x0;
	s20 =	sshll.u32 s5, $0x1;
	s5 =	sadd.s32 s21, s3  }
0x9d: {  	[timem:s7], [sflag:s22] =	dma.local [hbm:s5], s20  }
0x9e: {  	_ =	swait.ge [sflag:s22], s20  }
0x9f: {  	s4 =	ssub.s32 $0x0, s20;
	[sflag:s22] =	ssyncset.done $0x0  }
0xa0: {  	[sflag:s22] =	ssyncadd.s32 s4;
	_ =	sdelay $0x1  }
0xa1: {  	s23 =	simm.s32 $0x1B8B  }
0xa2: {  	_ =	swait.ge [sflag:s23], $0x1  }
0xa3: {  	[sflag:s23] =	ssyncset.done $0x0  }
0xa4: {  	s25 =	simm.s32 $0x1B8E;
	s24 =	sld [smem:$0x3FFE];
	[sflag:s23] =	ssyncadd.s32 $0xFFFFFFFF  }
0xa5: {  	s26 =	simm.s32 $execute0_lowered;
	[smem:$0x3FD2] =	sst s25  }
0xa6: {  	s5 =	sshll.u32 s26, $0x1;
	_ =	strace $0x80000046;
	[dreg:$0x1] =	wrdreg $0xFFFFFFFF  }
0xa7: {  	s28 =	simm.s32 $_size_execute0_lowered;
	s3 =	sadd.s32 s3, s5;
	[dreg:$0x0] =	wrdreg $0x0  }
0xa8: {  	s5 =	sshll.u32 s28, $0x1;
	[dreg:$0x2] =	wrdreg s3  }
0xa9: {  	[dreg:$0x3] =	wrdreg s5  }
0xaa: {  	[dreg:$0x4] =	wrdreg $0xC0  }
0xab: {  	_ =	task [dreg:s7], $0x5FFFF  }
0xac: {  	[dreg:$0x1] =	wrdreg $0xFFFFFFFF  }
0xad: {  	[dreg:$0x0] =	wrdreg $0x60  }
0xae: {  	[dreg:$0x2] =	wrdreg s24  }
0xaf: {  	[dreg:$0x3] =	wrdreg s2  }
0xb0: {  	[dreg:$0x4] =	wrdreg $0x28800  }
0xb1: {  	[dreg:$0x5] =	wrdreg $0x9  }
0xb2: {  	_ =	task.clear_ibuf [dreg:s7], $0x6FFFF;
	_ =	strace $0x90000046  }
0xb3: {  	s29 =	simm.s32 $0x9;
	_ =	strace $0x80000048  }
0xb4: {  	_ =	swait.ge [sflag:s29], $0x1  }
0xb5: {  	[sflag:s29] =	ssyncadd.s32 $0xFFFFFFFF  }
0xb6: {  	_ =	strace $0x90000048  }
0xb7: {  	_ =	sfence  }
0xb8: {  	s30 =	sld [smem:$0x0];
	_ =	sdelay $0x2  }
0xb9: {  	s31 =	sshll.u32 s1, $0xD;
	s1 =	sshrl.u32 s1, $0x2  }
0xba: {  	s3 =	sand.u32 $0x4000, s31;
	s1 =	sadd.s32 s1, s30  }
0xbb: {  	s0 =	sor.u32 s3, s0;
	s1 =	sshll.u32 s1, $0x11  }
0xbc: {  	s0 =	sor.u32 s1, s0  }
0xbd: {  	s0 =	sadd.s32 $0x8F2B, s0  }
0xbe: {  	[sflag:s0] =	ssyncadd.remote.s32 $0x1  }
0xbf: {  	_ =	sfence.sel $0xFFFF  }
0xc0: {  	[dreg:$0x0] =	wrdreg $0xFFFFFFFF;
	(pc) =	sbr.abs _section_cstart, $3  }
0xc1: {  	[dreg:$0x1] =	wrdreg $0xFFFFFFFF  }
0xc2: {  	_ =	task.clear_ibuf [dreg:s7], $0x2FFFF;
	_ =	strace $0x9FFFFFFF  }
0xc3: {  	(tm) =	ssettm $0x7FFFFFFF  }
tec
execute0_lowered:
.L_overlay_start_1:
0x0: {  	(tag) =	ssettag $0x1  }
0x1: {  	s4 =	rddreg [dreg:$0x0]  }
0x2: {  	s7 =	rddreg [dreg:$0x1]  }
0x3: {  	s1 =	rddreg [dreg:$0x2]  }
0x4: {  	s2 =	srdreg.scid;
	s0 =	rddreg [dreg:$0x3]  }
0x5: {  	s3 =	simm.s32 $0x0;
	s12 =	simm.s32 $0x2800;
	s13 =	simm.s32 $0x0  }
0x6: {  	s5 =	sand.u32 $0x1, s2;
	s2 =	stileid.u32;
	[smem:$0x7FF] =	sst s3  }
0x7: {  	s6 =	sshll.u32 s5, $0x4;
	s8 =	smul.u32 $0x280, s2;
	_ =	strace $0x80000047  }
0x8: {  	s10 =	ssub.s32 $0x2, s5;
	s5 =	smul.u32 $0x2800, s5;
	s6 =	sor.u32 s2, s6  }
0x9: {  	s31 =	sshll.u32 s2, $0x6;
	s29 =	sshrl.u32 s10, $0x1;
	s6 =	smul.u32 $0x500, s6  }
0xa: {  	s9 =	sshrl.u32 s8, $0x3;
	s30 =	sadd.s32 s8, s1;
	s5 =	sadd.s32 s8, s5  }
0xb: {  	s11 =	sshrl.u32 s5, $0x3;
	s5 =	sor.u32 $0x1C01, s31;
	s6 =	sadd.s32 s6, s4  }
0xc: {  	s4 =	sadd.s32 s9, s4;
	s9 =	ssub.s32 s10, s29;
	s7 =	sadd.s32 s7, s11  }
0xd: {  	s10 =	simm.s32 $0x1;
	s11 =	simm.s32 $0x80;
	s4 =	sadd.s32 $0x15600, s4  }
0xe: {  	v0 =	vimm.f32 $1.000000000e+00;
	s6 =	sadd.s32 $0x1600, s6;
	s8 =	smax.u32 s9, $0x1;
	s9 =	sshrl.u32 s30, $0x3  }
.LBB2_1:
0xf: {  	[tilespmem:$0x2800] =	vst v0  }
0x10: {  	[tilespmem:$0x2810] =	vst v0  }
0x11: {  	[tilespmem:$0x2820] =	vst v0  }
0x12: {  	[tilespmem:$0x2830] =	vst v0  }
0x13: {  	[tilespmem:$0x2840] =	vst v0  }
0x14: {  	[tilespmem:$0x2850] =	vst v0  }
0x15: {  	[tilespmem:$0x2860] =	vst v0  }
0x16: {  	[tilespmem:$0x2870] =	vst v0  }
0x17: {  	[spmem:s9], [sflag:s5] =	dma.local [hbm:s4], $0x50  }
0x18: {  	_ =	swait.ge [sflag:s10], $0x50  }
0x19: {  	[sflag:s10] =	ssyncset.done $0x0  }
0x1a: {  	[sflag:s10] =	ssyncadd.s32 $0xFFFFFFB0  }
0x1b: {  	[tilespmem:s3], [sflag:$0x1] =	stream.linear.gather [hbm4b:s6+s3], $0x2800, $0x38;
	[tilespmem:$0x2B00] =	vst v63  }
0x1c: {  	_ =	swait.ge [sflag:s10], $0x2800  }
0x1d: {  	[sflag:s10] =	ssyncset.done $0x0  }
0x1e: {  	[sflag:s10] =	ssyncadd.s32 $0xFFFFD800  }
0x1f: {  	s14 =	simm.s32 $0x0;
	[bflag:$0x0] =	sbarrier.arrive $0xFFFF  }
0x20: {  	[spmem:s1] =	stream.indirect.scatter.add.f32 [tilespmem:s12], [sflag:$0x1], $0x1, s14, s11, $0xb8;
	[tilespmem:$0x2B00] =	vst v63  }
0x21: {  	_ =	swait.ge [sflag:s10], $0x80  }
0x22: {  	s14 =	simm.s32 $0x200;
	[sflag:s10] =	ssyncset.done $0x0  }
.LBB2_2:
0x23: {  	s15 =	sshra.s32 s14, $0x2;
	[sflag:s10] =	ssyncadd.s32 $0xFFFFFF80;
	p0 =	sne.s32 s14, $0x9E00  }
0x24: {  	[spmem:s1] =	stream.indirect.scatter.add.f32 [tilespmem:s12], [sflag:$0x1], $0x1, s15, s11, $0xb8;
	[tilespmem:$0x2B00] =	vst v63  }
.Ltmp0:
0x25: {  	_ = 	snop;
	(pc) =	sbr.rel @p0 .LBB2_2-.Ltmp0, $4  }
0x26: {  	_ = 	snop  }
0x27: {  	s14 =	sadd.s32 $0x200, s14  }
0x28: {  	_ =	swait.ge [sflag:s10], $0x80  }
0x29: {  	[sflag:s10] =	ssyncset.done $0x0  }
0x2a: {  	s13 =	sadd.s32 $0x1, s13  }
0x2b: {  	[sflag:s10] =	ssyncadd.s32 $0xFFFFFF80;
	p0 =	sne.s32 s13, s8  }
.Ltmp1:
0x2c: {  	[bflag:$0x0] =	sbarrier.arrive $0xFFFF;
	(pc) =	sbr.rel @p0 .LBB2_1-.Ltmp1, $4  }
0x2d: {  	[hbm:s7], [sflag:s5] =	dma.local [spmem:s9], $0x50  }
0x2e: {  	_ =	swait.ge [sflag:s10], $0x50  }
0x2f: {  	[sflag:s10] =	ssyncset.done $0x0  }
0x30: {  	[sflag:s10] =	ssyncadd.s32 $0xFFFFFFB0  }
0x31: {  	_ =	sfence.sel $0x180000  }
0x32: {  	[bflag:$0x0] =	sbarrier.arrive $0xFFFF  }
0x33: {  	p0 =	sne.s32 s2, $0x0;
	_ =	strace $0x90000047  }
0x34: {  	s0 =	sadd.s32 @!p0 $0x100000, s0;
	[bflag:$0x2] =	sbarrier.arrive $0xFFFF  }
0x35: {  	[sflag:s0] =	ssyncadd.tile.s32 @!p0 $0x1;
	_ =	shalt  }
.Lfunc_end2:
_tile_overlayer_lowered:
.L_overlay_start_2:
0x36: {  	(tag) =	ssettag $0x2  }
0x37: {  	s0 =	rddreg [dreg:$0x0];
	s2 =	stileid.u32  }
0x38: {  	s1 =	rddreg [dreg:$0x1];
	p0 =	sne.s32 s2, $0x0  }
0x39: {  	s3 =	rddreg [dreg:$0x2];
	[bflag:$0x3] =	sbarrier.arrive $0xFFFF;
	s2 =	simm.s32 @!p0 $0x1C01  }
0x3a: {  	[timem:s3], [sflag:s2] =	dma.local @!p0 [hbm:s0], s1  }
0x3b: {  	s0 =	simm.s32 @!p0 $0x1  }
0x3c: {  	_ =	swait.ge @!p0 [sflag:s0], s1  }
0x3d: {  	s1 =	ssub.s32 @!p0 $0x0, s1;
	[sflag:s0] =	ssyncset.done @!p0 $0x0  }
0x3e: {  	[sflag:s0] =	ssyncadd.s32 @!p0 s1  }
0x3f: {  	[bflag:$0x3] =	sbarrier.arrive $0xFFFF  }
0x40: {  	_ =	shalt  }

</sc_bundles>
